<compile_context>
chip_gen: v7x
topology: tpu7x:2x2x1
jax: 0.10.2.dev20260603
libtpu: 0.0.44.dev20260713+nightly
codegen_flags: <defaults>
</compile_context>

<pallas_src>
import functools

import jax
import jax.numpy as jnp
from jax import lax
from jax.experimental import pallas as pl
from jax.experimental.pallas import tpu as pltpu
from jax.experimental.pallas import tpu_sc as plsc

N = 10000
D = 128
NPAD = 10240
NC = 2
NS = 16
NW = NC * NS
E = 320000
CH = 128
EPW = NPAD
NCHUNK = EPW // CH
EPAD = NW * EPW
ZR = NPAD // NS
DEGW = 128
BLK = 1000
GRID = N // BLK

_mesh = plsc.VectorSubcoreMesh(
    core_axis_name="c", subcore_axis_name="s", num_cores=NC, num_subcores=NS)



@functools.partial(
    pl.kernel,
    out_type=jax.ShapeDtypeStruct((NC, NPAD, DEGW), jnp.float32),
    mesh=_mesh,
    scratch_types=[
        pltpu.VMEM((NCHUNK, CH), jnp.int32),
        pltpu.VMEM((CH, DEGW), jnp.float32),
        pltpu.VMEM_SHARED((NPAD, DEGW), jnp.float32),
    ],
)
def _sc_deg(dst3_hbm, ones_hbm, zdeg_hbm, out_hbm, dstv, ones, acc):
    c = lax.axis_index("c")
    s = lax.axis_index("s")
    wid = c * NS + s
    pltpu.sync_copy(ones_hbm, ones)
    pltpu.sync_copy(dst3_hbm.at[wid], dstv)
    pltpu.sync_copy(zdeg_hbm, acc.at[pl.ds(s * ZR, ZR)])
    plsc.subcore_barrier()

    def body(j, _):
        pltpu.sync_copy(ones, acc.at[dstv.at[j]], add=True)
        return 0

    lax.fori_loop(0, NCHUNK, body, 0)
    plsc.subcore_barrier()
    pltpu.sync_copy(acc.at[pl.ds(s * ZR, ZR)], out_hbm.at[c, pl.ds(s * ZR, ZR)])


@functools.partial(
    pl.kernel,
    out_type=jax.ShapeDtypeStruct((NC, NPAD, D), jnp.float32),
    mesh=_mesh,
    scratch_types=[
        pltpu.VMEM((NCHUNK // 2, CH), jnp.int32),
        pltpu.VMEM((NCHUNK // 2, CH), jnp.int32),
        pltpu.VMEM((CH, D), jnp.float32),
        pltpu.VMEM((CH, D), jnp.float32),
        pltpu.VMEM_SHARED((NPAD, D), jnp.float32),
        pltpu.SemaphoreType.DMA,
        pltpu.SemaphoreType.DMA,
        pltpu.SemaphoreType.DMA,
        pltpu.SemaphoreType.DMA,
    ],
)
def _sc_agg(src3_hbm, dst3_hbm, rows_hbm, zrow_hbm, out_hbm,
            srcv, dstv, buf0, buf1, acc, sem0, sem1, sem2, sem3):
    c = lax.axis_index("c")
    s = lax.axis_index("s")
    wid = c * NS + s
    pltpu.sync_copy(zrow_hbm, acc.at[pl.ds(s * ZR, ZR)])
    plsc.subcore_barrier()

    for half in range(2):
        hbase = half * (NCHUNK // 2)
        pltpu.sync_copy(src3_hbm.at[wid, pl.ds(hbase, NCHUNK // 2)], srcv)
        pltpu.sync_copy(dst3_hbm.at[wid, pl.ds(hbase, NCHUNK // 2)], dstv)

        def body(t, _):
            j0 = 4 * t
            g0 = pltpu.async_copy(rows_hbm.at[srcv.at[j0]], buf0, sem0)
            g1 = pltpu.async_copy(rows_hbm.at[srcv.at[j0 + 1]], buf1, sem1)
            g0.wait()
            s0 = pltpu.async_copy(buf0, acc.at[dstv.at[j0]], sem2, add=True)
            g1.wait()
            s1 = pltpu.async_copy(buf1, acc.at[dstv.at[j0 + 1]], sem3, add=True)
            s0.wait()
            g2 = pltpu.async_copy(rows_hbm.at[srcv.at[j0 + 2]], buf0, sem0)
            s1.wait()
            g3 = pltpu.async_copy(rows_hbm.at[srcv.at[j0 + 3]], buf1, sem1)
            g2.wait()
            s2 = pltpu.async_copy(buf0, acc.at[dstv.at[j0 + 2]], sem2, add=True)
            g3.wait()
            s3 = pltpu.async_copy(buf1, acc.at[dstv.at[j0 + 3]], sem3, add=True)
            s2.wait()
            s3.wait()
            return 0

        lax.fori_loop(0, NCHUNK // 8, body, 0)
    plsc.subcore_barrier()
    pltpu.sync_copy(acc.at[pl.ds(s * ZR, ZR)], out_hbm.at[c, pl.ds(s * ZR, ZR)])



def _prep_body(x_ref, w1_ref, degp_ref, xs_ref, dinv_ref):
    p = jnp.dot(x_ref[...], w1_ref[...], preferred_element_type=jnp.float32)
    deg = degp_ref[0, :, 0] + degp_ref[1, :, 0] + 1.0
    dinv = lax.rsqrt(deg)
    xs_ref[...] = p * dinv[:, None]
    dinv_ref[...] = jnp.broadcast_to(dinv[:, None], dinv_ref.shape)


def _mid_body(aggp_ref, xs_ref, dinv_ref, b1_ref, hs_ref):
    agg = aggp_ref[0] + aggp_ref[1]
    dinv = dinv_ref[:, 0:1]
    h = jnp.maximum(dinv * (agg + xs_ref[...]) + b1_ref[...], 0.0)
    hs_ref[...] = h * dinv


def _final_body(aggp_ref, hs_ref, dinv_ref, wmu_ref, bmu_ref, wls_ref, bls_ref,
                decw_ref, decb_ref, mask_ref, mu_ref, ls_ref, expr_ref):
    agg = aggp_ref[0] + aggp_ref[1]
    dinv = dinv_ref[:, 0:1]
    g = dinv * (agg + hs_ref[...])
    mu = jnp.dot(g, wmu_ref[...], preferred_element_type=jnp.float32) + bmu_ref[...]
    mu_ref[...] = mu
    ls_ref[...] = jnp.dot(g, wls_ref[...], preferred_element_type=jnp.float32) + bls_ref[...]
    t = jnp.dot(mu, decw_ref[...] * mask_ref[...],
                preferred_element_type=jnp.float32) + decb_ref[...]
    t = t - jnp.max(t, axis=-1, keepdims=True)
    e = jnp.exp(t)
    expr_ref[...] = e / jnp.sum(e, axis=-1, keepdims=True)


def _adj_body(a_ref, b_ref, out_ref):
    out_ref[...] = lax.dot_general(
        a_ref[...], b_ref[...], (((1,), (1,)), ((), ())),
        preferred_element_type=jnp.float32)


_prep = pl.pallas_call(
    _prep_body,
    grid=(GRID,),
    in_specs=[
        pl.BlockSpec((BLK, D), lambda i: (i, 0)),
        pl.BlockSpec((D, D), lambda i: (0, 0)),
        pl.BlockSpec((NC, BLK, DEGW), lambda i: (0, i, 0)),
    ],
    out_specs=[
        pl.BlockSpec((BLK, D), lambda i: (i, 0)),
        pl.BlockSpec((BLK, 8), lambda i: (i, 0)),
    ],
    out_shape=[
        jax.ShapeDtypeStruct((N, D), jnp.float32),
        jax.ShapeDtypeStruct((N, 8), jnp.float32),
    ],
)

_mid = pl.pallas_call(
    _mid_body,
    grid=(GRID,),
    in_specs=[
        pl.BlockSpec((NC, BLK, D), lambda i: (0, i, 0)),
        pl.BlockSpec((BLK, D), lambda i: (i, 0)),
        pl.BlockSpec((BLK, 8), lambda i: (i, 0)),
        pl.BlockSpec((1, D), lambda i: (0, 0)),
    ],
    out_specs=pl.BlockSpec((BLK, D), lambda i: (i, 0)),
    out_shape=jax.ShapeDtypeStruct((N, D), jnp.float32),
)

_final = pl.pallas_call(
    _final_body,
    grid=(GRID,),
    in_specs=[
        pl.BlockSpec((NC, BLK, D), lambda i: (0, i, 0)),
        pl.BlockSpec((BLK, D), lambda i: (i, 0)),
        pl.BlockSpec((BLK, 8), lambda i: (i, 0)),
        pl.BlockSpec((D, 32), lambda i: (0, 0)),
        pl.BlockSpec((1, 32), lambda i: (0, 0)),
        pl.BlockSpec((D, 32), lambda i: (0, 0)),
        pl.BlockSpec((1, 32), lambda i: (0, 0)),
        pl.BlockSpec((32, D), lambda i: (0, 0)),
        pl.BlockSpec((1, D), lambda i: (0, 0)),
        pl.BlockSpec((32, D), lambda i: (0, 0)),
    ],
    out_specs=[
        pl.BlockSpec((BLK, 32), lambda i: (i, 0)),
        pl.BlockSpec((BLK, 32), lambda i: (i, 0)),
        pl.BlockSpec((BLK, D), lambda i: (i, 0)),
    ],
    out_shape=[
        jax.ShapeDtypeStruct((N, 32), jnp.float32),
        jax.ShapeDtypeStruct((N, 32), jnp.float32),
        jax.ShapeDtypeStruct((N, D), jnp.float32),
    ],
)

ABLK = 400
AGRID = N // ABLK

_adj = pl.pallas_call(
    _adj_body,
    grid=(AGRID,),
    in_specs=[
        pl.BlockSpec((ABLK, 32), lambda i: (i, 0)),
        pl.BlockSpec((N, 32), lambda i: (0, 0)),
    ],
    out_specs=pl.BlockSpec((ABLK, N), lambda i: (i, 0)),
    out_shape=jax.ShapeDtypeStruct((N, N), jnp.float32),
)


def kernel(x, edge_index, W1, b1, Wmu, bmu, Wls, bls, decW, decb, dec_mask):
    src = edge_index[0]
    dst = edge_index[1]
    pad = EPAD - E
    pad_i = jnp.arange(pad, dtype=jnp.int32)
    src3 = jnp.concatenate([src, pad_i % N]).reshape(NW, NCHUNK, CH)
    dst3 = jnp.concatenate([dst, N + pad_i % (NPAD - N)]).reshape(NW, NCHUNK, CH)
    zdeg = jnp.zeros((ZR, DEGW), jnp.float32)
    zrow = jnp.zeros((ZR, D), jnp.float32)

    ones = jnp.ones((CH, DEGW), jnp.float32)
    degp = _sc_deg(dst3, ones, zdeg)
    xs, dinv = _prep(x, W1, degp)
    agg1p = _sc_agg(src3, dst3, xs, zrow)
    hs = _mid(agg1p, xs, dinv, b1.reshape(1, D))
    agg2p = _sc_agg(src3, dst3, hs, zrow)
    mu, logstd, expr = _final(
        agg2p, hs, dinv, Wmu, bmu.reshape(1, 32), Wls, bls.reshape(1, 32),
        decW, decb.reshape(1, D), dec_mask)
    adj = _adj(mu, mu)
    return (adj, expr, mu, logstd)

# --- scband reference (transcript-rebuilt; emitter-appended) ---
"""Pipeline reference for scband-vgpgae-18210661335634 (READ-ONLY COPY).

The authoritative reference and input builder live on the scoring server;
editing this copy changes nothing except your own understanding.
"""

import jax
import jax.numpy as jnp
import numpy as np

N = 10000
E = 320000
D_IN = 128
D_HID = 128
D_LAT = 32
D_OUT = 128


def setup_inputs(seed: int = 0):
    key = jax.random.key(seed)
    ks = jax.random.split(key, 12)
    x = jax.random.normal(ks[0], (N, D_IN), dtype=jnp.float32)
    edge_index = jax.random.randint(ks[1], (2, E), 0, N, dtype=jnp.int32)
    W1 = jax.random.normal(ks[2], (D_IN, D_HID), dtype=jnp.float32) / np.sqrt(D_IN)
    b1 = jnp.zeros((D_HID,), dtype=jnp.float32)
    Wmu = jax.random.normal(ks[3], (D_HID, D_LAT), dtype=jnp.float32) / np.sqrt(D_HID)
    bmu = jnp.zeros((D_LAT,), dtype=jnp.float32)
    Wls = jax.random.normal(ks[4], (D_HID, D_LAT), dtype=jnp.float32) / np.sqrt(D_HID)
    bls = jnp.zeros((D_LAT,), dtype=jnp.float32)
    decW = jax.random.normal(ks[5], (D_LAT, D_OUT), dtype=jnp.float32) / np.sqrt(D_LAT)
    decb = jnp.zeros((D_OUT,), dtype=jnp.float32)
    dec_mask = jnp.ones((D_LAT, D_OUT), dtype=jnp.float32)
    return {
        'x': x,
        'edge_index': edge_index,
        'W1': W1, 'b1': b1,
        'Wmu': Wmu, 'bmu': bmu,
        'Wls': Wls, 'bls': bls,
        'decW': decW, 'decb': decb,
        'dec_mask': dec_mask,
    }


def _gcn(x, src, dst, dinv, W, b):
    # PyG-style GCNConv: symmetric norm with self-loops, aggregate at dst
    h = x @ W
    coef = (dinv[src] * dinv[dst])[:, None]
    out = jax.ops.segment_sum(h[src] * coef, dst, num_segments=N)
    return out + b


def reference(x, edge_index, W1, b1, Wmu, bmu, Wls, bls, decW, decb, dec_mask):
    src = edge_index[0]
    dst = edge_index[1]
    loops = jnp.arange(N, dtype=src.dtype)
    src = jnp.concatenate([src, loops])
    dst = jnp.concatenate([dst, loops])
    deg = jax.ops.segment_sum(jnp.ones(dst.shape[0], dtype=jnp.float32), dst, num_segments=N)
    dinv = jnp.where(deg > 0, jax.lax.rsqrt(deg), 0.0)
    # GCNEncoder: shared hidden GCN layer + relu, then GCN heads for mu / logstd
    h = jax.nn.relu(_gcn(x, src, dst, dinv, W1, b1))
    mu = _gcn(h, src, dst, dinv, Wmu, bmu)
    logstd = _gcn(h, src, dst, dinv, Wls, bls)
    # eval-mode reparameterization: z = mu (no stochastic eps for determinism)
    z = mu
    # DotProductGraphDecoder (dropout_rate=0.0)
    adj_recon_logits = z @ z.T
    # MaskedFCExprDecoder (expiMap-style masked linear + softmax over genes)
    expr_decoder_output = jax.nn.softmax(z @ (decW * dec_mask) + decb, axis=-1)
    return (adj_recon_logits, expr_decoder_output, mu, logstd)

if __name__ == "__main__":
    import jax
    _d = setup_inputs()
    print(jax.jit(kernel)(*tuple(_d.values())))

</pallas_src>

<mosaic_0001>
#map = affine_map<(d0, d1) -> (0, 0, 0)>
#map1 = affine_map<(d0, d1) -> (0, 0)>
module attributes {stable_mosaic.version = 14 : i64} {
  func.func @_sc_deg(%arg0: i32, %arg1: i32, %arg2: memref<32x80x128xi32, #tpu.memory_space<hbm>>, %arg3: memref<128x128xf32, #tpu.memory_space<hbm>>, %arg4: memref<640x128xf32, #tpu.memory_space<hbm>>, %arg5: memref<2x10240x128xf32, #tpu.memory_space<hbm>>, %arg6: memref<80x128xi32, #tpu.memory_space<vmem>>, %arg7: memref<128x128xf32, #tpu.memory_space<vmem>>, %arg8: memref<10240x128xf32, #tpu.memory_space<vmem_shared>>) attributes {dimension_semantics = [#tpu.dimension_semantics<core_parallel>, #tpu.dimension_semantics<subcore_parallel>], iteration_bounds = array<i64: 2, 16>, scalar_prefetch = 0 : i64, scratch_operands = 3 : i64, tpu.core_type = #tpu.core_type<sc_vector_subcore>, window_params = [{transform_indices = #map}, {transform_indices = #map1}, {transform_indices = #map1}, {transform_indices = #map}]} {
    %mul3A = arith.constant 16 : i32
    %mul3A_0 = arith.muli %arg0, %mul3A : i32
    %add3A = arith.addi %mul3A_0, %arg1 : i32
    "tpu.region"() ({
      %run_scoped3A = tpu.sem_alloc : memref<!tpu.dma_semaphore, #tpu.memory_space<semaphore_mem>>
      tpu.enqueue_dma source(%arg3 : memref<128x128xf32, #tpu.memory_space<hbm>>) target(%arg7 : memref<128x128xf32, #tpu.memory_space<vmem>>) target_semaphore(%run_scoped3A : memref<!tpu.dma_semaphore, #tpu.memory_space<semaphore_mem>>)
      tpu.wait_dma2 semaphore(%run_scoped3A : memref<!tpu.dma_semaphore, #tpu.memory_space<semaphore_mem>>) src(%arg3 : memref<128x128xf32, #tpu.memory_space<hbm>>) dst(%arg7 : memref<128x128xf32, #tpu.memory_space<vmem>>)
      tpu.yield
    }) : () -> ()
    "tpu.region"() ({
      %run_scoped3A = tpu.sem_alloc : memref<!tpu.dma_semaphore, #tpu.memory_space<semaphore_mem>>
      %dma_start3A = arith.constant 0 : i32
      %dma_start3A_14 = arith.constant 0 : i32
      %dma_start3A_15 = tpu.memref_slice %arg2[%add3A, %dma_start3A, %dma_start3A_14] : memref<32x80x128xi32, #tpu.memory_space<hbm>> -> memref<1x80x128xi32, #tpu.memory_space<hbm>>
      %dma_start3A_16 = tpu.memref_squeeze %dma_start3A_15 : memref<1x80x128xi32, #tpu.memory_space<hbm>> -> memref<80x128xi32, #tpu.memory_space<hbm>>
      %dma_start3A_17 = arith.constant 0 : i32
      %dma_start3A_18 = arith.constant 0 : i32
      %dma_start3A_19 = tpu.memref_slice %arg2[%add3A, %dma_start3A_17, %dma_start3A_18] : memref<32x80x128xi32, #tpu.memory_space<hbm>> -> memref<1x80x128xi32, #tpu.memory_space<hbm>>
      %dma_start3A_20 = tpu.memref_squeeze %dma_start3A_19 : memref<1x80x128xi32, #tpu.memory_space<hbm>> -> memref<80x128xi32, #tpu.memory_space<hbm>>
      tpu.enqueue_dma source(%dma_start3A_20 : memref<80x128xi32, #tpu.memory_space<hbm>>) target(%arg6 : memref<80x128xi32, #tpu.memory_space<vmem>>) target_semaphore(%run_scoped3A : memref<!tpu.dma_semaphore, #tpu.memory_space<semaphore_mem>>)
      %dma_wait3A = arith.constant 0 : i32
      %dma_wait3A_21 = arith.constant 0 : i32
      %dma_wait3A_22 = tpu.memref_slice %arg2[%add3A, %dma_wait3A, %dma_wait3A_21] : memref<32x80x128xi32, #tpu.memory_space<hbm>> -> memref<1x80x128xi32, #tpu.memory_space<hbm>>
      %dma_wait3A_23 = tpu.memref_squeeze %dma_wait3A_22 : memref<1x80x128xi32, #tpu.memory_space<hbm>> -> memref<80x128xi32, #tpu.memory_space<hbm>>
      %dma_wait3A_24 = arith.constant 0 : i32
      %dma_wait3A_25 = arith.constant 0 : i32
      %dma_wait3A_26 = tpu.memref_slice %arg2[%add3A, %dma_wait3A_24, %dma_wait3A_25] : memref<32x80x128xi32, #tpu.memory_space<hbm>> -> memref<1x80x128xi32, #tpu.memory_space<hbm>>
      %dma_wait3A_27 = tpu.memref_squeeze %dma_wait3A_26 : memref<1x80x128xi32, #tpu.memory_space<hbm>> -> memref<80x128xi32, #tpu.memory_space<hbm>>
      tpu.wait_dma2 semaphore(%run_scoped3A : memref<!tpu.dma_semaphore, #tpu.memory_space<semaphore_mem>>) src(%dma_wait3A_27 : memref<80x128xi32, #tpu.memory_space<hbm>>) dst(%arg6 : memref<80x128xi32, #tpu.memory_space<vmem>>)
      tpu.yield
    }) : () -> ()
    %mul3A_1 = arith.constant 640 : i32
    %mul3A_2 = arith.muli %arg1, %mul3A_1 : i32
    "tpu.region"() ({
      %run_scoped3A = tpu.sem_alloc : memref<!tpu.dma_semaphore, #tpu.memory_space<semaphore_mem>>
      %dma_start3A = arith.constant 0 : i32
      %dma_start3A_14 = tpu.memref_slice %arg8[%mul3A_2, %dma_start3A] : memref<10240x128xf32, #tpu.memory_space<vmem_shared>> -> memref<640x128xf32, #tpu.memory_space<vmem_shared>>
      tpu.enqueue_dma source(%arg4 : memref<640x128xf32, #tpu.memory_space<hbm>>) target(%dma_start3A_14 : memref<640x128xf32, #tpu.memory_space<vmem_shared>>) target_semaphore(%run_scoped3A : memref<!tpu.dma_semaphore, #tpu.memory_space<semaphore_mem>>)
      %dma_wait3A = arith.constant 0 : i32
      %dma_wait3A_15 = tpu.memref_slice %arg8[%mul3A_2, %dma_wait3A] : memref<10240x128xf32, #tpu.memory_space<vmem_shared>> -> memref<640x128xf32, #tpu.memory_space<vmem_shared>>
      tpu.wait_dma2 semaphore(%run_scoped3A : memref<!tpu.dma_semaphore, #tpu.memory_space<semaphore_mem>>) src(%arg4 : memref<640x128xf32, #tpu.memory_space<hbm>>) dst(%dma_wait3A_15 : memref<640x128xf32, #tpu.memory_space<vmem_shared>>)
      tpu.yield
    }) : () -> ()
    %barrier3A = arith.constant 0 : index
    tpu.barrier barrier_id(%barrier3A)
    %scan3A = arith.constant 0 : i32
    %scan3A_3 = arith.constant 0 : i32
    %scan3A_4 = arith.constant 80 : i32
    %scan3A_5 = arith.addi %scan3A_3, %scan3A_4 : i32
    %scan3A_6 = arith.constant 1 : i32
    %scan3A_7 = scf.for %scan3A_14 = %scan3A_3 to %scan3A_5 step %scan3A_6 iter_args(%scan3A_15 = %scan3A) -> (i32)  : i32 {
      "tpu.region"() ({
        %run_scoped3A = tpu.sem_alloc : memref<!tpu.dma_semaphore, #tpu.memory_space<semaphore_mem>>
        %dma_start3A = arith.constant 0 : i32
        %dma_start3A_17 = tpu.memref_slice %arg6[%scan3A_14, %dma_start3A] : memref<80x128xi32, #tpu.memory_space<vmem>> -> memref<1x128xi32, #tpu.memory_space<vmem>>
        %dma_start3A_18 = tpu.memref_squeeze %dma_start3A_17 : memref<1x128xi32, #tpu.memory_space<vmem>> -> memref<128xi32, #tpu.memory_space<vmem>>
        %dma_start3A_19 = arith.constant 0 : i32
        %dma_start3A_20 = arith.constant 0 : i32
        %dma_start3A_21 = tpu.memref_slice %arg8[%dma_start3A_19, %dma_start3A_20] : memref<10240x128xf32, #tpu.memory_space<vmem_shared>> -> memref<10240x128xf32, #tpu.memory_space<vmem_shared>>
        tpu.enqueue_indirect_dma source(%arg7 : memref<128x128xf32, #tpu.memory_space<vmem>>) target(%dma_start3A_21 : memref<10240x128xf32, #tpu.memory_space<vmem_shared>>) offsets(%dma_start3A_18 : memref<128xi32, #tpu.memory_space<vmem>>) semaphore(%run_scoped3A : memref<!tpu.dma_semaphore, #tpu.memory_space<semaphore_mem>>) {add = true}
        %dma_wait3A = arith.constant 0 : i32
        %dma_wait3A_22 = tpu.memref_slice %arg6[%scan3A_14, %dma_wait3A] : memref<80x128xi32, #tpu.memory_space<vmem>> -> memref<1x128xi32, #tpu.memory_space<vmem>>
        %dma_wait3A_23 = tpu.memref_squeeze %dma_wait3A_22 : memref<1x128xi32, #tpu.memory_space<vmem>> -> memref<128xi32, #tpu.memory_space<vmem>>
        %dma_wait3A_24 = arith.constant 0 : i32
        %dma_wait3A_25 = arith.constant 0 : i32
        %dma_wait3A_26 = tpu.memref_slice %arg8[%dma_wait3A_24, %dma_wait3A_25] : memref<10240x128xf32, #tpu.memory_space<vmem_shared>> -> memref<10240x128xf32, #tpu.memory_space<vmem_shared>>
        tpu.wait_indirect_dma semaphore(%run_scoped3A : memref<!tpu.dma_semaphore, #tpu.memory_space<semaphore_mem>>) src(%arg7 : memref<128x128xf32, #tpu.memory_space<vmem>>) dst(%dma_wait3A_26 : memref<10240x128xf32, #tpu.memory_space<vmem_shared>>)
        tpu.yield
      }) : () -> ()
      %scan3A_16 = arith.constant 0 : i32
      scf.yield %scan3A_16 : i32
    }
    %scan3A_8 = arith.constant 80 : i32
    %barrier3A_9 = arith.constant 0 : index
    tpu.barrier barrier_id(%barrier3A_9)
    %mul3A_10 = arith.constant 640 : i32
    %mul3A_11 = arith.muli %arg1, %mul3A_10 : i32
    %mul3A_12 = arith.constant 640 : i32
    %mul3A_13 = arith.muli %arg1, %mul3A_12 : i32
    "tpu.region"() ({
      %run_scoped3A = tpu.sem_alloc : memref<!tpu.dma_semaphore, #tpu.memory_space<semaphore_mem>>
      %dma_start3A = arith.constant 0 : i32
      %dma_start3A_14 = tpu.memref_slice %arg5[%arg0, %mul3A_13, %dma_start3A] : memref<2x10240x128xf32, #tpu.memory_space<hbm>> -> memref<1x640x128xf32, #tpu.memory_space<hbm>>
      %dma_start3A_15 = tpu.memref_squeeze %dma_start3A_14 : memref<1x640x128xf32, #tpu.memory_space<hbm>> -> memref<640x128xf32, #tpu.memory_space<hbm>>
      %dma_start3A_16 = arith.constant 0 : i32
      %dma_start3A_17 = tpu.memref_slice %arg8[%mul3A_11, %dma_start3A_16] : memref<10240x128xf32, #tpu.memory_space<vmem_shared>> -> memref<640x128xf32, #tpu.memory_space<vmem_shared>>
      tpu.enqueue_dma source(%dma_start3A_17 : memref<640x128xf32, #tpu.memory_space<vmem_shared>>) target(%dma_start3A_15 : memref<640x128xf32, #tpu.memory_space<hbm>>) target_semaphore(%run_scoped3A : memref<!tpu.dma_semaphore, #tpu.memory_space<semaphore_mem>>)
      %dma_wait3A = arith.constant 0 : i32
      %dma_wait3A_18 = tpu.memref_slice %arg5[%arg0, %mul3A_13, %dma_wait3A] : memref<2x10240x128xf32, #tpu.memory_space<hbm>> -> memref<1x640x128xf32, #tpu.memory_space<hbm>>
      %dma_wait3A_19 = tpu.memref_squeeze %dma_wait3A_18 : memref<1x640x128xf32, #tpu.memory_space<hbm>> -> memref<640x128xf32, #tpu.memory_space<hbm>>
      %dma_wait3A_20 = arith.constant 0 : i32
      %dma_wait3A_21 = tpu.memref_slice %arg8[%mul3A_11, %dma_wait3A_20] : memref<10240x128xf32, #tpu.memory_space<vmem_shared>> -> memref<640x128xf32, #tpu.memory_space<vmem_shared>>
      tpu.wait_dma2 semaphore(%run_scoped3A : memref<!tpu.dma_semaphore, #tpu.memory_space<semaphore_mem>>) src(%dma_wait3A_21 : memref<640x128xf32, #tpu.memory_space<vmem_shared>>) dst(%dma_wait3A_19 : memref<640x128xf32, #tpu.memory_space<hbm>>)
      tpu.yield
    }) : () -> ()
    return
  }
}

#map = affine_map<(d0, d1) -> (0, 0, 0)>
#map1 = affine_map<(d0, d1) -> (0, 0)>
module attributes {stable_mosaic.version = 14 : i64} {
  func.func @_sc_agg(%arg0: i32, %arg1: i32, %arg2: memref<32x80x128xi32, #tpu.memory_space<hbm>>, %arg3: memref<32x80x128xi32, #tpu.memory_space<hbm>>, %arg4: memref<10000x128xf32, #tpu.memory_space<hbm>>, %arg5: memref<640x128xf32, #tpu.memory_space<hbm>>, %arg6: memref<2x10240x128xf32, #tpu.memory_space<hbm>>, %arg7: memref<40x128xi32, #tpu.memory_space<vmem>>, %arg8: memref<40x128xi32, #tpu.memory_space<vmem>>, %arg9: memref<128x128xf32, #tpu.memory_space<vmem>>, %arg10: memref<128x128xf32, #tpu.memory_space<vmem>>, %arg11: memref<10240x128xf32, #tpu.memory_space<vmem_shared>>, %arg12: memref<!tpu.dma_semaphore, #tpu.memory_space<semaphore_mem>>, %arg13: memref<!tpu.dma_semaphore, #tpu.memory_space<semaphore_mem>>, %arg14: memref<!tpu.dma_semaphore, #tpu.memory_space<semaphore_mem>>, %arg15: memref<!tpu.dma_semaphore, #tpu.memory_space<semaphore_mem>>) attributes {dimension_semantics = [#tpu.dimension_semantics<core_parallel>, #tpu.dimension_semantics<subcore_parallel>], iteration_bounds = array<i64: 2, 16>, scalar_prefetch = 0 : i64, scratch_operands = 9 : i64, tpu.core_type = #tpu.core_type<sc_vector_subcore>, window_params = [{transform_indices = #map}, {transform_indices = #map}, {transform_indices = #map1}, {transform_indices = #map1}, {transform_indices = #map}]} {
    %mul3A = arith.constant 16 : i32
    %mul3A_0 = arith.muli %arg0, %mul3A : i32
    %add3A = arith.addi %mul3A_0, %arg1 : i32
    %mul3A_1 = arith.constant 640 : i32
    %mul3A_2 = arith.muli %arg1, %mul3A_1 : i32
    "tpu.region"() ({
      %run_scoped3A = tpu.sem_alloc : memref<!tpu.dma_semaphore, #tpu.memory_space<semaphore_mem>>
      %dma_start3A = arith.constant 0 : i32
      %dma_start3A_21 = tpu.memref_slice %arg11[%mul3A_2, %dma_start3A] : memref<10240x128xf32, #tpu.memory_space<vmem_shared>> -> memref<640x128xf32, #tpu.memory_space<vmem_shared>>
      tpu.enqueue_dma source(%arg5 : memref<640x128xf32, #tpu.memory_space<hbm>>) target(%dma_start3A_21 : memref<640x128xf32, #tpu.memory_space<vmem_shared>>) target_semaphore(%run_scoped3A : memref<!tpu.dma_semaphore, #tpu.memory_space<semaphore_mem>>)
      %dma_wait3A = arith.constant 0 : i32
      %dma_wait3A_22 = tpu.memref_slice %arg11[%mul3A_2, %dma_wait3A] : memref<10240x128xf32, #tpu.memory_space<vmem_shared>> -> memref<640x128xf32, #tpu.memory_space<vmem_shared>>
      tpu.wait_dma2 semaphore(%run_scoped3A : memref<!tpu.dma_semaphore, #tpu.memory_space<semaphore_mem>>) src(%arg5 : memref<640x128xf32, #tpu.memory_space<hbm>>) dst(%dma_wait3A_22 : memref<640x128xf32, #tpu.memory_space<vmem_shared>>)
      tpu.yield
    }) : () -> ()
    %barrier3A = arith.constant 0 : index
    tpu.barrier barrier_id(%barrier3A)
    "tpu.region"() ({
      %run_scoped3A = tpu.sem_alloc : memref<!tpu.dma_semaphore, #tpu.memory_space<semaphore_mem>>
      %dma_start3A = arith.constant 0 : i32
      %dma_start3A_21 = arith.constant 0 : i32
      %dma_start3A_22 = tpu.memref_slice %arg2[%add3A, %dma_start3A, %dma_start3A_21] : memref<32x80x128xi32, #tpu.memory_space<hbm>> -> memref<1x40x128xi32, #tpu.memory_space<hbm>>
      %dma_start3A_23 = tpu.memref_squeeze %dma_start3A_22 : memref<1x40x128xi32, #tpu.memory_space<hbm>> -> memref<40x128xi32, #tpu.memory_space<hbm>>
      %dma_start3A_24 = arith.constant 0 : i32
      %dma_start3A_25 = arith.constant 0 : i32
      %dma_start3A_26 = tpu.memref_slice %arg2[%add3A, %dma_start3A_24, %dma_start3A_25] : memref<32x80x128xi32, #tpu.memory_space<hbm>> -> memref<1x40x128xi32, #tpu.memory_space<hbm>>
      %dma_start3A_27 = tpu.memref_squeeze %dma_start3A_26 : memref<1x40x128xi32, #tpu.memory_space<hbm>> -> memref<40x128xi32, #tpu.memory_space<hbm>>
      tpu.enqueue_dma source(%dma_start3A_27 : memref<40x128xi32, #tpu.memory_space<hbm>>) target(%arg7 : memref<40x128xi32, #tpu.memory_space<vmem>>) target_semaphore(%run_scoped3A : memref<!tpu.dma_semaphore, #tpu.memory_space<semaphore_mem>>)
      %dma_wait3A = arith.constant 0 : i32
      %dma_wait3A_28 = arith.constant 0 : i32
      %dma_wait3A_29 = tpu.memref_slice %arg2[%add3A, %dma_wait3A, %dma_wait3A_28] : memref<32x80x128xi32, #tpu.memory_space<hbm>> -> memref<1x40x128xi32, #tpu.memory_space<hbm>>
      %dma_wait3A_30 = tpu.memref_squeeze %dma_wait3A_29 : memref<1x40x128xi32, #tpu.memory_space<hbm>> -> memref<40x128xi32, #tpu.memory_space<hbm>>
      %dma_wait3A_31 = arith.constant 0 : i32
      %dma_wait3A_32 = arith.constant 0 : i32
      %dma_wait3A_33 = tpu.memref_slice %arg2[%add3A, %dma_wait3A_31, %dma_wait3A_32] : memref<32x80x128xi32, #tpu.memory_space<hbm>> -> memref<1x40x128xi32, #tpu.memory_space<hbm>>
      %dma_wait3A_34 = tpu.memref_squeeze %dma_wait3A_33 : memref<1x40x128xi32, #tpu.memory_space<hbm>> -> memref<40x128xi32, #tpu.memory_space<hbm>>
      tpu.wait_dma2 semaphore(%run_scoped3A : memref<!tpu.dma_semaphore, #tpu.memory_space<semaphore_mem>>) src(%dma_wait3A_34 : memref<40x128xi32, #tpu.memory_space<hbm>>) dst(%arg7 : memref<40x128xi32, #tpu.memory_space<vmem>>)
      tpu.yield
    }) : () -> ()
    "tpu.region"() ({
      %run_scoped3A = tpu.sem_alloc : memref<!tpu.dma_semaphore, #tpu.memory_space<semaphore_mem>>
      %dma_start3A = arith.constant 0 : i32
      %dma_start3A_21 = arith.constant 0 : i32
      %dma_start3A_22 = tpu.memref_slice %arg3[%add3A, %dma_start3A, %dma_start3A_21] : memref<32x80x128xi32, #tpu.memory_space<hbm>> -> memref<1x40x128xi32, #tpu.memory_space<hbm>>
      %dma_start3A_23 = tpu.memref_squeeze %dma_start3A_22 : memref<1x40x128xi32, #tpu.memory_space<hbm>> -> memref<40x128xi32, #tpu.memory_space<hbm>>
      %dma_start3A_24 = arith.constant 0 : i32
      %dma_start3A_25 = arith.constant 0 : i32
      %dma_start3A_26 = tpu.memref_slice %arg3[%add3A, %dma_start3A_24, %dma_start3A_25] : memref<32x80x128xi32, #tpu.memory_space<hbm>> -> memref<1x40x128xi32, #tpu.memory_space<hbm>>
      %dma_start3A_27 = tpu.memref_squeeze %dma_start3A_26 : memref<1x40x128xi32, #tpu.memory_space<hbm>> -> memref<40x128xi32, #tpu.memory_space<hbm>>
      tpu.enqueue_dma source(%dma_start3A_27 : memref<40x128xi32, #tpu.memory_space<hbm>>) target(%arg8 : memref<40x128xi32, #tpu.memory_space<vmem>>) target_semaphore(%run_scoped3A : memref<!tpu.dma_semaphore, #tpu.memory_space<semaphore_mem>>)
      %dma_wait3A = arith.constant 0 : i32
      %dma_wait3A_28 = arith.constant 0 : i32
      %dma_wait3A_29 = tpu.memref_slice %arg3[%add3A, %dma_wait3A, %dma_wait3A_28] : memref<32x80x128xi32, #tpu.memory_space<hbm>> -> memref<1x40x128xi32, #tpu.memory_space<hbm>>
      %dma_wait3A_30 = tpu.memref_squeeze %dma_wait3A_29 : memref<1x40x128xi32, #tpu.memory_space<hbm>> -> memref<40x128xi32, #tpu.memory_space<hbm>>
      %dma_wait3A_31 = arith.constant 0 : i32
      %dma_wait3A_32 = arith.constant 0 : i32
      %dma_wait3A_33 = tpu.memref_slice %arg3[%add3A, %dma_wait3A_31, %dma_wait3A_32] : memref<32x80x128xi32, #tpu.memory_space<hbm>> -> memref<1x40x128xi32, #tpu.memory_space<hbm>>
      %dma_wait3A_34 = tpu.memref_squeeze %dma_wait3A_33 : memref<1x40x128xi32, #tpu.memory_space<hbm>> -> memref<40x128xi32, #tpu.memory_space<hbm>>
      tpu.wait_dma2 semaphore(%run_scoped3A : memref<!tpu.dma_semaphore, #tpu.memory_space<semaphore_mem>>) src(%dma_wait3A_34 : memref<40x128xi32, #tpu.memory_space<hbm>>) dst(%arg8 : memref<40x128xi32, #tpu.memory_space<vmem>>)
      tpu.yield
    }) : () -> ()
    %scan3A = arith.constant 0 : i32
    %scan3A_3 = arith.constant 0 : i32
    %scan3A_4 = arith.constant 10 : i32
    %scan3A_5 = arith.addi %scan3A_3, %scan3A_4 : i32
    %scan3A_6 = arith.constant 1 : i32
    %scan3A_7 = scf.for %scan3A_21 = %scan3A_3 to %scan3A_5 step %scan3A_6 iter_args(%scan3A_22 = %scan3A) -> (i32)  : i32 {
      %mul3A_23 = arith.constant 4 : i32
      %mul3A_24 = arith.muli %mul3A_23, %scan3A_21 : i32
      %dma_start3A = arith.constant 0 : i32
      %dma_start3A_25 = tpu.memref_slice %arg7[%mul3A_24, %dma_start3A] : memref<40x128xi32, #tpu.memory_space<vmem>> -> memref<1x128xi32, #tpu.memory_space<vmem>>
      %dma_start3A_26 = tpu.memref_squeeze %dma_start3A_25 : memref<1x128xi32, #tpu.memory_space<vmem>> -> memref<128xi32, #tpu.memory_space<vmem>>
      %dma_start3A_27 = arith.constant 0 : i32
      %dma_start3A_28 = arith.constant 0 : i32
      %dma_start3A_29 = tpu.memref_slice %arg4[%dma_start3A_27, %dma_start3A_28] : memref<10000x128xf32, #tpu.memory_space<hbm>> -> memref<10000x128xf32, #tpu.memory_space<hbm>>
      tpu.enqueue_indirect_dma source(%dma_start3A_29 : memref<10000x128xf32, #tpu.memory_space<hbm>>) target(%arg9 : memref<128x128xf32, #tpu.memory_space<vmem>>) offsets(%dma_start3A_26 : memref<128xi32, #tpu.memory_space<vmem>>) semaphore(%arg12 : memref<!tpu.dma_semaphore, #tpu.memory_space<semaphore_mem>>)
      %add3A_30 = arith.constant 1 : i32
      %add3A_31 = arith.addi %mul3A_24, %add3A_30 : i32
      %dma_start3A_32 = arith.constant 0 : i32
      %dma_start3A_33 = tpu.memref_slice %arg7[%add3A_31, %dma_start3A_32] : memref<40x128xi32, #tpu.memory_space<vmem>> -> memref<1x128xi32, #tpu.memory_space<vmem>>
      %dma_start3A_34 = tpu.memref_squeeze %dma_start3A_33 : memref<1x128xi32, #tpu.memory_space<vmem>> -> memref<128xi32, #tpu.memory_space<vmem>>
      %dma_start3A_35 = arith.constant 0 : i32
      %dma_start3A_36 = arith.constant 0 : i32
      %dma_start3A_37 = tpu.memref_slice %arg4[%dma_start3A_35, %dma_start3A_36] : memref<10000x128xf32, #tpu.memory_space<hbm>> -> memref<10000x128xf32, #tpu.memory_space<hbm>>
      tpu.enqueue_indirect_dma source(%dma_start3A_37 : memref<10000x128xf32, #tpu.memory_space<hbm>>) target(%arg10 : memref<128x128xf32, #tpu.memory_space<vmem>>) offsets(%dma_start3A_34 : memref<128xi32, #tpu.memory_space<vmem>>) semaphore(%arg13 : memref<!tpu.dma_semaphore, #tpu.memory_space<semaphore_mem>>)
      %dma_wait3A = arith.constant 0 : i32
      %dma_wait3A_38 = tpu.memref_slice %arg7[%mul3A_24, %dma_wait3A] : memref<40x128xi32, #tpu.memory_space<vmem>> -> memref<1x128xi32, #tpu.memory_space<vmem>>
      %dma_wait3A_39 = tpu.memref_squeeze %dma_wait3A_38 : memref<1x128xi32, #tpu.memory_space<vmem>> -> memref<128xi32, #tpu.memory_space<vmem>>
      %dma_wait3A_40 = arith.constant 0 : i32
      %dma_wait3A_41 = arith.constant 0 : i32
      %dma_wait3A_42 = tpu.memref_slice %arg4[%dma_wait3A_40, %dma_wait3A_41] : memref<10000x128xf32, #tpu.memory_space<hbm>> -> memref<10000x128xf32, #tpu.memory_space<hbm>>
      tpu.wait_indirect_dma semaphore(%arg12 : memref<!tpu.dma_semaphore, #tpu.memory_space<semaphore_mem>>) src(%dma_wait3A_42 : memref<10000x128xf32, #tpu.memory_space<hbm>>) dst(%arg9 : memref<128x128xf32, #tpu.memory_space<vmem>>)
      %dma_start3A_43 = arith.constant 0 : i32
      %dma_start3A_44 = tpu.memref_slice %arg8[%mul3A_24, %dma_start3A_43] : memref<40x128xi32, #tpu.memory_space<vmem>> -> memref<1x128xi32, #tpu.memory_space<vmem>>
      %dma_start3A_45 = tpu.memref_squeeze %dma_start3A_44 : memref<1x128xi32, #tpu.memory_space<vmem>> -> memref<128xi32, #tpu.memory_space<vmem>>
      %dma_start3A_46 = arith.constant 0 : i32
      %dma_start3A_47 = arith.constant 0 : i32
      %dma_start3A_48 = tpu.memref_slice %arg11[%dma_start3A_46, %dma_start3A_47] : memref<10240x128xf32, #tpu.memory_space<vmem_shared>> -> memref<10240x128xf32, #tpu.memory_space<vmem_shared>>
      tpu.enqueue_indirect_dma source(%arg9 : memref<128x128xf32, #tpu.memory_space<vmem>>) target(%dma_start3A_48 : memref<10240x128xf32, #tpu.memory_space<vmem_shared>>) offsets(%dma_start3A_45 : memref<128xi32, #tpu.memory_space<vmem>>) semaphore(%arg14 : memref<!tpu.dma_semaphore, #tpu.memory_space<semaphore_mem>>) {add = true}
      %dma_wait3A_49 = arith.constant 0 : i32
      %dma_wait3A_50 = tpu.memref_slice %arg7[%add3A_31, %dma_wait3A_49] : memref<40x128xi32, #tpu.memory_space<vmem>> -> memref<1x128xi32, #tpu.memory_space<vmem>>
      %dma_wait3A_51 = tpu.memref_squeeze %dma_wait3A_50 : memref<1x128xi32, #tpu.memory_space<vmem>> -> memref<128xi32, #tpu.memory_space<vmem>>
      %dma_wait3A_52 = arith.constant 0 : i32
      %dma_wait3A_53 = arith.constant 0 : i32
      %dma_wait3A_54 = tpu.memref_slice %arg4[%dma_wait3A_52, %dma_wait3A_53] : memref<10000x128xf32, #tpu.memory_space<hbm>> -> memref<10000x128xf32, #tpu.memory_space<hbm>>
      tpu.wait_indirect_dma semaphore(%arg13 : memref<!tpu.dma_semaphore, #tpu.memory_space<semaphore_mem>>) src(%dma_wait3A_54 : memref<10000x128xf32, #tpu.memory_space<hbm>>) dst(%arg10 : memref<128x128xf32, #tpu.memory_space<vmem>>)
      %add3A_55 = arith.constant 1 : i32
      %add3A_56 = arith.addi %mul3A_24, %add3A_55 : i32
      %dma_start3A_57 = arith.constant 0 : i32
      %dma_start3A_58 = tpu.memref_slice %arg8[%add3A_56, %dma_start3A_57] : memref<40x128xi32, #tpu.memory_space<vmem>> -> memref<1x128xi32, #tpu.memory_space<vmem>>
      %dma_start3A_59 = tpu.memref_squeeze %dma_start3A_58 : memref<1x128xi32, #tpu.memory_space<vmem>> -> memref<128xi32, #tpu.memory_space<vmem>>
      %dma_start3A_60 = arith.constant 0 : i32
      %dma_start3A_61 = arith.constant 0 : i32
      %dma_start3A_62 = tpu.memref_slice %arg11[%dma_start3A_60, %dma_start3A_61] : memref<10240x128xf32, #tpu.memory_space<vmem_shared>> -> memref<10240x128xf32, #tpu.memory_space<vmem_shared>>
      tpu.enqueue_indirect_dma source(%arg10 : memref<128x128xf32, #tpu.memory_space<vmem>>) target(%dma_start3A_62 : memref<10240x128xf32, #tpu.memory_space<vmem_shared>>) offsets(%dma_start3A_59 : memref<128xi32, #tpu.memory_space<vmem>>) semaphore(%arg15 : memref<!tpu.dma_semaphore, #tpu.memory_space<semaphore_mem>>) {add = true}
      %dma_wait3A_63 = arith.constant 0 : i32
      %dma_wait3A_64 = tpu.memref_slice %arg8[%mul3A_24, %dma_wait3A_63] : memref<40x128xi32, #tpu.memory_space<vmem>> -> memref<1x128xi32, #tpu.memory_space<vmem>>
      %dma_wait3A_65 = tpu.memref_squeeze %dma_wait3A_64 : memref<1x128xi32, #tpu.memory_space<vmem>> -> memref<128xi32, #tpu.memory_space<vmem>>
      %dma_wait3A_66 = arith.constant 0 : i32
      %dma_wait3A_67 = arith.constant 0 : i32
      %dma_wait3A_68 = tpu.memref_slice %arg11[%dma_wait3A_66, %dma_wait3A_67] : memref<10240x128xf32, #tpu.memory_space<vmem_shared>> -> memref<10240x128xf32, #tpu.memory_space<vmem_shared>>
      tpu.wait_indirect_dma semaphore(%arg14 : memref<!tpu.dma_semaphore, #tpu.memory_space<semaphore_mem>>) src(%arg9 : memref<128x128xf32, #tpu.memory_space<vmem>>) dst(%dma_wait3A_68 : memref<10240x128xf32, #tpu.memory_space<vmem_shared>>)
      %add3A_69 = arith.constant 2 : i32
      %add3A_70 = arith.addi %mul3A_24, %add3A_69 : i32
      %dma_start3A_71 = arith.constant 0 : i32
      %dma_start3A_72 = tpu.memref_slice %arg7[%add3A_70, %dma_start3A_71] : memref<40x128xi32, #tpu.memory_space<vmem>> -> memref<1x128xi32, #tpu.memory_space<vmem>>
      %dma_start3A_73 = tpu.memref_squeeze %dma_start3A_72 : memref<1x128xi32, #tpu.memory_space<vmem>> -> memref<128xi32, #tpu.memory_space<vmem>>
      %dma_start3A_74 = arith.constant 0 : i32
      %dma_start3A_75 = arith.constant 0 : i32
      %dma_start3A_76 = tpu.memref_slice %arg4[%dma_start3A_74, %dma_start3A_75] : memref<10000x128xf32, #tpu.memory_space<hbm>> -> memref<10000x128xf32, #tpu.memory_space<hbm>>
      tpu.enqueue_indirect_dma source(%dma_start3A_76 : memref<10000x128xf32, #tpu.memory_space<hbm>>) target(%arg9 : memref<128x128xf32, #tpu.memory_space<vmem>>) offsets(%dma_start3A_73 : memref<128xi32, #tpu.memory_space<vmem>>) semaphore(%arg12 : memref<!tpu.dma_semaphore, #tpu.memory_space<semaphore_mem>>)
      %dma_wait3A_77 = arith.constant 0 : i32
      %dma_wait3A_78 = tpu.memref_slice %arg8[%add3A_56, %dma_wait3A_77] : memref<40x128xi32, #tpu.memory_space<vmem>> -> memref<1x128xi32, #tpu.memory_space<vmem>>
      %dma_wait3A_79 = tpu.memref_squeeze %dma_wait3A_78 : memref<1x128xi32, #tpu.memory_space<vmem>> -> memref<128xi32, #tpu.memory_space<vmem>>
      %dma_wait3A_80 = arith.constant 0 : i32
      %dma_wait3A_81 = arith.constant 0 : i32
      %dma_wait3A_82 = tpu.memref_slice %arg11[%dma_wait3A_80, %dma_wait3A_81] : memref<10240x128xf32, #tpu.memory_space<vmem_shared>> -> memref<10240x128xf32, #tpu.memory_space<vmem_shared>>
      tpu.wait_indirect_dma semaphore(%arg15 : memref<!tpu.dma_semaphore, #tpu.memory_space<semaphore_mem>>) src(%arg10 : memref<128x128xf32, #tpu.memory_space<vmem>>) dst(%dma_wait3A_82 : memref<10240x128xf32, #tpu.memory_space<vmem_shared>>)
      %add3A_83 = arith.constant 3 : i32
      %add3A_84 = arith.addi %mul3A_24, %add3A_83 : i32
      %dma_start3A_85 = arith.constant 0 : i32
      %dma_start3A_86 = tpu.memref_slice %arg7[%add3A_84, %dma_start3A_85] : memref<40x128xi32, #tpu.memory_space<vmem>> -> memref<1x128xi32, #tpu.memory_space<vmem>>
      %dma_start3A_87 = tpu.memref_squeeze %dma_start3A_86 : memref<1x128xi32, #tpu.memory_space<vmem>> -> memref<128xi32, #tpu.memory_space<vmem>>
      %dma_start3A_88 = arith.constant 0 : i32
      %dma_start3A_89 = arith.constant 0 : i32
      %dma_start3A_90 = tpu.memref_slice %arg4[%dma_start3A_88, %dma_start3A_89] : memref<10000x128xf32, #tpu.memory_space<hbm>> -> memref<10000x128xf32, #tpu.memory_space<hbm>>
      tpu.enqueue_indirect_dma source(%dma_start3A_90 : memref<10000x128xf32, #tpu.memory_space<hbm>>) target(%arg10 : memref<128x128xf32, #tpu.memory_space<vmem>>) offsets(%dma_start3A_87 : memref<128xi32, #tpu.memory_space<vmem>>) semaphore(%arg13 : memref<!tpu.dma_semaphore, #tpu.memory_space<semaphore_mem>>)
      %dma_wait3A_91 = arith.constant 0 : i32
      %dma_wait3A_92 = tpu.memref_slice %arg7[%add3A_70, %dma_wait3A_91] : memref<40x128xi32, #tpu.memory_space<vmem>> -> memref<1x128xi32, #tpu.memory_space<vmem>>
      %dma_wait3A_93 = tpu.memref_squeeze %dma_wait3A_92 : memref<1x128xi32, #tpu.memory_space<vmem>> -> memref<128xi32, #tpu.memory_space<vmem>>
      %dma_wait3A_94 = arith.constant 0 : i32
      %dma_wait3A_95 = arith.constant 0 : i32
      %dma_wait3A_96 = tpu.memref_slice %arg4[%dma_wait3A_94, %dma_wait3A_95] : memref<10000x128xf32, #tpu.memory_space<hbm>> -> memref<10000x128xf32, #tpu.memory_space<hbm>>
      tpu.wait_indirect_dma semaphore(%arg12 : memref<!tpu.dma_semaphore, #tpu.memory_space<semaphore_mem>>) src(%dma_wait3A_96 : memref<10000x128xf32, #tpu.memory_space<hbm>>) dst(%arg9 : memref<128x128xf32, #tpu.memory_space<vmem>>)
      %add3A_97 = arith.constant 2 : i32
      %add3A_98 = arith.addi %mul3A_24, %add3A_97 : i32
      %dma_start3A_99 = arith.constant 0 : i32
      %dma_start3A_100 = tpu.memref_slice %arg8[%add3A_98, %dma_start3A_99] : memref<40x128xi32, #tpu.memory_space<vmem>> -> memref<1x128xi32, #tpu.memory_space<vmem>>
      %dma_start3A_101 = tpu.memref_squeeze %dma_start3A_100 : memref<1x128xi32, #tpu.memory_space<vmem>> -> memref<128xi32, #tpu.memory_space<vmem>>
      %dma_start3A_102 = arith.constant 0 : i32
      %dma_start3A_103 = arith.constant 0 : i32
      %dma_start3A_104 = tpu.memref_slice %arg11[%dma_start3A_102, %dma_start3A_103] : memref<10240x128xf32, #tpu.memory_space<vmem_shared>> -> memref<10240x128xf32, #tpu.memory_space<vmem_shared>>
      tpu.enqueue_indirect_dma source(%arg9 : memref<128x128xf32, #tpu.memory_space<vmem>>) target(%dma_start3A_104 : memref<10240x128xf32, #tpu.memory_space<vmem_shared>>) offsets(%dma_start3A_101 : memref<128xi32, #tpu.memory_space<vmem>>) semaphore(%arg14 : memref<!tpu.dma_semaphore, #tpu.memory_space<semaphore_mem>>) {add = true}
      %dma_wait3A_105 = arith.constant 0 : i32
      %dma_wait3A_106 = tpu.memref_slice %arg7[%add3A_84, %dma_wait3A_105] : memref<40x128xi32, #tpu.memory_space<vmem>> -> memref<1x128xi32, #tpu.memory_space<vmem>>
      %dma_wait3A_107 = tpu.memref_squeeze %dma_wait3A_106 : memref<1x128xi32, #tpu.memory_space<vmem>> -> memref<128xi32, #tpu.memory_space<vmem>>
      %dma_wait3A_108 = arith.constant 0 : i32
      %dma_wait3A_109 = arith.constant 0 : i32
      %dma_wait3A_110 = tpu.memref_slice %arg4[%dma_wait3A_108, %dma_wait3A_109] : memref<10000x128xf32, #tpu.memory_space<hbm>> -> memref<10000x128xf32, #tpu.memory_space<hbm>>
      tpu.wait_indirect_dma semaphore(%arg13 : memref<!tpu.dma_semaphore, #tpu.memory_space<semaphore_mem>>) src(%dma_wait3A_110 : memref<10000x128xf32, #tpu.memory_space<hbm>>) dst(%arg10 : memref<128x128xf32, #tpu.memory_space<vmem>>)
      %add3A_111 = arith.constant 3 : i32
      %add3A_112 = arith.addi %mul3A_24, %add3A_111 : i32
      %dma_start3A_113 = arith.constant 0 : i32
      %dma_start3A_114 = tpu.memref_slice %arg8[%add3A_112, %dma_start3A_113] : memref<40x128xi32, #tpu.memory_space<vmem>> -> memref<1x128xi32, #tpu.memory_space<vmem>>
      %dma_start3A_115 = tpu.memref_squeeze %dma_start3A_114 : memref<1x128xi32, #tpu.memory_space<vmem>> -> memref<128xi32, #tpu.memory_space<vmem>>
      %dma_start3A_116 = arith.constant 0 : i32
      %dma_start3A_117 = arith.constant 0 : i32
      %dma_start3A_118 = tpu.memref_slice %arg11[%dma_start3A_116, %dma_start3A_117] : memref<10240x128xf32, #tpu.memory_space<vmem_shared>> -> memref<10240x128xf32, #tpu.memory_space<vmem_shared>>
      tpu.enqueue_indirect_dma source(%arg10 : memref<128x128xf32, #tpu.memory_space<vmem>>) target(%dma_start3A_118 : memref<10240x128xf32, #tpu.memory_space<vmem_shared>>) offsets(%dma_start3A_115 : memref<128xi32, #tpu.memory_space<vmem>>) semaphore(%arg15 : memref<!tpu.dma_semaphore, #tpu.memory_space<semaphore_mem>>) {add = true}
      %dma_wait3A_119 = arith.constant 0 : i32
      %dma_wait3A_120 = tpu.memref_slice %arg8[%add3A_98, %dma_wait3A_119] : memref<40x128xi32, #tpu.memory_space<vmem>> -> memref<1x128xi32, #tpu.memory_space<vmem>>
      %dma_wait3A_121 = tpu.memref_squeeze %dma_wait3A_120 : memref<1x128xi32, #tpu.memory_space<vmem>> -> memref<128xi32, #tpu.memory_space<vmem>>
      %dma_wait3A_122 = arith.constant 0 : i32
      %dma_wait3A_123 = arith.constant 0 : i32
      %dma_wait3A_124 = tpu.memref_slice %arg11[%dma_wait3A_122, %dma_wait3A_123] : memref<10240x128xf32, #tpu.memory_space<vmem_shared>> -> memref<10240x128xf32, #tpu.memory_space<vmem_shared>>
      tpu.wait_indirect_dma semaphore(%arg14 : memref<!tpu.dma_semaphore, #tpu.memory_space<semaphore_mem>>) src(%arg9 : memref<128x128xf32, #tpu.memory_space<vmem>>) dst(%dma_wait3A_124 : memref<10240x128xf32, #tpu.memory_space<vmem_shared>>)
      %dma_wait3A_125 = arith.constant 0 : i32
      %dma_wait3A_126 = tpu.memref_slice %arg8[%add3A_112, %dma_wait3A_125] : memref<40x128xi32, #tpu.memory_space<vmem>> -> memref<1x128xi32, #tpu.memory_space<vmem>>
      %dma_wait3A_127 = tpu.memref_squeeze %dma_wait3A_126 : memref<1x128xi32, #tpu.memory_space<vmem>> -> memref<128xi32, #tpu.memory_space<vmem>>
      %dma_wait3A_128 = arith.constant 0 : i32
      %dma_wait3A_129 = arith.constant 0 : i32
      %dma_wait3A_130 = tpu.memref_slice %arg11[%dma_wait3A_128, %dma_wait3A_129] : memref<10240x128xf32, #tpu.memory_space<vmem_shared>> -> memref<10240x128xf32, #tpu.memory_space<vmem_shared>>
      tpu.wait_indirect_dma semaphore(%arg15 : memref<!tpu.dma_semaphore, #tpu.memory_space<semaphore_mem>>) src(%arg10 : memref<128x128xf32, #tpu.memory_space<vmem>>) dst(%dma_wait3A_130 : memref<10240x128xf32, #tpu.memory_space<vmem_shared>>)
      %scan3A_131 = arith.constant 0 : i32
      scf.yield %scan3A_131 : i32
    }
    %scan3A_8 = arith.constant 10 : i32
    "tpu.region"() ({
      %run_scoped3A = tpu.sem_alloc : memref<!tpu.dma_semaphore, #tpu.memory_space<semaphore_mem>>
      %dma_start3A = arith.constant 40 : i32
      %dma_start3A_21 = arith.constant 0 : i32
      %dma_start3A_22 = tpu.memref_slice %arg2[%add3A, %dma_start3A, %dma_start3A_21] : memref<32x80x128xi32, #tpu.memory_space<hbm>> -> memref<1x40x128xi32, #tpu.memory_space<hbm>>
      %dma_start3A_23 = tpu.memref_squeeze %dma_start3A_22 : memref<1x40x128xi32, #tpu.memory_space<hbm>> -> memref<40x128xi32, #tpu.memory_space<hbm>>
      %dma_start3A_24 = arith.constant 40 : i32
      %dma_start3A_25 = arith.constant 0 : i32
      %dma_start3A_26 = tpu.memref_slice %arg2[%add3A, %dma_start3A_24, %dma_start3A_25] : memref<32x80x128xi32, #tpu.memory_space<hbm>> -> memref<1x40x128xi32, #tpu.memory_space<hbm>>
      %dma_start3A_27 = tpu.memref_squeeze %dma_start3A_26 : memref<1x40x128xi32, #tpu.memory_space<hbm>> -> memref<40x128xi32, #tpu.memory_space<hbm>>
      tpu.enqueue_dma source(%dma_start3A_27 : memref<40x128xi32, #tpu.memory_space<hbm>>) target(%arg7 : memref<40x128xi32, #tpu.memory_space<vmem>>) target_semaphore(%run_scoped3A : memref<!tpu.dma_semaphore, #tpu.memory_space<semaphore_mem>>)
      %dma_wait3A = arith.constant 40 : i32
      %dma_wait3A_28 = arith.constant 0 : i32
      %dma_wait3A_29 = tpu.memref_slice %arg2[%add3A, %dma_wait3A, %dma_wait3A_28] : memref<32x80x128xi32, #tpu.memory_space<hbm>> -> memref<1x40x128xi32, #tpu.memory_space<hbm>>
      %dma_wait3A_30 = tpu.memref_squeeze %dma_wait3A_29 : memref<1x40x128xi32, #tpu.memory_space<hbm>> -> memref<40x128xi32, #tpu.memory_space<hbm>>
      %dma_wait3A_31 = arith.constant 40 : i32
      %dma_wait3A_32 = arith.constant 0 : i32
      %dma_wait3A_33 = tpu.memref_slice %arg2[%add3A, %dma_wait3A_31, %dma_wait3A_32] : memref<32x80x128xi32, #tpu.memory_space<hbm>> -> memref<1x40x128xi32, #tpu.memory_space<hbm>>
      %dma_wait3A_34 = tpu.memref_squeeze %dma_wait3A_33 : memref<1x40x128xi32, #tpu.memory_space<hbm>> -> memref<40x128xi32, #tpu.memory_space<hbm>>
      tpu.wait_dma2 semaphore(%run_scoped3A : memref<!tpu.dma_semaphore, #tpu.memory_space<semaphore_mem>>) src(%dma_wait3A_34 : memref<40x128xi32, #tpu.memory_space<hbm>>) dst(%arg7 : memref<40x128xi32, #tpu.memory_space<vmem>>)
      tpu.yield
    }) : () -> ()
    "tpu.region"() ({
      %run_scoped3A = tpu.sem_alloc : memref<!tpu.dma_semaphore, #tpu.memory_space<semaphore_mem>>
      %dma_start3A = arith.constant 40 : i32
      %dma_start3A_21 = arith.constant 0 : i32
      %dma_start3A_22 = tpu.memref_slice %arg3[%add3A, %dma_start3A, %dma_start3A_21] : memref<32x80x128xi32, #tpu.memory_space<hbm>> -> memref<1x40x128xi32, #tpu.memory_space<hbm>>
      %dma_start3A_23 = tpu.memref_squeeze %dma_start3A_22 : memref<1x40x128xi32, #tpu.memory_space<hbm>> -> memref<40x128xi32, #tpu.memory_space<hbm>>
      %dma_start3A_24 = arith.constant 40 : i32
      %dma_start3A_25 = arith.constant 0 : i32
      %dma_start3A_26 = tpu.memref_slice %arg3[%add3A, %dma_start3A_24, %dma_start3A_25] : memref<32x80x128xi32, #tpu.memory_space<hbm>> -> memref<1x40x128xi32, #tpu.memory_space<hbm>>
      %dma_start3A_27 = tpu.memref_squeeze %dma_start3A_26 : memref<1x40x128xi32, #tpu.memory_space<hbm>> -> memref<40x128xi32, #tpu.memory_space<hbm>>
      tpu.enqueue_dma source(%dma_start3A_27 : memref<40x128xi32, #tpu.memory_space<hbm>>) target(%arg8 : memref<40x128xi32, #tpu.memory_space<vmem>>) target_semaphore(%run_scoped3A : memref<!tpu.dma_semaphore, #tpu.memory_space<semaphore_mem>>)
      %dma_wait3A = arith.constant 40 : i32
      %dma_wait3A_28 = arith.constant 0 : i32
      %dma_wait3A_29 = tpu.memref_slice %arg3[%add3A, %dma_wait3A, %dma_wait3A_28] : memref<32x80x128xi32, #tpu.memory_space<hbm>> -> memref<1x40x128xi32, #tpu.memory_space<hbm>>
      %dma_wait3A_30 = tpu.memref_squeeze %dma_wait3A_29 : memref<1x40x128xi32, #tpu.memory_space<hbm>> -> memref<40x128xi32, #tpu.memory_space<hbm>>
      %dma_wait3A_31 = arith.constant 40 : i32
      %dma_wait3A_32 = arith.constant 0 : i32
      %dma_wait3A_33 = tpu.memref_slice %arg3[%add3A, %dma_wait3A_31, %dma_wait3A_32] : memref<32x80x128xi32, #tpu.memory_space<hbm>> -> memref<1x40x128xi32, #tpu.memory_space<hbm>>
      %dma_wait3A_34 = tpu.memref_squeeze %dma_wait3A_33 : memref<1x40x128xi32, #tpu.memory_space<hbm>> -> memref<40x128xi32, #tpu.memory_space<hbm>>
      tpu.wait_dma2 semaphore(%run_scoped3A : memref<!tpu.dma_semaphore, #tpu.memory_space<semaphore_mem>>) src(%dma_wait3A_34 : memref<40x128xi32, #tpu.memory_space<hbm>>) dst(%arg8 : memref<40x128xi32, #tpu.memory_space<vmem>>)
      tpu.yield
    }) : () -> ()
    %scan3A_9 = arith.constant 0 : i32
    %scan3A_10 = arith.constant 0 : i32
    %scan3A_11 = arith.constant 10 : i32
    %scan3A_12 = arith.addi %scan3A_10, %scan3A_11 : i32
    %scan3A_13 = arith.constant 1 : i32
    %scan3A_14 = scf.for %scan3A_21 = %scan3A_10 to %scan3A_12 step %scan3A_13 iter_args(%scan3A_22 = %scan3A_9) -> (i32)  : i32 {
      %mul3A_23 = arith.constant 4 : i32
      %mul3A_24 = arith.muli %mul3A_23, %scan3A_21 : i32
      %dma_start3A = arith.constant 0 : i32
      %dma_start3A_25 = tpu.memref_slice %arg7[%mul3A_24, %dma_start3A] : memref<40x128xi32, #tpu.memory_space<vmem>> -> memref<1x128xi32, #tpu.memory_space<vmem>>
      %dma_start3A_26 = tpu.memref_squeeze %dma_start3A_25 : memref<1x128xi32, #tpu.memory_space<vmem>> -> memref<128xi32, #tpu.memory_space<vmem>>
      %dma_start3A_27 = arith.constant 0 : i32
      %dma_start3A_28 = arith.constant 0 : i32
      %dma_start3A_29 = tpu.memref_slice %arg4[%dma_start3A_27, %dma_start3A_28] : memref<10000x128xf32, #tpu.memory_space<hbm>> -> memref<10000x128xf32, #tpu.memory_space<hbm>>
      tpu.enqueue_indirect_dma source(%dma_start3A_29 : memref<10000x128xf32, #tpu.memory_space<hbm>>) target(%arg9 : memref<128x128xf32, #tpu.memory_space<vmem>>) offsets(%dma_start3A_26 : memref<128xi32, #tpu.memory_space<vmem>>) semaphore(%arg12 : memref<!tpu.dma_semaphore, #tpu.memory_space<semaphore_mem>>)
      %add3A_30 = arith.constant 1 : i32
      %add3A_31 = arith.addi %mul3A_24, %add3A_30 : i32
      %dma_start3A_32 = arith.constant 0 : i32
      %dma_start3A_33 = tpu.memref_slice %arg7[%add3A_31, %dma_start3A_32] : memref<40x128xi32, #tpu.memory_space<vmem>> -> memref<1x128xi32, #tpu.memory_space<vmem>>
      %dma_start3A_34 = tpu.memref_squeeze %dma_start3A_33 : memref<1x128xi32, #tpu.memory_space<vmem>> -> memref<128xi32, #tpu.memory_space<vmem>>
      %dma_start3A_35 = arith.constant 0 : i32
      %dma_start3A_36 = arith.constant 0 : i32
      %dma_start3A_37 = tpu.memref_slice %arg4[%dma_start3A_35, %dma_start3A_36] : memref<10000x128xf32, #tpu.memory_space<hbm>> -> memref<10000x128xf32, #tpu.memory_space<hbm>>
      tpu.enqueue_indirect_dma source(%dma_start3A_37 : memref<10000x128xf32, #tpu.memory_space<hbm>>) target(%arg10 : memref<128x128xf32, #tpu.memory_space<vmem>>) offsets(%dma_start3A_34 : memref<128xi32, #tpu.memory_space<vmem>>) semaphore(%arg13 : memref<!tpu.dma_semaphore, #tpu.memory_space<semaphore_mem>>)
      %dma_wait3A = arith.constant 0 : i32
      %dma_wait3A_38 = tpu.memref_slice %arg7[%mul3A_24, %dma_wait3A] : memref<40x128xi32, #tpu.memory_space<vmem>> -> memref<1x128xi32, #tpu.memory_space<vmem>>
      %dma_wait3A_39 = tpu.memref_squeeze %dma_wait3A_38 : memref<1x128xi32, #tpu.memory_space<vmem>> -> memref<128xi32, #tpu.memory_space<vmem>>
      %dma_wait3A_40 = arith.constant 0 : i32
      %dma_wait3A_41 = arith.constant 0 : i32
      %dma_wait3A_42 = tpu.memref_slice %arg4[%dma_wait3A_40, %dma_wait3A_41] : memref<10000x128xf32, #tpu.memory_space<hbm>> -> memref<10000x128xf32, #tpu.memory_space<hbm>>
      tpu.wait_indirect_dma semaphore(%arg12 : memref<!tpu.dma_semaphore, #tpu.memory_space<semaphore_mem>>) src(%dma_wait3A_42 : memref<10000x128xf32, #tpu.memory_space<hbm>>) dst(%arg9 : memref<128x128xf32, #tpu.memory_space<vmem>>)
      %dma_start3A_43 = arith.constant 0 : i32
      %dma_start3A_44 = tpu.memref_slice %arg8[%mul3A_24, %dma_start3A_43] : memref<40x128xi32, #tpu.memory_space<vmem>> -> memref<1x128xi32, #tpu.memory_space<vmem>>
      %dma_start3A_45 = tpu.memref_squeeze %dma_start3A_44 : memref<1x128xi32, #tpu.memory_space<vmem>> -> memref<128xi32, #tpu.memory_space<vmem>>
      %dma_start3A_46 = arith.constant 0 : i32
      %dma_start3A_47 = arith.constant 0 : i32
      %dma_start3A_48 = tpu.memref_slice %arg11[%dma_start3A_46, %dma_start3A_47] : memref<10240x128xf32, #tpu.memory_space<vmem_shared>> -> memref<10240x128xf32, #tpu.memory_space<vmem_shared>>
      tpu.enqueue_indirect_dma source(%arg9 : memref<128x128xf32, #tpu.memory_space<vmem>>) target(%dma_start3A_48 : memref<10240x128xf32, #tpu.memory_space<vmem_shared>>) offsets(%dma_start3A_45 : memref<128xi32, #tpu.memory_space<vmem>>) semaphore(%arg14 : memref<!tpu.dma_semaphore, #tpu.memory_space<semaphore_mem>>) {add = true}
      %dma_wait3A_49 = arith.constant 0 : i32
      %dma_wait3A_50 = tpu.memref_slice %arg7[%add3A_31, %dma_wait3A_49] : memref<40x128xi32, #tpu.memory_space<vmem>> -> memref<1x128xi32, #tpu.memory_space<vmem>>
      %dma_wait3A_51 = tpu.memref_squeeze %dma_wait3A_50 : memref<1x128xi32, #tpu.memory_space<vmem>> -> memref<128xi32, #tpu.memory_space<vmem>>
      %dma_wait3A_52 = arith.constant 0 : i32
      %dma_wait3A_53 = arith.constant 0 : i32
      %dma_wait3A_54 = tpu.memref_slice %arg4[%dma_wait3A_52, %dma_wait3A_53] : memref<10000x128xf32, #tpu.memory_space<hbm>> -> memref<10000x128xf32, #tpu.memory_space<hbm>>
      tpu.wait_indirect_dma semaphore(%arg13 : memref<!tpu.dma_semaphore, #tpu.memory_space<semaphore_mem>>) src(%dma_wait3A_54 : memref<10000x128xf32, #tpu.memory_space<hbm>>) dst(%arg10 : memref<128x128xf32, #tpu.memory_space<vmem>>)
      %add3A_55 = arith.constant 1 : i32
      %add3A_56 = arith.addi %mul3A_24, %add3A_55 : i32
      %dma_start3A_57 = arith.constant 0 : i32
      %dma_start3A_58 = tpu.memref_slice %arg8[%add3A_56, %dma_start3A_57] : memref<40x128xi32, #tpu.memory_space<vmem>> -> memref<1x128xi32, #tpu.memory_space<vmem>>
      %dma_start3A_59 = tpu.memref_squeeze %dma_start3A_58 : memref<1x128xi32, #tpu.memory_space<vmem>> -> memref<128xi32, #tpu.memory_space<vmem>>
      %dma_start3A_60 = arith.constant 0 : i32
      %dma_start3A_61 = arith.constant 0 : i32
      %dma_start3A_62 = tpu.memref_slice %arg11[%dma_start3A_60, %dma_start3A_61] : memref<10240x128xf32, #tpu.memory_space<vmem_shared>> -> memref<10240x128xf32, #tpu.memory_space<vmem_shared>>
      tpu.enqueue_indirect_dma source(%arg10 : memref<128x128xf32, #tpu.memory_space<vmem>>) target(%dma_start3A_62 : memref<10240x128xf32, #tpu.memory_space<vmem_shared>>) offsets(%dma_start3A_59 : memref<128xi32, #tpu.memory_space<vmem>>) semaphore(%arg15 : memref<!tpu.dma_semaphore, #tpu.memory_space<semaphore_mem>>) {add = true}
      %dma_wait3A_63 = arith.constant 0 : i32
      %dma_wait3A_64 = tpu.memref_slice %arg8[%mul3A_24, %dma_wait3A_63] : memref<40x128xi32, #tpu.memory_space<vmem>> -> memref<1x128xi32, #tpu.memory_space<vmem>>
      %dma_wait3A_65 = tpu.memref_squeeze %dma_wait3A_64 : memref<1x128xi32, #tpu.memory_space<vmem>> -> memref<128xi32, #tpu.memory_space<vmem>>
      %dma_wait3A_66 = arith.constant 0 : i32
      %dma_wait3A_67 = arith.constant 0 : i32
      %dma_wait3A_68 = tpu.memref_slice %arg11[%dma_wait3A_66, %dma_wait3A_67] : memref<10240x128xf32, #tpu.memory_space<vmem_shared>> -> memref<10240x128xf32, #tpu.memory_space<vmem_shared>>
      tpu.wait_indirect_dma semaphore(%arg14 : memref<!tpu.dma_semaphore, #tpu.memory_space<semaphore_mem>>) src(%arg9 : memref<128x128xf32, #tpu.memory_space<vmem>>) dst(%dma_wait3A_68 : memref<10240x128xf32, #tpu.memory_space<vmem_shared>>)
      %add3A_69 = arith.constant 2 : i32
      %add3A_70 = arith.addi %mul3A_24, %add3A_69 : i32
      %dma_start3A_71 = arith.constant 0 : i32
      %dma_start3A_72 = tpu.memref_slice %arg7[%add3A_70, %dma_start3A_71] : memref<40x128xi32, #tpu.memory_space<vmem>> -> memref<1x128xi32, #tpu.memory_space<vmem>>
      %dma_start3A_73 = tpu.memref_squeeze %dma_start3A_72 : memref<1x128xi32, #tpu.memory_space<vmem>> -> memref<128xi32, #tpu.memory_space<vmem>>
      %dma_start3A_74 = arith.constant 0 : i32
      %dma_start3A_75 = arith.constant 0 : i32
      %dma_start3A_76 = tpu.memref_slice %arg4[%dma_start3A_74, %dma_start3A_75] : memref<10000x128xf32, #tpu.memory_space<hbm>> -> memref<10000x128xf32, #tpu.memory_space<hbm>>
      tpu.enqueue_indirect_dma source(%dma_start3A_76 : memref<10000x128xf32, #tpu.memory_space<hbm>>) target(%arg9 : memref<128x128xf32, #tpu.memory_space<vmem>>) offsets(%dma_start3A_73 : memref<128xi32, #tpu.memory_space<vmem>>) semaphore(%arg12 : memref<!tpu.dma_semaphore, #tpu.memory_space<semaphore_mem>>)
      %dma_wait3A_77 = arith.constant 0 : i32
      %dma_wait3A_78 = tpu.memref_slice %arg8[%add3A_56, %dma_wait3A_77] : memref<40x128xi32, #tpu.memory_space<vmem>> -> memref<1x128xi32, #tpu.memory_space<vmem>>
      %dma_wait3A_79 = tpu.memref_squeeze %dma_wait3A_78 : memref<1x128xi32, #tpu.memory_space<vmem>> -> memref<128xi32, #tpu.memory_space<vmem>>
      %dma_wait3A_80 = arith.constant 0 : i32
      %dma_wait3A_81 = arith.constant 0 : i32
      %dma_wait3A_82 = tpu.memref_slice %arg11[%dma_wait3A_80, %dma_wait3A_81] : memref<10240x128xf32, #tpu.memory_space<vmem_shared>> -> memref<10240x128xf32, #tpu.memory_space<vmem_shared>>
      tpu.wait_indirect_dma semaphore(%arg15 : memref<!tpu.dma_semaphore, #tpu.memory_space<semaphore_mem>>) src(%arg10 : memref<128x128xf32, #tpu.memory_space<vmem>>) dst(%dma_wait3A_82 : memref<10240x128xf32, #tpu.memory_space<vmem_shared>>)
      %add3A_83 = arith.constant 3 : i32
      %add3A_84 = arith.addi %mul3A_24, %add3A_83 : i32
      %dma_start3A_85 = arith.constant 0 : i32
      %dma_start3A_86 = tpu.memref_slice %arg7[%add3A_84, %dma_start3A_85] : memref<40x128xi32, #tpu.memory_space<vmem>> -> memref<1x128xi32, #tpu.memory_space<vmem>>
      %dma_start3A_87 = tpu.memref_squeeze %dma_start3A_86 : memref<1x128xi32, #tpu.memory_space<vmem>> -> memref<128xi32, #tpu.memory_space<vmem>>
      %dma_start3A_88 = arith.constant 0 : i32
      %dma_start3A_89 = arith.constant 0 : i32
      %dma_start3A_90 = tpu.memref_slice %arg4[%dma_start3A_88, %dma_start3A_89] : memref<10000x128xf32, #tpu.memory_space<hbm>> -> memref<10000x128xf32, #tpu.memory_space<hbm>>
      tpu.enqueue_indirect_dma source(%dma_start3A_90 : memref<10000x128xf32, #tpu.memory_space<hbm>>) target(%arg10 : memref<128x128xf32, #tpu.memory_space<vmem>>) offsets(%dma_start3A_87 : memref<128xi32, #tpu.memory_space<vmem>>) semaphore(%arg13 : memref<!tpu.dma_semaphore, #tpu.memory_space<semaphore_mem>>)
      %dma_wait3A_91 = arith.constant 0 : i32
      %dma_wait3A_92 = tpu.memref_slice %arg7[%add3A_70, %dma_wait3A_91] : memref<40x128xi32, #tpu.memory_space<vmem>> -> memref<1x128xi32, #tpu.memory_space<vmem>>
      %dma_wait3A_93 = tpu.memref_squeeze %dma_wait3A_92 : memref<1x128xi32, #tpu.memory_space<vmem>> -> memref<128xi32, #tpu.memory_space<vmem>>
      %dma_wait3A_94 = arith.constant 0 : i32
      %dma_wait3A_95 = arith.constant 0 : i32
      %dma_wait3A_96 = tpu.memref_slice %arg4[%dma_wait3A_94, %dma_wait3A_95] : memref<10000x128xf32, #tpu.memory_space<hbm>> -> memref<10000x128xf32, #tpu.memory_space<hbm>>
      tpu.wait_indirect_dma semaphore(%arg12 : memref<!tpu.dma_semaphore, #tpu.memory_space<semaphore_mem>>) src(%dma_wait3A_96 : memref<10000x128xf32, #tpu.memory_space<hbm>>) dst(%arg9 : memref<128x128xf32, #tpu.memory_space<vmem>>)
      %add3A_97 = arith.constant 2 : i32
      %add3A_98 = arith.addi %mul3A_24, %add3A_97 : i32
      %dma_start3A_99 = arith.constant 0 : i32
      %dma_start3A_100 = tpu.memref_slice %arg8[%add3A_98, %dma_start3A_99] : memref<40x128xi32, #tpu.memory_space<vmem>> -> memref<1x128xi32, #tpu.memory_space<vmem>>
      %dma_start3A_101 = tpu.memref_squeeze %dma_start3A_100 : memref<1x128xi32, #tpu.memory_space<vmem>> -> memref<128xi32, #tpu.memory_space<vmem>>
      %dma_start3A_102 = arith.constant 0 : i32
      %dma_start3A_103 = arith.constant 0 : i32
      %dma_start3A_104 = tpu.memref_slice %arg11[%dma_start3A_102, %dma_start3A_103] : memref<10240x128xf32, #tpu.memory_space<vmem_shared>> -> memref<10240x128xf32, #tpu.memory_space<vmem_shared>>
      tpu.enqueue_indirect_dma source(%arg9 : memref<128x128xf32, #tpu.memory_space<vmem>>) target(%dma_start3A_104 : memref<10240x128xf32, #tpu.memory_space<vmem_shared>>) offsets(%dma_start3A_101 : memref<128xi32, #tpu.memory_space<vmem>>) semaphore(%arg14 : memref<!tpu.dma_semaphore, #tpu.memory_space<semaphore_mem>>) {add = true}
      %dma_wait3A_105 = arith.constant 0 : i32
      %dma_wait3A_106 = tpu.memref_slice %arg7[%add3A_84, %dma_wait3A_105] : memref<40x128xi32, #tpu.memory_space<vmem>> -> memref<1x128xi32, #tpu.memory_space<vmem>>
      %dma_wait3A_107 = tpu.memref_squeeze %dma_wait3A_106 : memref<1x128xi32, #tpu.memory_space<vmem>> -> memref<128xi32, #tpu.memory_space<vmem>>
      %dma_wait3A_108 = arith.constant 0 : i32
      %dma_wait3A_109 = arith.constant 0 : i32
      %dma_wait3A_110 = tpu.memref_slice %arg4[%dma_wait3A_108, %dma_wait3A_109] : memref<10000x128xf32, #tpu.memory_space<hbm>> -> memref<10000x128xf32, #tpu.memory_space<hbm>>
      tpu.wait_indirect_dma semaphore(%arg13 : memref<!tpu.dma_semaphore, #tpu.memory_space<semaphore_mem>>) src(%dma_wait3A_110 : memref<10000x128xf32, #tpu.memory_space<hbm>>) dst(%arg10 : memref<128x128xf32, #tpu.memory_space<vmem>>)
      %add3A_111 = arith.constant 3 : i32
      %add3A_112 = arith.addi %mul3A_24, %add3A_111 : i32
      %dma_start3A_113 = arith.constant 0 : i32
      %dma_start3A_114 = tpu.memref_slice %arg8[%add3A_112, %dma_start3A_113] : memref<40x128xi32, #tpu.memory_space<vmem>> -> memref<1x128xi32, #tpu.memory_space<vmem>>
      %dma_start3A_115 = tpu.memref_squeeze %dma_start3A_114 : memref<1x128xi32, #tpu.memory_space<vmem>> -> memref<128xi32, #tpu.memory_space<vmem>>
      %dma_start3A_116 = arith.constant 0 : i32
      %dma_start3A_117 = arith.constant 0 : i32
      %dma_start3A_118 = tpu.memref_slice %arg11[%dma_start3A_116, %dma_start3A_117] : memref<10240x128xf32, #tpu.memory_space<vmem_shared>> -> memref<10240x128xf32, #tpu.memory_space<vmem_shared>>
      tpu.enqueue_indirect_dma source(%arg10 : memref<128x128xf32, #tpu.memory_space<vmem>>) target(%dma_start3A_118 : memref<10240x128xf32, #tpu.memory_space<vmem_shared>>) offsets(%dma_start3A_115 : memref<128xi32, #tpu.memory_space<vmem>>) semaphore(%arg15 : memref<!tpu.dma_semaphore, #tpu.memory_space<semaphore_mem>>) {add = true}
      %dma_wait3A_119 = arith.constant 0 : i32
      %dma_wait3A_120 = tpu.memref_slice %arg8[%add3A_98, %dma_wait3A_119] : memref<40x128xi32, #tpu.memory_space<vmem>> -> memref<1x128xi32, #tpu.memory_space<vmem>>
      %dma_wait3A_121 = tpu.memref_squeeze %dma_wait3A_120 : memref<1x128xi32, #tpu.memory_space<vmem>> -> memref<128xi32, #tpu.memory_space<vmem>>
      %dma_wait3A_122 = arith.constant 0 : i32
      %dma_wait3A_123 = arith.constant 0 : i32
      %dma_wait3A_124 = tpu.memref_slice %arg11[%dma_wait3A_122, %dma_wait3A_123] : memref<10240x128xf32, #tpu.memory_space<vmem_shared>> -> memref<10240x128xf32, #tpu.memory_space<vmem_shared>>
      tpu.wait_indirect_dma semaphore(%arg14 : memref<!tpu.dma_semaphore, #tpu.memory_space<semaphore_mem>>) src(%arg9 : memref<128x128xf32, #tpu.memory_space<vmem>>) dst(%dma_wait3A_124 : memref<10240x128xf32, #tpu.memory_space<vmem_shared>>)
      %dma_wait3A_125 = arith.constant 0 : i32
      %dma_wait3A_126 = tpu.memref_slice %arg8[%add3A_112, %dma_wait3A_125] : memref<40x128xi32, #tpu.memory_space<vmem>> -> memref<1x128xi32, #tpu.memory_space<vmem>>
      %dma_wait3A_127 = tpu.memref_squeeze %dma_wait3A_126 : memref<1x128xi32, #tpu.memory_space<vmem>> -> memref<128xi32, #tpu.memory_space<vmem>>
      %dma_wait3A_128 = arith.constant 0 : i32
      %dma_wait3A_129 = arith.constant 0 : i32
      %dma_wait3A_130 = tpu.memref_slice %arg11[%dma_wait3A_128, %dma_wait3A_129] : memref<10240x128xf32, #tpu.memory_space<vmem_shared>> -> memref<10240x128xf32, #tpu.memory_space<vmem_shared>>
      tpu.wait_indirect_dma semaphore(%arg15 : memref<!tpu.dma_semaphore, #tpu.memory_space<semaphore_mem>>) src(%arg10 : memref<128x128xf32, #tpu.memory_space<vmem>>) dst(%dma_wait3A_130 : memref<10240x128xf32, #tpu.memory_space<vmem_shared>>)
      %scan3A_131 = arith.constant 0 : i32
      scf.yield %scan3A_131 : i32
    }
    %scan3A_15 = arith.constant 10 : i32
    %barrier3A_16 = arith.constant 0 : index
    tpu.barrier barrier_id(%barrier3A_16)
    %mul3A_17 = arith.constant 640 : i32
    %mul3A_18 = arith.muli %arg1, %mul3A_17 : i32
    %mul3A_19 = arith.constant 640 : i32
    %mul3A_20 = arith.muli %arg1, %mul3A_19 : i32
    "tpu.region"() ({
      %run_scoped3A = tpu.sem_alloc : memref<!tpu.dma_semaphore, #tpu.memory_space<semaphore_mem>>
      %dma_start3A = arith.constant 0 : i32
      %dma_start3A_21 = tpu.memref_slice %arg6[%arg0, %mul3A_20, %dma_start3A] : memref<2x10240x128xf32, #tpu.memory_space<hbm>> -> memref<1x640x128xf32, #tpu.memory_space<hbm>>
      %dma_start3A_22 = tpu.memref_squeeze %dma_start3A_21 : memref<1x640x128xf32, #tpu.memory_space<hbm>> -> memref<640x128xf32, #tpu.memory_space<hbm>>
      %dma_start3A_23 = arith.constant 0 : i32
      %dma_start3A_24 = tpu.memref_slice %arg11[%mul3A_18, %dma_start3A_23] : memref<10240x128xf32, #tpu.memory_space<vmem_shared>> -> memref<640x128xf32, #tpu.memory_space<vmem_shared>>
      tpu.enqueue_dma source(%dma_start3A_24 : memref<640x128xf32, #tpu.memory_space<vmem_shared>>) target(%dma_start3A_22 : memref<640x128xf32, #tpu.memory_space<hbm>>) target_semaphore(%run_scoped3A : memref<!tpu.dma_semaphore, #tpu.memory_space<semaphore_mem>>)
      %dma_wait3A = arith.constant 0 : i32
      %dma_wait3A_25 = tpu.memref_slice %arg6[%arg0, %mul3A_20, %dma_wait3A] : memref<2x10240x128xf32, #tpu.memory_space<hbm>> -> memref<1x640x128xf32, #tpu.memory_space<hbm>>
      %dma_wait3A_26 = tpu.memref_squeeze %dma_wait3A_25 : memref<1x640x128xf32, #tpu.memory_space<hbm>> -> memref<640x128xf32, #tpu.memory_space<hbm>>
      %dma_wait3A_27 = arith.constant 0 : i32
      %dma_wait3A_28 = tpu.memref_slice %arg11[%mul3A_18, %dma_wait3A_27] : memref<10240x128xf32, #tpu.memory_space<vmem_shared>> -> memref<640x128xf32, #tpu.memory_space<vmem_shared>>
      tpu.wait_dma2 semaphore(%run_scoped3A : memref<!tpu.dma_semaphore, #tpu.memory_space<semaphore_mem>>) src(%dma_wait3A_28 : memref<640x128xf32, #tpu.memory_space<vmem_shared>>) dst(%dma_wait3A_26 : memref<640x128xf32, #tpu.memory_space<hbm>>)
      tpu.yield
    }) : () -> ()
    return
  }
}

#map = affine_map<(d0, d1) -> (0, 0, 0)>
#map1 = affine_map<(d0, d1) -> (0, 0)>
module attributes {stable_mosaic.version = 14 : i64} {
  func.func @_sc_agg(%arg0: i32, %arg1: i32, %arg2: memref<32x80x128xi32, #tpu.memory_space<hbm>>, %arg3: memref<32x80x128xi32, #tpu.memory_space<hbm>>, %arg4: memref<10000x128xf32, #tpu.memory_space<hbm>>, %arg5: memref<640x128xf32, #tpu.memory_space<hbm>>, %arg6: memref<2x10240x128xf32, #tpu.memory_space<hbm>>, %arg7: memref<40x128xi32, #tpu.memory_space<vmem>>, %arg8: memref<40x128xi32, #tpu.memory_space<vmem>>, %arg9: memref<128x128xf32, #tpu.memory_space<vmem>>, %arg10: memref<128x128xf32, #tpu.memory_space<vmem>>, %arg11: memref<10240x128xf32, #tpu.memory_space<vmem_shared>>, %arg12: memref<!tpu.dma_semaphore, #tpu.memory_space<semaphore_mem>>, %arg13: memref<!tpu.dma_semaphore, #tpu.memory_space<semaphore_mem>>, %arg14: memref<!tpu.dma_semaphore, #tpu.memory_space<semaphore_mem>>, %arg15: memref<!tpu.dma_semaphore, #tpu.memory_space<semaphore_mem>>) attributes {dimension_semantics = [#tpu.dimension_semantics<core_parallel>, #tpu.dimension_semantics<subcore_parallel>], iteration_bounds = array<i64: 2, 16>, scalar_prefetch = 0 : i64, scratch_operands = 9 : i64, tpu.core_type = #tpu.core_type<sc_vector_subcore>, window_params = [{transform_indices = #map}, {transform_indices = #map}, {transform_indices = #map1}, {transform_indices = #map1}, {transform_indices = #map}]} {
    %mul3A = arith.constant 16 : i32
    %mul3A_0 = arith.muli %arg0, %mul3A : i32
    %add3A = arith.addi %mul3A_0, %arg1 : i32
    %mul3A_1 = arith.constant 640 : i32
    %mul3A_2 = arith.muli %arg1, %mul3A_1 : i32
    "tpu.region"() ({
      %run_scoped3A = tpu.sem_alloc : memref<!tpu.dma_semaphore, #tpu.memory_space<semaphore_mem>>
      %dma_start3A = arith.constant 0 : i32
      %dma_start3A_21 = tpu.memref_slice %arg11[%mul3A_2, %dma_start3A] : memref<10240x128xf32, #tpu.memory_space<vmem_shared>> -> memref<640x128xf32, #tpu.memory_space<vmem_shared>>
      tpu.enqueue_dma source(%arg5 : memref<640x128xf32, #tpu.memory_space<hbm>>) target(%dma_start3A_21 : memref<640x128xf32, #tpu.memory_space<vmem_shared>>) target_semaphore(%run_scoped3A : memref<!tpu.dma_semaphore, #tpu.memory_space<semaphore_mem>>)
      %dma_wait3A = arith.constant 0 : i32
      %dma_wait3A_22 = tpu.memref_slice %arg11[%mul3A_2, %dma_wait3A] : memref<10240x128xf32, #tpu.memory_space<vmem_shared>> -> memref<640x128xf32, #tpu.memory_space<vmem_shared>>
      tpu.wait_dma2 semaphore(%run_scoped3A : memref<!tpu.dma_semaphore, #tpu.memory_space<semaphore_mem>>) src(%arg5 : memref<640x128xf32, #tpu.memory_space<hbm>>) dst(%dma_wait3A_22 : memref<640x128xf32, #tpu.memory_space<vmem_shared>>)
      tpu.yield
    }) : () -> ()
    %barrier3A = arith.constant 0 : index
    tpu.barrier barrier_id(%barrier3A)
    "tpu.region"() ({
      %run_scoped3A = tpu.sem_alloc : memref<!tpu.dma_semaphore, #tpu.memory_space<semaphore_mem>>
      %dma_start3A = arith.constant 0 : i32
      %dma_start3A_21 = arith.constant 0 : i32
      %dma_start3A_22 = tpu.memref_slice %arg2[%add3A, %dma_start3A, %dma_start3A_21] : memref<32x80x128xi32, #tpu.memory_space<hbm>> -> memref<1x40x128xi32, #tpu.memory_space<hbm>>
      %dma_start3A_23 = tpu.memref_squeeze %dma_start3A_22 : memref<1x40x128xi32, #tpu.memory_space<hbm>> -> memref<40x128xi32, #tpu.memory_space<hbm>>
      %dma_start3A_24 = arith.constant 0 : i32
      %dma_start3A_25 = arith.constant 0 : i32
      %dma_start3A_26 = tpu.memref_slice %arg2[%add3A, %dma_start3A_24, %dma_start3A_25] : memref<32x80x128xi32, #tpu.memory_space<hbm>> -> memref<1x40x128xi32, #tpu.memory_space<hbm>>
      %dma_start3A_27 = tpu.memref_squeeze %dma_start3A_26 : memref<1x40x128xi32, #tpu.memory_space<hbm>> -> memref<40x128xi32, #tpu.memory_space<hbm>>
      tpu.enqueue_dma source(%dma_start3A_27 : memref<40x128xi32, #tpu.memory_space<hbm>>) target(%arg7 : memref<40x128xi32, #tpu.memory_space<vmem>>) target_semaphore(%run_scoped3A : memref<!tpu.dma_semaphore, #tpu.memory_space<semaphore_mem>>)
      %dma_wait3A = arith.constant 0 : i32
      %dma_wait3A_28 = arith.constant 0 : i32
      %dma_wait3A_29 = tpu.memref_slice %arg2[%add3A, %dma_wait3A, %dma_wait3A_28] : memref<32x80x128xi32, #tpu.memory_space<hbm>> -> memref<1x40x128xi32, #tpu.memory_space<hbm>>
      %dma_wait3A_30 = tpu.memref_squeeze %dma_wait3A_29 : memref<1x40x128xi32, #tpu.memory_space<hbm>> -> memref<40x128xi32, #tpu.memory_space<hbm>>
      %dma_wait3A_31 = arith.constant 0 : i32
      %dma_wait3A_32 = arith.constant 0 : i32
      %dma_wait3A_33 = tpu.memref_slice %arg2[%add3A, %dma_wait3A_31, %dma_wait3A_32] : memref<32x80x128xi32, #tpu.memory_space<hbm>> -> memref<1x40x128xi32, #tpu.memory_space<hbm>>
      %dma_wait3A_34 = tpu.memref_squeeze %dma_wait3A_33 : memref<1x40x128xi32, #tpu.memory_space<hbm>> -> memref<40x128xi32, #tpu.memory_space<hbm>>
      tpu.wait_dma2 semaphore(%run_scoped3A : memref<!tpu.dma_semaphore, #tpu.memory_space<semaphore_mem>>) src(%dma_wait3A_34 : memref<40x128xi32, #tpu.memory_space<hbm>>) dst(%arg7 : memref<40x128xi32, #tpu.memory_space<vmem>>)
      tpu.yield
    }) : () -> ()
    "tpu.region"() ({
      %run_scoped3A = tpu.sem_alloc : memref<!tpu.dma_semaphore, #tpu.memory_space<semaphore_mem>>
      %dma_start3A = arith.constant 0 : i32
      %dma_start3A_21 = arith.constant 0 : i32
      %dma_start3A_22 = tpu.memref_slice %arg3[%add3A, %dma_start3A, %dma_start3A_21] : memref<32x80x128xi32, #tpu.memory_space<hbm>> -> memref<1x40x128xi32, #tpu.memory_space<hbm>>
      %dma_start3A_23 = tpu.memref_squeeze %dma_start3A_22 : memref<1x40x128xi32, #tpu.memory_space<hbm>> -> memref<40x128xi32, #tpu.memory_space<hbm>>
      %dma_start3A_24 = arith.constant 0 : i32
      %dma_start3A_25 = arith.constant 0 : i32
      %dma_start3A_26 = tpu.memref_slice %arg3[%add3A, %dma_start3A_24, %dma_start3A_25] : memref<32x80x128xi32, #tpu.memory_space<hbm>> -> memref<1x40x128xi32, #tpu.memory_space<hbm>>
      %dma_start3A_27 = tpu.memref_squeeze %dma_start3A_26 : memref<1x40x128xi32, #tpu.memory_space<hbm>> -> memref<40x128xi32, #tpu.memory_space<hbm>>
      tpu.enqueue_dma source(%dma_start3A_27 : memref<40x128xi32, #tpu.memory_space<hbm>>) target(%arg8 : memref<40x128xi32, #tpu.memory_space<vmem>>) target_semaphore(%run_scoped3A : memref<!tpu.dma_semaphore, #tpu.memory_space<semaphore_mem>>)
      %dma_wait3A = arith.constant 0 : i32
      %dma_wait3A_28 = arith.constant 0 : i32
      %dma_wait3A_29 = tpu.memref_slice %arg3[%add3A, %dma_wait3A, %dma_wait3A_28] : memref<32x80x128xi32, #tpu.memory_space<hbm>> -> memref<1x40x128xi32, #tpu.memory_space<hbm>>
      %dma_wait3A_30 = tpu.memref_squeeze %dma_wait3A_29 : memref<1x40x128xi32, #tpu.memory_space<hbm>> -> memref<40x128xi32, #tpu.memory_space<hbm>>
      %dma_wait3A_31 = arith.constant 0 : i32
      %dma_wait3A_32 = arith.constant 0 : i32
      %dma_wait3A_33 = tpu.memref_slice %arg3[%add3A, %dma_wait3A_31, %dma_wait3A_32] : memref<32x80x128xi32, #tpu.memory_space<hbm>> -> memref<1x40x128xi32, #tpu.memory_space<hbm>>
      %dma_wait3A_34 = tpu.memref_squeeze %dma_wait3A_33 : memref<1x40x128xi32, #tpu.memory_space<hbm>> -> memref<40x128xi32, #tpu.memory_space<hbm>>
      tpu.wait_dma2 semaphore(%run_scoped3A : memref<!tpu.dma_semaphore, #tpu.memory_space<semaphore_mem>>) src(%dma_wait3A_34 : memref<40x128xi32, #tpu.memory_space<hbm>>) dst(%arg8 : memref<40x128xi32, #tpu.memory_space<vmem>>)
      tpu.yield
    }) : () -> ()
    %scan3A = arith.constant 0 : i32
    %scan3A_3 = arith.constant 0 : i32
    %scan3A_4 = arith.constant 10 : i32
    %scan3A_5 = arith.addi %scan3A_3, %scan3A_4 : i32
    %scan3A_6 = arith.constant 1 : i32
    %scan3A_7 = scf.for %scan3A_21 = %scan3A_3 to %scan3A_5 step %scan3A_6 iter_args(%scan3A_22 = %scan3A) -> (i32)  : i32 {
      %mul3A_23 = arith.constant 4 : i32
      %mul3A_24 = arith.muli %mul3A_23, %scan3A_21 : i32
      %dma_start3A = arith.constant 0 : i32
      %dma_start3A_25 = tpu.memref_slice %arg7[%mul3A_24, %dma_start3A] : memref<40x128xi32, #tpu.memory_space<vmem>> -> memref<1x128xi32, #tpu.memory_space<vmem>>
      %dma_start3A_26 = tpu.memref_squeeze %dma_start3A_25 : memref<1x128xi32, #tpu.memory_space<vmem>> -> memref<128xi32, #tpu.memory_space<vmem>>
      %dma_start3A_27 = arith.constant 0 : i32
      %dma_start3A_28 = arith.constant 0 : i32
      %dma_start3A_29 = tpu.memref_slice %arg4[%dma_start3A_27, %dma_start3A_28] : memref<10000x128xf32, #tpu.memory_space<hbm>> -> memref<10000x128xf32, #tpu.memory_space<hbm>>
      tpu.enqueue_indirect_dma source(%dma_start3A_29 : memref<10000x128xf32, #tpu.memory_space<hbm>>) target(%arg9 : memref<128x128xf32, #tpu.memory_space<vmem>>) offsets(%dma_start3A_26 : memref<128xi32, #tpu.memory_space<vmem>>) semaphore(%arg12 : memref<!tpu.dma_semaphore, #tpu.memory_space<semaphore_mem>>)
      %add3A_30 = arith.constant 1 : i32
      %add3A_31 = arith.addi %mul3A_24, %add3A_30 : i32
      %dma_start3A_32 = arith.constant 0 : i32
      %dma_start3A_33 = tpu.memref_slice %arg7[%add3A_31, %dma_start3A_32] : memref<40x128xi32, #tpu.memory_space<vmem>> -> memref<1x128xi32, #tpu.memory_space<vmem>>
      %dma_start3A_34 = tpu.memref_squeeze %dma_start3A_33 : memref<1x128xi32, #tpu.memory_space<vmem>> -> memref<128xi32, #tpu.memory_space<vmem>>
      %dma_start3A_35 = arith.constant 0 : i32
      %dma_start3A_36 = arith.constant 0 : i32
      %dma_start3A_37 = tpu.memref_slice %arg4[%dma_start3A_35, %dma_start3A_36] : memref<10000x128xf32, #tpu.memory_space<hbm>> -> memref<10000x128xf32, #tpu.memory_space<hbm>>
      tpu.enqueue_indirect_dma source(%dma_start3A_37 : memref<10000x128xf32, #tpu.memory_space<hbm>>) target(%arg10 : memref<128x128xf32, #tpu.memory_space<vmem>>) offsets(%dma_start3A_34 : memref<128xi32, #tpu.memory_space<vmem>>) semaphore(%arg13 : memref<!tpu.dma_semaphore, #tpu.memory_space<semaphore_mem>>)
      %dma_wait3A = arith.constant 0 : i32
      %dma_wait3A_38 = tpu.memref_slice %arg7[%mul3A_24, %dma_wait3A] : memref<40x128xi32, #tpu.memory_space<vmem>> -> memref<1x128xi32, #tpu.memory_space<vmem>>
      %dma_wait3A_39 = tpu.memref_squeeze %dma_wait3A_38 : memref<1x128xi32, #tpu.memory_space<vmem>> -> memref<128xi32, #tpu.memory_space<vmem>>
      %dma_wait3A_40 = arith.constant 0 : i32
      %dma_wait3A_41 = arith.constant 0 : i32
      %dma_wait3A_42 = tpu.memref_slice %arg4[%dma_wait3A_40, %dma_wait3A_41] : memref<10000x128xf32, #tpu.memory_space<hbm>> -> memref<10000x128xf32, #tpu.memory_space<hbm>>
      tpu.wait_indirect_dma semaphore(%arg12 : memref<!tpu.dma_semaphore, #tpu.memory_space<semaphore_mem>>) src(%dma_wait3A_42 : memref<10000x128xf32, #tpu.memory_space<hbm>>) dst(%arg9 : memref<128x128xf32, #tpu.memory_space<vmem>>)
      %dma_start3A_43 = arith.constant 0 : i32
      %dma_start3A_44 = tpu.memref_slice %arg8[%mul3A_24, %dma_start3A_43] : memref<40x128xi32, #tpu.memory_space<vmem>> -> memref<1x128xi32, #tpu.memory_space<vmem>>
      %dma_start3A_45 = tpu.memref_squeeze %dma_start3A_44 : memref<1x128xi32, #tpu.memory_space<vmem>> -> memref<128xi32, #tpu.memory_space<vmem>>
      %dma_start3A_46 = arith.constant 0 : i32
      %dma_start3A_47 = arith.constant 0 : i32
      %dma_start3A_48 = tpu.memref_slice %arg11[%dma_start3A_46, %dma_start3A_47] : memref<10240x128xf32, #tpu.memory_space<vmem_shared>> -> memref<10240x128xf32, #tpu.memory_space<vmem_shared>>
      tpu.enqueue_indirect_dma source(%arg9 : memref<128x128xf32, #tpu.memory_space<vmem>>) target(%dma_start3A_48 : memref<10240x128xf32, #tpu.memory_space<vmem_shared>>) offsets(%dma_start3A_45 : memref<128xi32, #tpu.memory_space<vmem>>) semaphore(%arg14 : memref<!tpu.dma_semaphore, #tpu.memory_space<semaphore_mem>>) {add = true}
      %dma_wait3A_49 = arith.constant 0 : i32
      %dma_wait3A_50 = tpu.memref_slice %arg7[%add3A_31, %dma_wait3A_49] : memref<40x128xi32, #tpu.memory_space<vmem>> -> memref<1x128xi32, #tpu.memory_space<vmem>>
      %dma_wait3A_51 = tpu.memref_squeeze %dma_wait3A_50 : memref<1x128xi32, #tpu.memory_space<vmem>> -> memref<128xi32, #tpu.memory_space<vmem>>
      %dma_wait3A_52 = arith.constant 0 : i32
      %dma_wait3A_53 = arith.constant 0 : i32
      %dma_wait3A_54 = tpu.memref_slice %arg4[%dma_wait3A_52, %dma_wait3A_53] : memref<10000x128xf32, #tpu.memory_space<hbm>> -> memref<10000x128xf32, #tpu.memory_space<hbm>>
      tpu.wait_indirect_dma semaphore(%arg13 : memref<!tpu.dma_semaphore, #tpu.memory_space<semaphore_mem>>) src(%dma_wait3A_54 : memref<10000x128xf32, #tpu.memory_space<hbm>>) dst(%arg10 : memref<128x128xf32, #tpu.memory_space<vmem>>)
      %add3A_55 = arith.constant 1 : i32
      %add3A_56 = arith.addi %mul3A_24, %add3A_55 : i32
      %dma_start3A_57 = arith.constant 0 : i32
      %dma_start3A_58 = tpu.memref_slice %arg8[%add3A_56, %dma_start3A_57] : memref<40x128xi32, #tpu.memory_space<vmem>> -> memref<1x128xi32, #tpu.memory_space<vmem>>
      %dma_start3A_59 = tpu.memref_squeeze %dma_start3A_58 : memref<1x128xi32, #tpu.memory_space<vmem>> -> memref<128xi32, #tpu.memory_space<vmem>>
      %dma_start3A_60 = arith.constant 0 : i32
      %dma_start3A_61 = arith.constant 0 : i32
      %dma_start3A_62 = tpu.memref_slice %arg11[%dma_start3A_60, %dma_start3A_61] : memref<10240x128xf32, #tpu.memory_space<vmem_shared>> -> memref<10240x128xf32, #tpu.memory_space<vmem_shared>>
      tpu.enqueue_indirect_dma source(%arg10 : memref<128x128xf32, #tpu.memory_space<vmem>>) target(%dma_start3A_62 : memref<10240x128xf32, #tpu.memory_space<vmem_shared>>) offsets(%dma_start3A_59 : memref<128xi32, #tpu.memory_space<vmem>>) semaphore(%arg15 : memref<!tpu.dma_semaphore, #tpu.memory_space<semaphore_mem>>) {add = true}
      %dma_wait3A_63 = arith.constant 0 : i32
      %dma_wait3A_64 = tpu.memref_slice %arg8[%mul3A_24, %dma_wait3A_63] : memref<40x128xi32, #tpu.memory_space<vmem>> -> memref<1x128xi32, #tpu.memory_space<vmem>>
      %dma_wait3A_65 = tpu.memref_squeeze %dma_wait3A_64 : memref<1x128xi32, #tpu.memory_space<vmem>> -> memref<128xi32, #tpu.memory_space<vmem>>
      %dma_wait3A_66 = arith.constant 0 : i32
      %dma_wait3A_67 = arith.constant 0 : i32
      %dma_wait3A_68 = tpu.memref_slice %arg11[%dma_wait3A_66, %dma_wait3A_67] : memref<10240x128xf32, #tpu.memory_space<vmem_shared>> -> memref<10240x128xf32, #tpu.memory_space<vmem_shared>>
      tpu.wait_indirect_dma semaphore(%arg14 : memref<!tpu.dma_semaphore, #tpu.memory_space<semaphore_mem>>) src(%arg9 : memref<128x128xf32, #tpu.memory_space<vmem>>) dst(%dma_wait3A_68 : memref<10240x128xf32, #tpu.memory_space<vmem_shared>>)
      %add3A_69 = arith.constant 2 : i32
      %add3A_70 = arith.addi %mul3A_24, %add3A_69 : i32
      %dma_start3A_71 = arith.constant 0 : i32
      %dma_start3A_72 = tpu.memref_slice %arg7[%add3A_70, %dma_start3A_71] : memref<40x128xi32, #tpu.memory_space<vmem>> -> memref<1x128xi32, #tpu.memory_space<vmem>>
      %dma_start3A_73 = tpu.memref_squeeze %dma_start3A_72 : memref<1x128xi32, #tpu.memory_space<vmem>> -> memref<128xi32, #tpu.memory_space<vmem>>
      %dma_start3A_74 = arith.constant 0 : i32
      %dma_start3A_75 = arith.constant 0 : i32
      %dma_start3A_76 = tpu.memref_slice %arg4[%dma_start3A_74, %dma_start3A_75] : memref<10000x128xf32, #tpu.memory_space<hbm>> -> memref<10000x128xf32, #tpu.memory_space<hbm>>
      tpu.enqueue_indirect_dma source(%dma_start3A_76 : memref<10000x128xf32, #tpu.memory_space<hbm>>) target(%arg9 : memref<128x128xf32, #tpu.memory_space<vmem>>) offsets(%dma_start3A_73 : memref<128xi32, #tpu.memory_space<vmem>>) semaphore(%arg12 : memref<!tpu.dma_semaphore, #tpu.memory_space<semaphore_mem>>)
      %dma_wait3A_77 = arith.constant 0 : i32
      %dma_wait3A_78 = tpu.memref_slice %arg8[%add3A_56, %dma_wait3A_77] : memref<40x128xi32, #tpu.memory_space<vmem>> -> memref<1x128xi32, #tpu.memory_space<vmem>>
      %dma_wait3A_79 = tpu.memref_squeeze %dma_wait3A_78 : memref<1x128xi32, #tpu.memory_space<vmem>> -> memref<128xi32, #tpu.memory_space<vmem>>
      %dma_wait3A_80 = arith.constant 0 : i32
      %dma_wait3A_81 = arith.constant 0 : i32
      %dma_wait3A_82 = tpu.memref_slice %arg11[%dma_wait3A_80, %dma_wait3A_81] : memref<10240x128xf32, #tpu.memory_space<vmem_shared>> -> memref<10240x128xf32, #tpu.memory_space<vmem_shared>>
      tpu.wait_indirect_dma semaphore(%arg15 : memref<!tpu.dma_semaphore, #tpu.memory_space<semaphore_mem>>) src(%arg10 : memref<128x128xf32, #tpu.memory_space<vmem>>) dst(%dma_wait3A_82 : memref<10240x128xf32, #tpu.memory_space<vmem_shared>>)
      %add3A_83 = arith.constant 3 : i32
      %add3A_84 = arith.addi %mul3A_24, %add3A_83 : i32
      %dma_start3A_85 = arith.constant 0 : i32
      %dma_start3A_86 = tpu.memref_slice %arg7[%add3A_84, %dma_start3A_85] : memref<40x128xi32, #tpu.memory_space<vmem>> -> memref<1x128xi32, #tpu.memory_space<vmem>>
      %dma_start3A_87 = tpu.memref_squeeze %dma_start3A_86 : memref<1x128xi32, #tpu.memory_space<vmem>> -> memref<128xi32, #tpu.memory_space<vmem>>
      %dma_start3A_88 = arith.constant 0 : i32
      %dma_start3A_89 = arith.constant 0 : i32
      %dma_start3A_90 = tpu.memref_slice %arg4[%dma_start3A_88, %dma_start3A_89] : memref<10000x128xf32, #tpu.memory_space<hbm>> -> memref<10000x128xf32, #tpu.memory_space<hbm>>
      tpu.enqueue_indirect_dma source(%dma_start3A_90 : memref<10000x128xf32, #tpu.memory_space<hbm>>) target(%arg10 : memref<128x128xf32, #tpu.memory_space<vmem>>) offsets(%dma_start3A_87 : memref<128xi32, #tpu.memory_space<vmem>>) semaphore(%arg13 : memref<!tpu.dma_semaphore, #tpu.memory_space<semaphore_mem>>)
      %dma_wait3A_91 = arith.constant 0 : i32
      %dma_wait3A_92 = tpu.memref_slice %arg7[%add3A_70, %dma_wait3A_91] : memref<40x128xi32, #tpu.memory_space<vmem>> -> memref<1x128xi32, #tpu.memory_space<vmem>>
      %dma_wait3A_93 = tpu.memref_squeeze %dma_wait3A_92 : memref<1x128xi32, #tpu.memory_space<vmem>> -> memref<128xi32, #tpu.memory_space<vmem>>
      %dma_wait3A_94 = arith.constant 0 : i32
      %dma_wait3A_95 = arith.constant 0 : i32
      %dma_wait3A_96 = tpu.memref_slice %arg4[%dma_wait3A_94, %dma_wait3A_95] : memref<10000x128xf32, #tpu.memory_space<hbm>> -> memref<10000x128xf32, #tpu.memory_space<hbm>>
      tpu.wait_indirect_dma semaphore(%arg12 : memref<!tpu.dma_semaphore, #tpu.memory_space<semaphore_mem>>) src(%dma_wait3A_96 : memref<10000x128xf32, #tpu.memory_space<hbm>>) dst(%arg9 : memref<128x128xf32, #tpu.memory_space<vmem>>)
      %add3A_97 = arith.constant 2 : i32
      %add3A_98 = arith.addi %mul3A_24, %add3A_97 : i32
      %dma_start3A_99 = arith.constant 0 : i32
      %dma_start3A_100 = tpu.memref_slice %arg8[%add3A_98, %dma_start3A_99] : memref<40x128xi32, #tpu.memory_space<vmem>> -> memref<1x128xi32, #tpu.memory_space<vmem>>
      %dma_start3A_101 = tpu.memref_squeeze %dma_start3A_100 : memref<1x128xi32, #tpu.memory_space<vmem>> -> memref<128xi32, #tpu.memory_space<vmem>>
      %dma_start3A_102 = arith.constant 0 : i32
      %dma_start3A_103 = arith.constant 0 : i32
      %dma_start3A_104 = tpu.memref_slice %arg11[%dma_start3A_102, %dma_start3A_103] : memref<10240x128xf32, #tpu.memory_space<vmem_shared>> -> memref<10240x128xf32, #tpu.memory_space<vmem_shared>>
      tpu.enqueue_indirect_dma source(%arg9 : memref<128x128xf32, #tpu.memory_space<vmem>>) target(%dma_start3A_104 : memref<10240x128xf32, #tpu.memory_space<vmem_shared>>) offsets(%dma_start3A_101 : memref<128xi32, #tpu.memory_space<vmem>>) semaphore(%arg14 : memref<!tpu.dma_semaphore, #tpu.memory_space<semaphore_mem>>) {add = true}
      %dma_wait3A_105 = arith.constant 0 : i32
      %dma_wait3A_106 = tpu.memref_slice %arg7[%add3A_84, %dma_wait3A_105] : memref<40x128xi32, #tpu.memory_space<vmem>> -> memref<1x128xi32, #tpu.memory_space<vmem>>
      %dma_wait3A_107 = tpu.memref_squeeze %dma_wait3A_106 : memref<1x128xi32, #tpu.memory_space<vmem>> -> memref<128xi32, #tpu.memory_space<vmem>>
      %dma_wait3A_108 = arith.constant 0 : i32
      %dma_wait3A_109 = arith.constant 0 : i32
      %dma_wait3A_110 = tpu.memref_slice %arg4[%dma_wait3A_108, %dma_wait3A_109] : memref<10000x128xf32, #tpu.memory_space<hbm>> -> memref<10000x128xf32, #tpu.memory_space<hbm>>
      tpu.wait_indirect_dma semaphore(%arg13 : memref<!tpu.dma_semaphore, #tpu.memory_space<semaphore_mem>>) src(%dma_wait3A_110 : memref<10000x128xf32, #tpu.memory_space<hbm>>) dst(%arg10 : memref<128x128xf32, #tpu.memory_space<vmem>>)
      %add3A_111 = arith.constant 3 : i32
      %add3A_112 = arith.addi %mul3A_24, %add3A_111 : i32
      %dma_start3A_113 = arith.constant 0 : i32
      %dma_start3A_114 = tpu.memref_slice %arg8[%add3A_112, %dma_start3A_113] : memref<40x128xi32, #tpu.memory_space<vmem>> -> memref<1x128xi32, #tpu.memory_space<vmem>>
      %dma_start3A_115 = tpu.memref_squeeze %dma_start3A_114 : memref<1x128xi32, #tpu.memory_space<vmem>> -> memref<128xi32, #tpu.memory_space<vmem>>
      %dma_start3A_116 = arith.constant 0 : i32
      %dma_start3A_117 = arith.constant 0 : i32
      %dma_start3A_118 = tpu.memref_slice %arg11[%dma_start3A_116, %dma_start3A_117] : memref<10240x128xf32, #tpu.memory_space<vmem_shared>> -> memref<10240x128xf32, #tpu.memory_space<vmem_shared>>
      tpu.enqueue_indirect_dma source(%arg10 : memref<128x128xf32, #tpu.memory_space<vmem>>) target(%dma_start3A_118 : memref<10240x128xf32, #tpu.memory_space<vmem_shared>>) offsets(%dma_start3A_115 : memref<128xi32, #tpu.memory_space<vmem>>) semaphore(%arg15 : memref<!tpu.dma_semaphore, #tpu.memory_space<semaphore_mem>>) {add = true}
      %dma_wait3A_119 = arith.constant 0 : i32
      %dma_wait3A_120 = tpu.memref_slice %arg8[%add3A_98, %dma_wait3A_119] : memref<40x128xi32, #tpu.memory_space<vmem>> -> memref<1x128xi32, #tpu.memory_space<vmem>>
      %dma_wait3A_121 = tpu.memref_squeeze %dma_wait3A_120 : memref<1x128xi32, #tpu.memory_space<vmem>> -> memref<128xi32, #tpu.memory_space<vmem>>
      %dma_wait3A_122 = arith.constant 0 : i32
      %dma_wait3A_123 = arith.constant 0 : i32
      %dma_wait3A_124 = tpu.memref_slice %arg11[%dma_wait3A_122, %dma_wait3A_123] : memref<10240x128xf32, #tpu.memory_space<vmem_shared>> -> memref<10240x128xf32, #tpu.memory_space<vmem_shared>>
      tpu.wait_indirect_dma semaphore(%arg14 : memref<!tpu.dma_semaphore, #tpu.memory_space<semaphore_mem>>) src(%arg9 : memref<128x128xf32, #tpu.memory_space<vmem>>) dst(%dma_wait3A_124 : memref<10240x128xf32, #tpu.memory_space<vmem_shared>>)
      %dma_wait3A_125 = arith.constant 0 : i32
      %dma_wait3A_126 = tpu.memref_slice %arg8[%add3A_112, %dma_wait3A_125] : memref<40x128xi32, #tpu.memory_space<vmem>> -> memref<1x128xi32, #tpu.memory_space<vmem>>
      %dma_wait3A_127 = tpu.memref_squeeze %dma_wait3A_126 : memref<1x128xi32, #tpu.memory_space<vmem>> -> memref<128xi32, #tpu.memory_space<vmem>>
      %dma_wait3A_128 = arith.constant 0 : i32
      %dma_wait3A_129 = arith.constant 0 : i32
      %dma_wait3A_130 = tpu.memref_slice %arg11[%dma_wait3A_128, %dma_wait3A_129] : memref<10240x128xf32, #tpu.memory_space<vmem_shared>> -> memref<10240x128xf32, #tpu.memory_space<vmem_shared>>
      tpu.wait_indirect_dma semaphore(%arg15 : memref<!tpu.dma_semaphore, #tpu.memory_space<semaphore_mem>>) src(%arg10 : memref<128x128xf32, #tpu.memory_space<vmem>>) dst(%dma_wait3A_130 : memref<10240x128xf32, #tpu.memory_space<vmem_shared>>)
      %scan3A_131 = arith.constant 0 : i32
      scf.yield %scan3A_131 : i32
    }
    %scan3A_8 = arith.constant 10 : i32
    "tpu.region"() ({
      %run_scoped3A = tpu.sem_alloc : memref<!tpu.dma_semaphore, #tpu.memory_space<semaphore_mem>>
      %dma_start3A = arith.constant 40 : i32
      %dma_start3A_21 = arith.constant 0 : i32
      %dma_start3A_22 = tpu.memref_slice %arg2[%add3A, %dma_start3A, %dma_start3A_21] : memref<32x80x128xi32, #tpu.memory_space<hbm>> -> memref<1x40x128xi32, #tpu.memory_space<hbm>>
      %dma_start3A_23 = tpu.memref_squeeze %dma_start3A_22 : memref<1x40x128xi32, #tpu.memory_space<hbm>> -> memref<40x128xi32, #tpu.memory_space<hbm>>
      %dma_start3A_24 = arith.constant 40 : i32
      %dma_start3A_25 = arith.constant 0 : i32
      %dma_start3A_26 = tpu.memref_slice %arg2[%add3A, %dma_start3A_24, %dma_start3A_25] : memref<32x80x128xi32, #tpu.memory_space<hbm>> -> memref<1x40x128xi32, #tpu.memory_space<hbm>>
      %dma_start3A_27 = tpu.memref_squeeze %dma_start3A_26 : memref<1x40x128xi32, #tpu.memory_space<hbm>> -> memref<40x128xi32, #tpu.memory_space<hbm>>
      tpu.enqueue_dma source(%dma_start3A_27 : memref<40x128xi32, #tpu.memory_space<hbm>>) target(%arg7 : memref<40x128xi32, #tpu.memory_space<vmem>>) target_semaphore(%run_scoped3A : memref<!tpu.dma_semaphore, #tpu.memory_space<semaphore_mem>>)
      %dma_wait3A = arith.constant 40 : i32
      %dma_wait3A_28 = arith.constant 0 : i32
      %dma_wait3A_29 = tpu.memref_slice %arg2[%add3A, %dma_wait3A, %dma_wait3A_28] : memref<32x80x128xi32, #tpu.memory_space<hbm>> -> memref<1x40x128xi32, #tpu.memory_space<hbm>>
      %dma_wait3A_30 = tpu.memref_squeeze %dma_wait3A_29 : memref<1x40x128xi32, #tpu.memory_space<hbm>> -> memref<40x128xi32, #tpu.memory_space<hbm>>
      %dma_wait3A_31 = arith.constant 40 : i32
      %dma_wait3A_32 = arith.constant 0 : i32
      %dma_wait3A_33 = tpu.memref_slice %arg2[%add3A, %dma_wait3A_31, %dma_wait3A_32] : memref<32x80x128xi32, #tpu.memory_space<hbm>> -> memref<1x40x128xi32, #tpu.memory_space<hbm>>
      %dma_wait3A_34 = tpu.memref_squeeze %dma_wait3A_33 : memref<1x40x128xi32, #tpu.memory_space<hbm>> -> memref<40x128xi32, #tpu.memory_space<hbm>>
      tpu.wait_dma2 semaphore(%run_scoped3A : memref<!tpu.dma_semaphore, #tpu.memory_space<semaphore_mem>>) src(%dma_wait3A_34 : memref<40x128xi32, #tpu.memory_space<hbm>>) dst(%arg7 : memref<40x128xi32, #tpu.memory_space<vmem>>)
      tpu.yield
    }) : () -> ()
    "tpu.region"() ({
      %run_scoped3A = tpu.sem_alloc : memref<!tpu.dma_semaphore, #tpu.memory_space<semaphore_mem>>
      %dma_start3A = arith.constant 40 : i32
      %dma_start3A_21 = arith.constant 0 : i32
      %dma_start3A_22 = tpu.memref_slice %arg3[%add3A, %dma_start3A, %dma_start3A_21] : memref<32x80x128xi32, #tpu.memory_space<hbm>> -> memref<1x40x128xi32, #tpu.memory_space<hbm>>
      %dma_start3A_23 = tpu.memref_squeeze %dma_start3A_22 : memref<1x40x128xi32, #tpu.memory_space<hbm>> -> memref<40x128xi32, #tpu.memory_space<hbm>>
      %dma_start3A_24 = arith.constant 40 : i32
      %dma_start3A_25 = arith.constant 0 : i32
      %dma_start3A_26 = tpu.memref_slice %arg3[%add3A, %dma_start3A_24, %dma_start3A_25] : memref<32x80x128xi32, #tpu.memory_space<hbm>> -> memref<1x40x128xi32, #tpu.memory_space<hbm>>
      %dma_start3A_27 = tpu.memref_squeeze %dma_start3A_26 : memref<1x40x128xi32, #tpu.memory_space<hbm>> -> memref<40x128xi32, #tpu.memory_space<hbm>>
      tpu.enqueue_dma source(%dma_start3A_27 : memref<40x128xi32, #tpu.memory_space<hbm>>) target(%arg8 : memref<40x128xi32, #tpu.memory_space<vmem>>) target_semaphore(%run_scoped3A : memref<!tpu.dma_semaphore, #tpu.memory_space<semaphore_mem>>)
      %dma_wait3A = arith.constant 40 : i32
      %dma_wait3A_28 = arith.constant 0 : i32
      %dma_wait3A_29 = tpu.memref_slice %arg3[%add3A, %dma_wait3A, %dma_wait3A_28] : memref<32x80x128xi32, #tpu.memory_space<hbm>> -> memref<1x40x128xi32, #tpu.memory_space<hbm>>
      %dma_wait3A_30 = tpu.memref_squeeze %dma_wait3A_29 : memref<1x40x128xi32, #tpu.memory_space<hbm>> -> memref<40x128xi32, #tpu.memory_space<hbm>>
      %dma_wait3A_31 = arith.constant 40 : i32
      %dma_wait3A_32 = arith.constant 0 : i32
      %dma_wait3A_33 = tpu.memref_slice %arg3[%add3A, %dma_wait3A_31, %dma_wait3A_32] : memref<32x80x128xi32, #tpu.memory_space<hbm>> -> memref<1x40x128xi32, #tpu.memory_space<hbm>>
      %dma_wait3A_34 = tpu.memref_squeeze %dma_wait3A_33 : memref<1x40x128xi32, #tpu.memory_space<hbm>> -> memref<40x128xi32, #tpu.memory_space<hbm>>
      tpu.wait_dma2 semaphore(%run_scoped3A : memref<!tpu.dma_semaphore, #tpu.memory_space<semaphore_mem>>) src(%dma_wait3A_34 : memref<40x128xi32, #tpu.memory_space<hbm>>) dst(%arg8 : memref<40x128xi32, #tpu.memory_space<vmem>>)
      tpu.yield
    }) : () -> ()
    %scan3A_9 = arith.constant 0 : i32
    %scan3A_10 = arith.constant 0 : i32
    %scan3A_11 = arith.constant 10 : i32
    %scan3A_12 = arith.addi %scan3A_10, %scan3A_11 : i32
    %scan3A_13 = arith.constant 1 : i32
    %scan3A_14 = scf.for %scan3A_21 = %scan3A_10 to %scan3A_12 step %scan3A_13 iter_args(%scan3A_22 = %scan3A_9) -> (i32)  : i32 {
      %mul3A_23 = arith.constant 4 : i32
      %mul3A_24 = arith.muli %mul3A_23, %scan3A_21 : i32
      %dma_start3A = arith.constant 0 : i32
      %dma_start3A_25 = tpu.memref_slice %arg7[%mul3A_24, %dma_start3A] : memref<40x128xi32, #tpu.memory_space<vmem>> -> memref<1x128xi32, #tpu.memory_space<vmem>>
      %dma_start3A_26 = tpu.memref_squeeze %dma_start3A_25 : memref<1x128xi32, #tpu.memory_space<vmem>> -> memref<128xi32, #tpu.memory_space<vmem>>
      %dma_start3A_27 = arith.constant 0 : i32
      %dma_start3A_28 = arith.constant 0 : i32
      %dma_start3A_29 = tpu.memref_slice %arg4[%dma_start3A_27, %dma_start3A_28] : memref<10000x128xf32, #tpu.memory_space<hbm>> -> memref<10000x128xf32, #tpu.memory_space<hbm>>
      tpu.enqueue_indirect_dma source(%dma_start3A_29 : memref<10000x128xf32, #tpu.memory_space<hbm>>) target(%arg9 : memref<128x128xf32, #tpu.memory_space<vmem>>) offsets(%dma_start3A_26 : memref<128xi32, #tpu.memory_space<vmem>>) semaphore(%arg12 : memref<!tpu.dma_semaphore, #tpu.memory_space<semaphore_mem>>)
      %add3A_30 = arith.constant 1 : i32
      %add3A_31 = arith.addi %mul3A_24, %add3A_30 : i32
      %dma_start3A_32 = arith.constant 0 : i32
      %dma_start3A_33 = tpu.memref_slice %arg7[%add3A_31, %dma_start3A_32] : memref<40x128xi32, #tpu.memory_space<vmem>> -> memref<1x128xi32, #tpu.memory_space<vmem>>
      %dma_start3A_34 = tpu.memref_squeeze %dma_start3A_33 : memref<1x128xi32, #tpu.memory_space<vmem>> -> memref<128xi32, #tpu.memory_space<vmem>>
      %dma_start3A_35 = arith.constant 0 : i32
      %dma_start3A_36 = arith.constant 0 : i32
      %dma_start3A_37 = tpu.memref_slice %arg4[%dma_start3A_35, %dma_start3A_36] : memref<10000x128xf32, #tpu.memory_space<hbm>> -> memref<10000x128xf32, #tpu.memory_space<hbm>>
      tpu.enqueue_indirect_dma source(%dma_start3A_37 : memref<10000x128xf32, #tpu.memory_space<hbm>>) target(%arg10 : memref<128x128xf32, #tpu.memory_space<vmem>>) offsets(%dma_start3A_34 : memref<128xi32, #tpu.memory_space<vmem>>) semaphore(%arg13 : memref<!tpu.dma_semaphore, #tpu.memory_space<semaphore_mem>>)
      %dma_wait3A = arith.constant 0 : i32
      %dma_wait3A_38 = tpu.memref_slice %arg7[%mul3A_24, %dma_wait3A] : memref<40x128xi32, #tpu.memory_space<vmem>> -> memref<1x128xi32, #tpu.memory_space<vmem>>
      %dma_wait3A_39 = tpu.memref_squeeze %dma_wait3A_38 : memref<1x128xi32, #tpu.memory_space<vmem>> -> memref<128xi32, #tpu.memory_space<vmem>>
      %dma_wait3A_40 = arith.constant 0 : i32
      %dma_wait3A_41 = arith.constant 0 : i32
      %dma_wait3A_42 = tpu.memref_slice %arg4[%dma_wait3A_40, %dma_wait3A_41] : memref<10000x128xf32, #tpu.memory_space<hbm>> -> memref<10000x128xf32, #tpu.memory_space<hbm>>
      tpu.wait_indirect_dma semaphore(%arg12 : memref<!tpu.dma_semaphore, #tpu.memory_space<semaphore_mem>>) src(%dma_wait3A_42 : memref<10000x128xf32, #tpu.memory_space<hbm>>) dst(%arg9 : memref<128x128xf32, #tpu.memory_space<vmem>>)
      %dma_start3A_43 = arith.constant 0 : i32
      %dma_start3A_44 = tpu.memref_slice %arg8[%mul3A_24, %dma_start3A_43] : memref<40x128xi32, #tpu.memory_space<vmem>> -> memref<1x128xi32, #tpu.memory_space<vmem>>
      %dma_start3A_45 = tpu.memref_squeeze %dma_start3A_44 : memref<1x128xi32, #tpu.memory_space<vmem>> -> memref<128xi32, #tpu.memory_space<vmem>>
      %dma_start3A_46 = arith.constant 0 : i32
      %dma_start3A_47 = arith.constant 0 : i32
      %dma_start3A_48 = tpu.memref_slice %arg11[%dma_start3A_46, %dma_start3A_47] : memref<10240x128xf32, #tpu.memory_space<vmem_shared>> -> memref<10240x128xf32, #tpu.memory_space<vmem_shared>>
      tpu.enqueue_indirect_dma source(%arg9 : memref<128x128xf32, #tpu.memory_space<vmem>>) target(%dma_start3A_48 : memref<10240x128xf32, #tpu.memory_space<vmem_shared>>) offsets(%dma_start3A_45 : memref<128xi32, #tpu.memory_space<vmem>>) semaphore(%arg14 : memref<!tpu.dma_semaphore, #tpu.memory_space<semaphore_mem>>) {add = true}
      %dma_wait3A_49 = arith.constant 0 : i32
      %dma_wait3A_50 = tpu.memref_slice %arg7[%add3A_31, %dma_wait3A_49] : memref<40x128xi32, #tpu.memory_space<vmem>> -> memref<1x128xi32, #tpu.memory_space<vmem>>
      %dma_wait3A_51 = tpu.memref_squeeze %dma_wait3A_50 : memref<1x128xi32, #tpu.memory_space<vmem>> -> memref<128xi32, #tpu.memory_space<vmem>>
      %dma_wait3A_52 = arith.constant 0 : i32
      %dma_wait3A_53 = arith.constant 0 : i32
      %dma_wait3A_54 = tpu.memref_slice %arg4[%dma_wait3A_52, %dma_wait3A_53] : memref<10000x128xf32, #tpu.memory_space<hbm>> -> memref<10000x128xf32, #tpu.memory_space<hbm>>
      tpu.wait_indirect_dma semaphore(%arg13 : memref<!tpu.dma_semaphore, #tpu.memory_space<semaphore_mem>>) src(%dma_wait3A_54 : memref<10000x128xf32, #tpu.memory_space<hbm>>) dst(%arg10 : memref<128x128xf32, #tpu.memory_space<vmem>>)
      %add3A_55 = arith.constant 1 : i32
      %add3A_56 = arith.addi %mul3A_24, %add3A_55 : i32
      %dma_start3A_57 = arith.constant 0 : i32
      %dma_start3A_58 = tpu.memref_slice %arg8[%add3A_56, %dma_start3A_57] : memref<40x128xi32, #tpu.memory_space<vmem>> -> memref<1x128xi32, #tpu.memory_space<vmem>>
      %dma_start3A_59 = tpu.memref_squeeze %dma_start3A_58 : memref<1x128xi32, #tpu.memory_space<vmem>> -> memref<128xi32, #tpu.memory_space<vmem>>
      %dma_start3A_60 = arith.constant 0 : i32
      %dma_start3A_61 = arith.constant 0 : i32
      %dma_start3A_62 = tpu.memref_slice %arg11[%dma_start3A_60, %dma_start3A_61] : memref<10240x128xf32, #tpu.memory_space<vmem_shared>> -> memref<10240x128xf32, #tpu.memory_space<vmem_shared>>
      tpu.enqueue_indirect_dma source(%arg10 : memref<128x128xf32, #tpu.memory_space<vmem>>) target(%dma_start3A_62 : memref<10240x128xf32, #tpu.memory_space<vmem_shared>>) offsets(%dma_start3A_59 : memref<128xi32, #tpu.memory_space<vmem>>) semaphore(%arg15 : memref<!tpu.dma_semaphore, #tpu.memory_space<semaphore_mem>>) {add = true}
      %dma_wait3A_63 = arith.constant 0 : i32
      %dma_wait3A_64 = tpu.memref_slice %arg8[%mul3A_24, %dma_wait3A_63] : memref<40x128xi32, #tpu.memory_space<vmem>> -> memref<1x128xi32, #tpu.memory_space<vmem>>
      %dma_wait3A_65 = tpu.memref_squeeze %dma_wait3A_64 : memref<1x128xi32, #tpu.memory_space<vmem>> -> memref<128xi32, #tpu.memory_space<vmem>>
      %dma_wait3A_66 = arith.constant 0 : i32
      %dma_wait3A_67 = arith.constant 0 : i32
      %dma_wait3A_68 = tpu.memref_slice %arg11[%dma_wait3A_66, %dma_wait3A_67] : memref<10240x128xf32, #tpu.memory_space<vmem_shared>> -> memref<10240x128xf32, #tpu.memory_space<vmem_shared>>
      tpu.wait_indirect_dma semaphore(%arg14 : memref<!tpu.dma_semaphore, #tpu.memory_space<semaphore_mem>>) src(%arg9 : memref<128x128xf32, #tpu.memory_space<vmem>>) dst(%dma_wait3A_68 : memref<10240x128xf32, #tpu.memory_space<vmem_shared>>)
      %add3A_69 = arith.constant 2 : i32
      %add3A_70 = arith.addi %mul3A_24, %add3A_69 : i32
      %dma_start3A_71 = arith.constant 0 : i32
      %dma_start3A_72 = tpu.memref_slice %arg7[%add3A_70, %dma_start3A_71] : memref<40x128xi32, #tpu.memory_space<vmem>> -> memref<1x128xi32, #tpu.memory_space<vmem>>
      %dma_start3A_73 = tpu.memref_squeeze %dma_start3A_72 : memref<1x128xi32, #tpu.memory_space<vmem>> -> memref<128xi32, #tpu.memory_space<vmem>>
      %dma_start3A_74 = arith.constant 0 : i32
      %dma_start3A_75 = arith.constant 0 : i32
      %dma_start3A_76 = tpu.memref_slice %arg4[%dma_start3A_74, %dma_start3A_75] : memref<10000x128xf32, #tpu.memory_space<hbm>> -> memref<10000x128xf32, #tpu.memory_space<hbm>>
      tpu.enqueue_indirect_dma source(%dma_start3A_76 : memref<10000x128xf32, #tpu.memory_space<hbm>>) target(%arg9 : memref<128x128xf32, #tpu.memory_space<vmem>>) offsets(%dma_start3A_73 : memref<128xi32, #tpu.memory_space<vmem>>) semaphore(%arg12 : memref<!tpu.dma_semaphore, #tpu.memory_space<semaphore_mem>>)
      %dma_wait3A_77 = arith.constant 0 : i32
      %dma_wait3A_78 = tpu.memref_slice %arg8[%add3A_56, %dma_wait3A_77] : memref<40x128xi32, #tpu.memory_space<vmem>> -> memref<1x128xi32, #tpu.memory_space<vmem>>
      %dma_wait3A_79 = tpu.memref_squeeze %dma_wait3A_78 : memref<1x128xi32, #tpu.memory_space<vmem>> -> memref<128xi32, #tpu.memory_space<vmem>>
      %dma_wait3A_80 = arith.constant 0 : i32
      %dma_wait3A_81 = arith.constant 0 : i32
      %dma_wait3A_82 = tpu.memref_slice %arg11[%dma_wait3A_80, %dma_wait3A_81] : memref<10240x128xf32, #tpu.memory_space<vmem_shared>> -> memref<10240x128xf32, #tpu.memory_space<vmem_shared>>
      tpu.wait_indirect_dma semaphore(%arg15 : memref<!tpu.dma_semaphore, #tpu.memory_space<semaphore_mem>>) src(%arg10 : memref<128x128xf32, #tpu.memory_space<vmem>>) dst(%dma_wait3A_82 : memref<10240x128xf32, #tpu.memory_space<vmem_shared>>)
      %add3A_83 = arith.constant 3 : i32
      %add3A_84 = arith.addi %mul3A_24, %add3A_83 : i32
      %dma_start3A_85 = arith.constant 0 : i32
      %dma_start3A_86 = tpu.memref_slice %arg7[%add3A_84, %dma_start3A_85] : memref<40x128xi32, #tpu.memory_space<vmem>> -> memref<1x128xi32, #tpu.memory_space<vmem>>
      %dma_start3A_87 = tpu.memref_squeeze %dma_start3A_86 : memref<1x128xi32, #tpu.memory_space<vmem>> -> memref<128xi32, #tpu.memory_space<vmem>>
      %dma_start3A_88 = arith.constant 0 : i32
      %dma_start3A_89 = arith.constant 0 : i32
      %dma_start3A_90 = tpu.memref_slice %arg4[%dma_start3A_88, %dma_start3A_89] : memref<10000x128xf32, #tpu.memory_space<hbm>> -> memref<10000x128xf32, #tpu.memory_space<hbm>>
      tpu.enqueue_indirect_dma source(%dma_start3A_90 : memref<10000x128xf32, #tpu.memory_space<hbm>>) target(%arg10 : memref<128x128xf32, #tpu.memory_space<vmem>>) offsets(%dma_start3A_87 : memref<128xi32, #tpu.memory_space<vmem>>) semaphore(%arg13 : memref<!tpu.dma_semaphore, #tpu.memory_space<semaphore_mem>>)
      %dma_wait3A_91 = arith.constant 0 : i32
      %dma_wait3A_92 = tpu.memref_slice %arg7[%add3A_70, %dma_wait3A_91] : memref<40x128xi32, #tpu.memory_space<vmem>> -> memref<1x128xi32, #tpu.memory_space<vmem>>
      %dma_wait3A_93 = tpu.memref_squeeze %dma_wait3A_92 : memref<1x128xi32, #tpu.memory_space<vmem>> -> memref<128xi32, #tpu.memory_space<vmem>>
      %dma_wait3A_94 = arith.constant 0 : i32
      %dma_wait3A_95 = arith.constant 0 : i32
      %dma_wait3A_96 = tpu.memref_slice %arg4[%dma_wait3A_94, %dma_wait3A_95] : memref<10000x128xf32, #tpu.memory_space<hbm>> -> memref<10000x128xf32, #tpu.memory_space<hbm>>
      tpu.wait_indirect_dma semaphore(%arg12 : memref<!tpu.dma_semaphore, #tpu.memory_space<semaphore_mem>>) src(%dma_wait3A_96 : memref<10000x128xf32, #tpu.memory_space<hbm>>) dst(%arg9 : memref<128x128xf32, #tpu.memory_space<vmem>>)
      %add3A_97 = arith.constant 2 : i32
      %add3A_98 = arith.addi %mul3A_24, %add3A_97 : i32
      %dma_start3A_99 = arith.constant 0 : i32
      %dma_start3A_100 = tpu.memref_slice %arg8[%add3A_98, %dma_start3A_99] : memref<40x128xi32, #tpu.memory_space<vmem>> -> memref<1x128xi32, #tpu.memory_space<vmem>>
      %dma_start3A_101 = tpu.memref_squeeze %dma_start3A_100 : memref<1x128xi32, #tpu.memory_space<vmem>> -> memref<128xi32, #tpu.memory_space<vmem>>
      %dma_start3A_102 = arith.constant 0 : i32
      %dma_start3A_103 = arith.constant 0 : i32
      %dma_start3A_104 = tpu.memref_slice %arg11[%dma_start3A_102, %dma_start3A_103] : memref<10240x128xf32, #tpu.memory_space<vmem_shared>> -> memref<10240x128xf32, #tpu.memory_space<vmem_shared>>
      tpu.enqueue_indirect_dma source(%arg9 : memref<128x128xf32, #tpu.memory_space<vmem>>) target(%dma_start3A_104 : memref<10240x128xf32, #tpu.memory_space<vmem_shared>>) offsets(%dma_start3A_101 : memref<128xi32, #tpu.memory_space<vmem>>) semaphore(%arg14 : memref<!tpu.dma_semaphore, #tpu.memory_space<semaphore_mem>>) {add = true}
      %dma_wait3A_105 = arith.constant 0 : i32
      %dma_wait3A_106 = tpu.memref_slice %arg7[%add3A_84, %dma_wait3A_105] : memref<40x128xi32, #tpu.memory_space<vmem>> -> memref<1x128xi32, #tpu.memory_space<vmem>>
      %dma_wait3A_107 = tpu.memref_squeeze %dma_wait3A_106 : memref<1x128xi32, #tpu.memory_space<vmem>> -> memref<128xi32, #tpu.memory_space<vmem>>
      %dma_wait3A_108 = arith.constant 0 : i32
      %dma_wait3A_109 = arith.constant 0 : i32
      %dma_wait3A_110 = tpu.memref_slice %arg4[%dma_wait3A_108, %dma_wait3A_109] : memref<10000x128xf32, #tpu.memory_space<hbm>> -> memref<10000x128xf32, #tpu.memory_space<hbm>>
      tpu.wait_indirect_dma semaphore(%arg13 : memref<!tpu.dma_semaphore, #tpu.memory_space<semaphore_mem>>) src(%dma_wait3A_110 : memref<10000x128xf32, #tpu.memory_space<hbm>>) dst(%arg10 : memref<128x128xf32, #tpu.memory_space<vmem>>)
      %add3A_111 = arith.constant 3 : i32
      %add3A_112 = arith.addi %mul3A_24, %add3A_111 : i32
      %dma_start3A_113 = arith.constant 0 : i32
      %dma_start3A_114 = tpu.memref_slice %arg8[%add3A_112, %dma_start3A_113] : memref<40x128xi32, #tpu.memory_space<vmem>> -> memref<1x128xi32, #tpu.memory_space<vmem>>
      %dma_start3A_115 = tpu.memref_squeeze %dma_start3A_114 : memref<1x128xi32, #tpu.memory_space<vmem>> -> memref<128xi32, #tpu.memory_space<vmem>>
      %dma_start3A_116 = arith.constant 0 : i32
      %dma_start3A_117 = arith.constant 0 : i32
      %dma_start3A_118 = tpu.memref_slice %arg11[%dma_start3A_116, %dma_start3A_117] : memref<10240x128xf32, #tpu.memory_space<vmem_shared>> -> memref<10240x128xf32, #tpu.memory_space<vmem_shared>>
      tpu.enqueue_indirect_dma source(%arg10 : memref<128x128xf32, #tpu.memory_space<vmem>>) target(%dma_start3A_118 : memref<10240x128xf32, #tpu.memory_space<vmem_shared>>) offsets(%dma_start3A_115 : memref<128xi32, #tpu.memory_space<vmem>>) semaphore(%arg15 : memref<!tpu.dma_semaphore, #tpu.memory_space<semaphore_mem>>) {add = true}
      %dma_wait3A_119 = arith.constant 0 : i32
      %dma_wait3A_120 = tpu.memref_slice %arg8[%add3A_98, %dma_wait3A_119] : memref<40x128xi32, #tpu.memory_space<vmem>> -> memref<1x128xi32, #tpu.memory_space<vmem>>
      %dma_wait3A_121 = tpu.memref_squeeze %dma_wait3A_120 : memref<1x128xi32, #tpu.memory_space<vmem>> -> memref<128xi32, #tpu.memory_space<vmem>>
      %dma_wait3A_122 = arith.constant 0 : i32
      %dma_wait3A_123 = arith.constant 0 : i32
      %dma_wait3A_124 = tpu.memref_slice %arg11[%dma_wait3A_122, %dma_wait3A_123] : memref<10240x128xf32, #tpu.memory_space<vmem_shared>> -> memref<10240x128xf32, #tpu.memory_space<vmem_shared>>
      tpu.wait_indirect_dma semaphore(%arg14 : memref<!tpu.dma_semaphore, #tpu.memory_space<semaphore_mem>>) src(%arg9 : memref<128x128xf32, #tpu.memory_space<vmem>>) dst(%dma_wait3A_124 : memref<10240x128xf32, #tpu.memory_space<vmem_shared>>)
      %dma_wait3A_125 = arith.constant 0 : i32
      %dma_wait3A_126 = tpu.memref_slice %arg8[%add3A_112, %dma_wait3A_125] : memref<40x128xi32, #tpu.memory_space<vmem>> -> memref<1x128xi32, #tpu.memory_space<vmem>>
      %dma_wait3A_127 = tpu.memref_squeeze %dma_wait3A_126 : memref<1x128xi32, #tpu.memory_space<vmem>> -> memref<128xi32, #tpu.memory_space<vmem>>
      %dma_wait3A_128 = arith.constant 0 : i32
      %dma_wait3A_129 = arith.constant 0 : i32
      %dma_wait3A_130 = tpu.memref_slice %arg11[%dma_wait3A_128, %dma_wait3A_129] : memref<10240x128xf32, #tpu.memory_space<vmem_shared>> -> memref<10240x128xf32, #tpu.memory_space<vmem_shared>>
      tpu.wait_indirect_dma semaphore(%arg15 : memref<!tpu.dma_semaphore, #tpu.memory_space<semaphore_mem>>) src(%arg10 : memref<128x128xf32, #tpu.memory_space<vmem>>) dst(%dma_wait3A_130 : memref<10240x128xf32, #tpu.memory_space<vmem_shared>>)
      %scan3A_131 = arith.constant 0 : i32
      scf.yield %scan3A_131 : i32
    }
    %scan3A_15 = arith.constant 10 : i32
    %barrier3A_16 = arith.constant 0 : index
    tpu.barrier barrier_id(%barrier3A_16)
    %mul3A_17 = arith.constant 640 : i32
    %mul3A_18 = arith.muli %arg1, %mul3A_17 : i32
    %mul3A_19 = arith.constant 640 : i32
    %mul3A_20 = arith.muli %arg1, %mul3A_19 : i32
    "tpu.region"() ({
      %run_scoped3A = tpu.sem_alloc : memref<!tpu.dma_semaphore, #tpu.memory_space<semaphore_mem>>
      %dma_start3A = arith.constant 0 : i32
      %dma_start3A_21 = tpu.memref_slice %arg6[%arg0, %mul3A_20, %dma_start3A] : memref<2x10240x128xf32, #tpu.memory_space<hbm>> -> memref<1x640x128xf32, #tpu.memory_space<hbm>>
      %dma_start3A_22 = tpu.memref_squeeze %dma_start3A_21 : memref<1x640x128xf32, #tpu.memory_space<hbm>> -> memref<640x128xf32, #tpu.memory_space<hbm>>
      %dma_start3A_23 = arith.constant 0 : i32
      %dma_start3A_24 = tpu.memref_slice %arg11[%mul3A_18, %dma_start3A_23] : memref<10240x128xf32, #tpu.memory_space<vmem_shared>> -> memref<640x128xf32, #tpu.memory_space<vmem_shared>>
      tpu.enqueue_dma source(%dma_start3A_24 : memref<640x128xf32, #tpu.memory_space<vmem_shared>>) target(%dma_start3A_22 : memref<640x128xf32, #tpu.memory_space<hbm>>) target_semaphore(%run_scoped3A : memref<!tpu.dma_semaphore, #tpu.memory_space<semaphore_mem>>)
      %dma_wait3A = arith.constant 0 : i32
      %dma_wait3A_25 = tpu.memref_slice %arg6[%arg0, %mul3A_20, %dma_wait3A] : memref<2x10240x128xf32, #tpu.memory_space<hbm>> -> memref<1x640x128xf32, #tpu.memory_space<hbm>>
      %dma_wait3A_26 = tpu.memref_squeeze %dma_wait3A_25 : memref<1x640x128xf32, #tpu.memory_space<hbm>> -> memref<640x128xf32, #tpu.memory_space<hbm>>
      %dma_wait3A_27 = arith.constant 0 : i32
      %dma_wait3A_28 = tpu.memref_slice %arg11[%mul3A_18, %dma_wait3A_27] : memref<10240x128xf32, #tpu.memory_space<vmem_shared>> -> memref<640x128xf32, #tpu.memory_space<vmem_shared>>
      tpu.wait_dma2 semaphore(%run_scoped3A : memref<!tpu.dma_semaphore, #tpu.memory_space<semaphore_mem>>) src(%dma_wait3A_28 : memref<640x128xf32, #tpu.memory_space<vmem_shared>>) dst(%dma_wait3A_26 : memref<640x128xf32, #tpu.memory_space<hbm>>)
      tpu.yield
    }) : () -> ()
    return
  }
}

module attributes {stable_mosaic.version = 14 : i64} {
  func.func @_mid_body(%arg0: i32, %arg1: memref<2x1000x128xf32, #tpu.memory_space<vmem>>, %arg2: memref<1000x128xf32, #tpu.memory_space<vmem>>, %arg3: memref<1000x8xf32, #tpu.memory_space<vmem>>, %arg4: memref<1x128xf32, #tpu.memory_space<vmem>>, %arg5: memref<1000x128xf32, #tpu.memory_space<vmem>>) attributes {dimension_semantics = [#tpu.dimension_semantics<arbitrary>], iteration_bounds = array<i64: 10>, scalar_prefetch = 0 : i64, scratch_operands = 0 : i64, tpu.core_type = #tpu.core_type<tc>, window_params = [{transform_indices = @transform_0, window_bounds = array<i64: 2, 1000, 128>}, {transform_indices = @transform_1, window_bounds = array<i64: 1000, 128>}, {transform_indices = @transform_2, window_bounds = array<i64: 1000, 8>}, {pipeline_mode = #tpu.pipeline_mode<synchronous>, transform_indices = @transform_3, window_bounds = array<i64: 1, 128>}, {transform_indices = @transform_4, window_bounds = array<i64: 1000, 128>}]} {
    %get3A = arith.constant 0 : index
    %get3A_0 = arith.constant 0 : index
    %get3A_1 = arith.constant 0 : index
    %get3A_2 = vector.load %arg1[%get3A, %get3A_0, %get3A_1] : memref<2x1000x128xf32, #tpu.memory_space<vmem>>, vector<1x1000x128xf32>
    %get3A_3 = vector.shape_cast %get3A_2 : vector<1x1000x128xf32> to vector<1000x128xf32>
    %get3A_4 = arith.constant 1 : index
    %get3A_5 = arith.constant 0 : index
    %get3A_6 = arith.constant 0 : index
    %get3A_7 = vector.load %arg1[%get3A_4, %get3A_5, %get3A_6] : memref<2x1000x128xf32, #tpu.memory_space<vmem>>, vector<1x1000x128xf32>
    %get3A_8 = vector.shape_cast %get3A_7 : vector<1x1000x128xf32> to vector<1000x128xf32>
    %add3A = arith.addf %get3A_3, %get3A_8 : vector<1000x128xf32>
    %get3A_9 = arith.constant 0 : index
    %get3A_10 = arith.constant 0 : index
    %get3A_11 = vector.load %arg3[%get3A_9, %get3A_10] : memref<1000x8xf32, #tpu.memory_space<vmem>>, vector<1000x1xf32>
    %get3A_12 = arith.constant 0 : index
    %get3A_13 = arith.constant 0 : index
    %get3A_14 = vector.load %arg2[%get3A_12, %get3A_13] : memref<1000x128xf32, #tpu.memory_space<vmem>>, vector<1000x128xf32>
    %add3A_15 = arith.addf %add3A, %get3A_14 : vector<1000x128xf32>
    %mul3A = vector.broadcast %get3A_11 : vector<1000x1xf32> to vector<1000x128xf32>
    %mul3A_16 = arith.mulf %mul3A, %add3A_15 : vector<1000x128xf32>
    %get3A_17 = arith.constant 0 : index
    %get3A_18 = arith.constant 0 : index
    %get3A_19 = vector.load %arg4[%get3A_17, %get3A_18] : memref<1x128xf32, #tpu.memory_space<vmem>>, vector<1x128xf32>
    %add3A_20 = vector.broadcast %get3A_19 : vector<1x128xf32> to vector<1000x128xf32>
    %add3A_21 = arith.addf %mul3A_16, %add3A_20 : vector<1000x128xf32>
    %max3A = arith.constant 0.000000e+00 : f32
    %max3A_22 = vector.broadcast %max3A : f32 to vector<1000x128xf32>
    %max3A_23 = arith.maximumf %add3A_21, %max3A_22 : vector<1000x128xf32>
    %mul3A_24 = vector.broadcast %get3A_11 : vector<1000x1xf32> to vector<1000x128xf32>
    %mul3A_25 = arith.mulf %max3A_23, %mul3A_24 : vector<1000x128xf32>
    %swap3A = arith.constant 0 : index
    %swap3A_26 = arith.constant 0 : index
    %swap3A_27 = vector.load %arg5[%swap3A, %swap3A_26] : memref<1000x128xf32, #tpu.memory_space<vmem>>, vector<1000x128xf32>
    tpu.vector_store %arg5[%swap3A, %swap3A_26], %mul3A_25 {strides = array<i32>} : memref<1000x128xf32, #tpu.memory_space<vmem>>, vector<1000x128xf32>,
    return
  }
  func.func @transform_0(%arg0: i32) -> (i32, i32, i32) {
    %c0_i32 = arith.constant 0 : i32
    %c0_i32_0 = arith.constant 0 : i32
    %c0_i32_1 = arith.constant 0 : i32
    return %c0_i32, %arg0, %c0_i32_0 : i32, i32, i32
  }
  func.func @transform_1(%arg0: i32) -> (i32, i32) {
    %c0_i32 = arith.constant 0 : i32
    %c0_i32_0 = arith.constant 0 : i32
    return %arg0, %c0_i32 : i32, i32
  }
  func.func @transform_2(%arg0: i32) -> (i32, i32) {
    %c0_i32 = arith.constant 0 : i32
    %c0_i32_0 = arith.constant 0 : i32
    return %arg0, %c0_i32 : i32, i32
  }
  func.func @transform_3(%arg0: i32) -> (i32, i32) {
    %c0_i32 = arith.constant 0 : i32
    %c0_i32_0 = arith.constant 0 : i32
    %c0_i32_1 = arith.constant 0 : i32
    return %c0_i32, %c0_i32_0 : i32, i32
  }
  func.func @transform_4(%arg0: i32) -> (i32, i32) {
    %c0_i32 = arith.constant 0 : i32
    %c0_i32_0 = arith.constant 0 : i32
    return %arg0, %c0_i32 : i32, i32
  }
}

module attributes {stable_mosaic.version = 14 : i64} {
  func.func @_prep_body(%arg0: i32, %arg1: memref<1000x128xf32, #tpu.memory_space<vmem>>, %arg2: memref<128x128xf32, #tpu.memory_space<vmem>>, %arg3: memref<2x1000x128xf32, #tpu.memory_space<vmem>>, %arg4: memref<1000x128xf32, #tpu.memory_space<vmem>>, %arg5: memref<1000x8xf32, #tpu.memory_space<vmem>>) attributes {dimension_semantics = [#tpu.dimension_semantics<arbitrary>], iteration_bounds = array<i64: 10>, scalar_prefetch = 0 : i64, scratch_operands = 0 : i64, tpu.core_type = #tpu.core_type<tc>, window_params = [{transform_indices = @transform_0, window_bounds = array<i64: 1000, 128>}, {pipeline_mode = #tpu.pipeline_mode<synchronous>, transform_indices = @transform_1, window_bounds = array<i64: 128, 128>}, {transform_indices = @transform_2, window_bounds = array<i64: 2, 1000, 128>}, {transform_indices = @transform_3, window_bounds = array<i64: 1000, 128>}, {transform_indices = @transform_4, window_bounds = array<i64: 1000, 8>}]} {
    %get3A = arith.constant 0 : index
    %get3A_0 = arith.constant 0 : index
    %get3A_1 = vector.load %arg1[%get3A, %get3A_0] : memref<1000x128xf32, #tpu.memory_space<vmem>>, vector<1000x128xf32>
    %get3A_2 = arith.constant 0 : index
    %get3A_3 = arith.constant 0 : index
    %get3A_4 = vector.load %arg2[%get3A_2, %get3A_3] : memref<128x128xf32, #tpu.memory_space<vmem>>, vector<128x128xf32>
    %dot_general3A = arith.constant dense<0.000000e+00> : vector<1000x128xf32>
    %dot_general3A_5 = tpu.matmul %get3A_1, %get3A_4, %dot_general3A {dimension_numbers = #tpu.dot_dimension_numbers<[1], [0], [0], [1], [0, 0, 1, 1], [], []>, transpose_lhs_hint = false} : vector<1000x128xf32>, vector<128x128xf32>, vector<1000x128xf32> -> vector<1000x128xf32>
    %get3A_6 = arith.constant 0 : index
    %get3A_7 = arith.constant 0 : index
    %get3A_8 = arith.constant 0 : index
    %get3A_9 = vector.load %arg3[%get3A_6, %get3A_7, %get3A_8] : memref<2x1000x128xf32, #tpu.memory_space<vmem>>, vector<1x1000x1xf32>
    %get3A_10 = vector.shape_cast %get3A_9 : vector<1x1000x1xf32> to vector<1000xf32>
    %get3A_11 = arith.constant 1 : index
    %get3A_12 = arith.constant 0 : index
    %get3A_13 = arith.constant 0 : index
    %get3A_14 = vector.load %arg3[%get3A_11, %get3A_12, %get3A_13] : memref<2x1000x128xf32, #tpu.memory_space<vmem>>, vector<1x1000x1xf32>
    %get3A_15 = vector.shape_cast %get3A_14 : vector<1x1000x1xf32> to vector<1000xf32>
    %add3A = arith.addf %get3A_10, %get3A_15 : vector<1000xf32>
    %add3A_16 = arith.constant 1.000000e+00 : f32
    %add3A_17 = vector.broadcast %add3A_16 : f32 to vector<1000xf32>
    %add3A_18 = arith.addf %add3A, %add3A_17 : vector<1000xf32>
    %rsqrt3A = math.rsqrt %add3A_18 : vector<1000xf32>
    %broadcast_in_dim3A = vector.shape_cast %rsqrt3A : vector<1000xf32> to vector<1000x1xf32>
    %mul3A = vector.broadcast %broadcast_in_dim3A : vector<1000x1xf32> to vector<1000x128xf32>
    %mul3A_19 = arith.mulf %dot_general3A_5, %mul3A : vector<1000x128xf32>
    %swap3A = arith.constant 0 : index
    %swap3A_20 = arith.constant 0 : index
    %swap3A_21 = vector.load %arg4[%swap3A, %swap3A_20] : memref<1000x128xf32, #tpu.memory_space<vmem>>, vector<1000x128xf32>
    tpu.vector_store %arg4[%swap3A, %swap3A_20], %mul3A_19 {strides = array<i32>} : memref<1000x128xf32, #tpu.memory_space<vmem>>, vector<1000x128xf32>,
    %broadcast_in_dim3A_22 = vector.shape_cast %rsqrt3A : vector<1000xf32> to vector<1000x1xf32>
    %broadcast_in_dim3A_23 = vector.shape_cast %broadcast_in_dim3A_22 : vector<1000x1xf32> to vector<1000x1xf32>
    %broadcast_in_dim3A_24 = vector.broadcast %broadcast_in_dim3A_23 : vector<1000x1xf32> to vector<1000x8xf32>
    %swap3A_25 = arith.constant 0 : index
    %swap3A_26 = arith.constant 0 : index
    %swap3A_27 = vector.load %arg5[%swap3A_25, %swap3A_26] : memref<1000x8xf32, #tpu.memory_space<vmem>>, vector<1000x8xf32>
    tpu.vector_store %arg5[%swap3A_25, %swap3A_26], %broadcast_in_dim3A_24 {strides = array<i32>} : memref<1000x8xf32, #tpu.memory_space<vmem>>, vector<1000x8xf32>,
    return
  }
  func.func @transform_0(%arg0: i32) -> (i32, i32) {
    %c0_i32 = arith.constant 0 : i32
    %c0_i32_0 = arith.constant 0 : i32
    return %arg0, %c0_i32 : i32, i32
  }
  func.func @transform_1(%arg0: i32) -> (i32, i32) {
    %c0_i32 = arith.constant 0 : i32
    %c0_i32_0 = arith.constant 0 : i32
    %c0_i32_1 = arith.constant 0 : i32
    return %c0_i32, %c0_i32_0 : i32, i32
  }
  func.func @transform_2(%arg0: i32) -> (i32, i32, i32) {
    %c0_i32 = arith.constant 0 : i32
    %c0_i32_0 = arith.constant 0 : i32
    %c0_i32_1 = arith.constant 0 : i32
    return %c0_i32, %arg0, %c0_i32_0 : i32, i32, i32
  }
  func.func @transform_3(%arg0: i32) -> (i32, i32) {
    %c0_i32 = arith.constant 0 : i32
    %c0_i32_0 = arith.constant 0 : i32
    return %arg0, %c0_i32 : i32, i32
  }
  func.func @transform_4(%arg0: i32) -> (i32, i32) {
    %c0_i32 = arith.constant 0 : i32
    %c0_i32_0 = arith.constant 0 : i32
    return %arg0, %c0_i32 : i32, i32
  }
}

module attributes {stable_mosaic.version = 14 : i64} {
  func.func @_adj_body(%arg0: i32, %arg1: memref<400x32xf32, #tpu.memory_space<vmem>>, %arg2: memref<10000x32xf32, #tpu.memory_space<vmem>>, %arg3: memref<400x10000xf32, #tpu.memory_space<vmem>>) attributes {dimension_semantics = [#tpu.dimension_semantics<arbitrary>], iteration_bounds = array<i64: 25>, scalar_prefetch = 0 : i64, scratch_operands = 0 : i64, tpu.core_type = #tpu.core_type<tc>, window_params = [{transform_indices = @transform_0, window_bounds = array<i64: 400, 32>}, {pipeline_mode = #tpu.pipeline_mode<synchronous>, transform_indices = @transform_1, window_bounds = array<i64: 10000, 32>}, {transform_indices = @transform_2, window_bounds = array<i64: 400, 10000>}]} {
    %get3A = arith.constant 0 : index
    %get3A_0 = arith.constant 0 : index
    %get3A_1 = vector.load %arg1[%get3A, %get3A_0] : memref<400x32xf32, #tpu.memory_space<vmem>>, vector<400x32xf32>
    %get3A_2 = arith.constant 0 : index
    %get3A_3 = arith.constant 0 : index
    %get3A_4 = vector.load %arg2[%get3A_2, %get3A_3] : memref<10000x32xf32, #tpu.memory_space<vmem>>, vector<10000x32xf32>
    %dot_general3A = arith.constant dense<0.000000e+00> : vector<400x10000xf32>
    %dot_general3A_5 = tpu.matmul %get3A_1, %get3A_4, %dot_general3A {dimension_numbers = #tpu.dot_dimension_numbers<[1], [1], [0], [0], [0, 0, 1, 0], [], []>, transpose_lhs_hint = false} : vector<400x32xf32>, vector<10000x32xf32>, vector<400x10000xf32> -> vector<400x10000xf32>
    %swap3A = arith.constant 0 : index
    %swap3A_6 = arith.constant 0 : index
    %swap3A_7 = vector.load %arg3[%swap3A, %swap3A_6] : memref<400x10000xf32, #tpu.memory_space<vmem>>, vector<400x10000xf32>
    tpu.vector_store %arg3[%swap3A, %swap3A_6], %dot_general3A_5 {strides = array<i32>} : memref<400x10000xf32, #tpu.memory_space<vmem>>, vector<400x10000xf32>,
    return
  }
  func.func @transform_0(%arg0: i32) -> (i32, i32) {
    %c0_i32 = arith.constant 0 : i32
    %c0_i32_0 = arith.constant 0 : i32
    return %arg0, %c0_i32 : i32, i32
  }
  func.func @transform_1(%arg0: i32) -> (i32, i32) {
    %c0_i32 = arith.constant 0 : i32
    %c0_i32_0 = arith.constant 0 : i32
    %c0_i32_1 = arith.constant 0 : i32
    return %c0_i32, %c0_i32_0 : i32, i32
  }
  func.func @transform_2(%arg0: i32) -> (i32, i32) {
    %c0_i32 = arith.constant 0 : i32
    %c0_i32_0 = arith.constant 0 : i32
    return %arg0, %c0_i32 : i32, i32
  }
}

module attributes {stable_mosaic.version = 14 : i64} {
  func.func @_final_body(%arg0: i32, %arg1: memref<2x1000x128xf32, #tpu.memory_space<vmem>>, %arg2: memref<1000x128xf32, #tpu.memory_space<vmem>>, %arg3: memref<1000x8xf32, #tpu.memory_space<vmem>>, %arg4: memref<128x32xf32, #tpu.memory_space<vmem>>, %arg5: memref<1x32xf32, #tpu.memory_space<vmem>>, %arg6: memref<128x32xf32, #tpu.memory_space<vmem>>, %arg7: memref<1x32xf32, #tpu.memory_space<vmem>>, %arg8: memref<32x128xf32, #tpu.memory_space<vmem>>, %arg9: memref<1x128xf32, #tpu.memory_space<vmem>>, %arg10: memref<32x128xf32, #tpu.memory_space<vmem>>, %arg11: memref<1000x32xf32, #tpu.memory_space<vmem>>, %arg12: memref<1000x32xf32, #tpu.memory_space<vmem>>, %arg13: memref<1000x128xf32, #tpu.memory_space<vmem>>) attributes {dimension_semantics = [#tpu.dimension_semantics<arbitrary>], iteration_bounds = array<i64: 10>, scalar_prefetch = 0 : i64, scratch_operands = 0 : i64, tpu.core_type = #tpu.core_type<tc>, window_params = [{transform_indices = @transform_0, window_bounds = array<i64: 2, 1000, 128>}, {transform_indices = @transform_1, window_bounds = array<i64: 1000, 128>}, {transform_indices = @transform_2, window_bounds = array<i64: 1000, 8>}, {pipeline_mode = #tpu.pipeline_mode<synchronous>, transform_indices = @transform_3, window_bounds = array<i64: 128, 32>}, {pipeline_mode = #tpu.pipeline_mode<synchronous>, transform_indices = @transform_4, window_bounds = array<i64: 1, 32>}, {pipeline_mode = #tpu.pipeline_mode<synchronous>, transform_indices = @transform_5, window_bounds = array<i64: 128, 32>}, {pipeline_mode = #tpu.pipeline_mode<synchronous>, transform_indices = @transform_6, window_bounds = array<i64: 1, 32>}, {pipeline_mode = #tpu.pipeline_mode<synchronous>, transform_indices = @transform_7, window_bounds = array<i64: 32, 128>}, {pipeline_mode = #tpu.pipeline_mode<synchronous>, transform_indices = @transform_8, window_bounds = array<i64: 1, 128>}, {pipeline_mode = #tpu.pipeline_mode<synchronous>, transform_indices = @transform_9, window_bounds = array<i64: 32, 128>}, {transform_indices = @transform_10, window_bounds = array<i64: 1000, 32>}, {transform_indices = @transform_11, window_bounds = array<i64: 1000, 32>}, {transform_indices = @transform_12, window_bounds = array<i64: 1000, 128>}]} {
    %get3A = arith.constant 0 : index
    %get3A_0 = arith.constant 0 : index
    %get3A_1 = arith.constant 0 : index
    %get3A_2 = vector.load %arg1[%get3A, %get3A_0, %get3A_1] : memref<2x1000x128xf32, #tpu.memory_space<vmem>>, vector<1x1000x128xf32>
    %get3A_3 = vector.shape_cast %get3A_2 : vector<1x1000x128xf32> to vector<1000x128xf32>
    %get3A_4 = arith.constant 1 : index
    %get3A_5 = arith.constant 0 : index
    %get3A_6 = arith.constant 0 : index
    %get3A_7 = vector.load %arg1[%get3A_4, %get3A_5, %get3A_6] : memref<2x1000x128xf32, #tpu.memory_space<vmem>>, vector<1x1000x128xf32>
    %get3A_8 = vector.shape_cast %get3A_7 : vector<1x1000x128xf32> to vector<1000x128xf32>
    %add3A = arith.addf %get3A_3, %get3A_8 : vector<1000x128xf32>
    %get3A_9 = arith.constant 0 : index
    %get3A_10 = arith.constant 0 : index
    %get3A_11 = vector.load %arg3[%get3A_9, %get3A_10] : memref<1000x8xf32, #tpu.memory_space<vmem>>, vector<1000x1xf32>
    %get3A_12 = arith.constant 0 : index
    %get3A_13 = arith.constant 0 : index
    %get3A_14 = vector.load %arg2[%get3A_12, %get3A_13] : memref<1000x128xf32, #tpu.memory_space<vmem>>, vector<1000x128xf32>
    %add3A_15 = arith.addf %add3A, %get3A_14 : vector<1000x128xf32>
    %mul3A = vector.broadcast %get3A_11 : vector<1000x1xf32> to vector<1000x128xf32>
    %mul3A_16 = arith.mulf %mul3A, %add3A_15 : vector<1000x128xf32>
    %get3A_17 = arith.constant 0 : index
    %get3A_18 = arith.constant 0 : index
    %get3A_19 = vector.load %arg4[%get3A_17, %get3A_18] : memref<128x32xf32, #tpu.memory_space<vmem>>, vector<128x32xf32>
    %dot_general3A = arith.constant dense<0.000000e+00> : vector<1000x32xf32>
    %dot_general3A_20 = tpu.matmul %mul3A_16, %get3A_19, %dot_general3A {dimension_numbers = #tpu.dot_dimension_numbers<[1], [0], [0], [1], [0, 0, 1, 1], [], []>, transpose_lhs_hint = false} : vector<1000x128xf32>, vector<128x32xf32>, vector<1000x32xf32> -> vector<1000x32xf32>
    %get3A_21 = arith.constant 0 : index
    %get3A_22 = arith.constant 0 : index
    %get3A_23 = vector.load %arg5[%get3A_21, %get3A_22] : memref<1x32xf32, #tpu.memory_space<vmem>>, vector<1x32xf32>
    %add3A_24 = vector.broadcast %get3A_23 : vector<1x32xf32> to vector<1000x32xf32>
    %add3A_25 = arith.addf %dot_general3A_20, %add3A_24 : vector<1000x32xf32>
    %swap3A = arith.constant 0 : index
    %swap3A_26 = arith.constant 0 : index
    %swap3A_27 = vector.load %arg11[%swap3A, %swap3A_26] : memref<1000x32xf32, #tpu.memory_space<vmem>>, vector<1000x32xf32>
    tpu.vector_store %arg11[%swap3A, %swap3A_26], %add3A_25 {strides = array<i32>} : memref<1000x32xf32, #tpu.memory_space<vmem>>, vector<1000x32xf32>,
    %get3A_28 = arith.constant 0 : index
    %get3A_29 = arith.constant 0 : index
    %get3A_30 = vector.load %arg6[%get3A_28, %get3A_29] : memref<128x32xf32, #tpu.memory_space<vmem>>, vector<128x32xf32>
    %dot_general3A_31 = arith.constant dense<0.000000e+00> : vector<1000x32xf32>
    %dot_general3A_32 = tpu.matmul %mul3A_16, %get3A_30, %dot_general3A_31 {dimension_numbers = #tpu.dot_dimension_numbers<[1], [0], [0], [1], [0, 0, 1, 1], [], []>, transpose_lhs_hint = false} : vector<1000x128xf32>, vector<128x32xf32>, vector<1000x32xf32> -> vector<1000x32xf32>
    %get3A_33 = arith.constant 0 : index
    %get3A_34 = arith.constant 0 : index
    %get3A_35 = vector.load %arg7[%get3A_33, %get3A_34] : memref<1x32xf32, #tpu.memory_space<vmem>>, vector<1x32xf32>
    %add3A_36 = vector.broadcast %get3A_35 : vector<1x32xf32> to vector<1000x32xf32>
    %add3A_37 = arith.addf %dot_general3A_32, %add3A_36 : vector<1000x32xf32>
    %swap3A_38 = arith.constant 0 : index
    %swap3A_39 = arith.constant 0 : index
    %swap3A_40 = vector.load %arg12[%swap3A_38, %swap3A_39] : memref<1000x32xf32, #tpu.memory_space<vmem>>, vector<1000x32xf32>
    tpu.vector_store %arg12[%swap3A_38, %swap3A_39], %add3A_37 {strides = array<i32>} : memref<1000x32xf32, #tpu.memory_space<vmem>>, vector<1000x32xf32>,
    %get3A_41 = arith.constant 0 : index
    %get3A_42 = arith.constant 0 : index
    %get3A_43 = vector.load %arg8[%get3A_41, %get3A_42] : memref<32x128xf32, #tpu.memory_space<vmem>>, vector<32x128xf32>
    %get3A_44 = arith.constant 0 : index
    %get3A_45 = arith.constant 0 : index
    %get3A_46 = vector.load %arg10[%get3A_44, %get3A_45] : memref<32x128xf32, #tpu.memory_space<vmem>>, vector<32x128xf32>
    %mul3A_47 = arith.mulf %get3A_43, %get3A_46 : vector<32x128xf32>
    %dot_general3A_48 = arith.constant dense<0.000000e+00> : vector<1000x128xf32>
    %dot_general3A_49 = tpu.matmul %add3A_25, %mul3A_47, %dot_general3A_48 {dimension_numbers = #tpu.dot_dimension_numbers<[1], [0], [0], [1], [0, 0, 1, 1], [], []>, transpose_lhs_hint = false} : vector<1000x32xf32>, vector<32x128xf32>, vector<1000x128xf32> -> vector<1000x128xf32>
    %get3A_50 = arith.constant 0 : index
    %get3A_51 = arith.constant 0 : index
    %get3A_52 = vector.load %arg9[%get3A_50, %get3A_51] : memref<1x128xf32, #tpu.memory_space<vmem>>, vector<1x128xf32>
    %add3A_53 = vector.broadcast %get3A_52 : vector<1x128xf32> to vector<1000x128xf32>
    %add3A_54 = arith.addf %dot_general3A_49, %add3A_53 : vector<1000x128xf32>
    %reduce_max3A = arith.constant dense<0xFF800000> : vector<1000xf32>
    %reduce_max3A_55 = vector.multi_reduction <maximumf>, %add3A_54, %reduce_max3A [1] : vector<1000x128xf32> to vector<1000xf32>
    %broadcast_in_dim3A = vector.shape_cast %reduce_max3A_55 : vector<1000xf32> to vector<1000x1xf32>
    %sub3A = vector.broadcast %broadcast_in_dim3A : vector<1000x1xf32> to vector<1000x128xf32>
    %sub3A_56 = arith.subf %add3A_54, %sub3A : vector<1000x128xf32>
    %exp3A = math.exp %sub3A_56 : vector<1000x128xf32>
    %reduce_sum3A = arith.constant dense<0.000000e+00> : vector<1000xf32>
    %reduce_sum3A_57 = vector.multi_reduction <add>, %exp3A, %reduce_sum3A [1] : vector<1000x128xf32> to vector<1000xf32>
    %broadcast_in_dim3A_58 = vector.shape_cast %reduce_sum3A_57 : vector<1000xf32> to vector<1000x1xf32>
    %div3A = vector.broadcast %broadcast_in_dim3A_58 : vector<1000x1xf32> to vector<1000x128xf32>
    %div3A_59 = arith.divf %exp3A, %div3A : vector<1000x128xf32>
    %swap3A_60 = arith.constant 0 : index
    %swap3A_61 = arith.constant 0 : index
    %swap3A_62 = vector.load %arg13[%swap3A_60, %swap3A_61] : memref<1000x128xf32, #tpu.memory_space<vmem>>, vector<1000x128xf32>
    tpu.vector_store %arg13[%swap3A_60, %swap3A_61], %div3A_59 {strides = array<i32>} : memref<1000x128xf32, #tpu.memory_space<vmem>>, vector<1000x128xf32>,
    return
  }
  func.func @transform_0(%arg0: i32) -> (i32, i32, i32) {
    %c0_i32 = arith.constant 0 : i32
    %c0_i32_0 = arith.constant 0 : i32
    %c0_i32_1 = arith.constant 0 : i32
    return %c0_i32, %arg0, %c0_i32_0 : i32, i32, i32
  }
  func.func @transform_1(%arg0: i32) -> (i32, i32) {
    %c0_i32 = arith.constant 0 : i32
    %c0_i32_0 = arith.constant 0 : i32
    return %arg0, %c0_i32 : i32, i32
  }
  func.func @transform_2(%arg0: i32) -> (i32, i32) {
    %c0_i32 = arith.constant 0 : i32
    %c0_i32_0 = arith.constant 0 : i32
    return %arg0, %c0_i32 : i32, i32
  }
  func.func @transform_3(%arg0: i32) -> (i32, i32) {
    %c0_i32 = arith.constant 0 : i32
    %c0_i32_0 = arith.constant 0 : i32
    %c0_i32_1 = arith.constant 0 : i32
    return %c0_i32, %c0_i32_0 : i32, i32
  }
  func.func @transform_4(%arg0: i32) -> (i32, i32) {
    %c0_i32 = arith.constant 0 : i32
    %c0_i32_0 = arith.constant 0 : i32
    %c0_i32_1 = arith.constant 0 : i32
    return %c0_i32, %c0_i32_0 : i32, i32
  }
  func.func @transform_5(%arg0: i32) -> (i32, i32) {
    %c0_i32 = arith.constant 0 : i32
    %c0_i32_0 = arith.constant 0 : i32
    %c0_i32_1 = arith.constant 0 : i32
    return %c0_i32, %c0_i32_0 : i32, i32
  }
  func.func @transform_6(%arg0: i32) -> (i32, i32) {
    %c0_i32 = arith.constant 0 : i32
    %c0_i32_0 = arith.constant 0 : i32
    %c0_i32_1 = arith.constant 0 : i32
    return %c0_i32, %c0_i32_0 : i32, i32
  }
  func.func @transform_7(%arg0: i32) -> (i32, i32) {
    %c0_i32 = arith.constant 0 : i32
    %c0_i32_0 = arith.constant 0 : i32
    %c0_i32_1 = arith.constant 0 : i32
    return %c0_i32, %c0_i32_0 : i32, i32
  }
  func.func @transform_8(%arg0: i32) -> (i32, i32) {
    %c0_i32 = arith.constant 0 : i32
    %c0_i32_0 = arith.constant 0 : i32
    %c0_i32_1 = arith.constant 0 : i32
    return %c0_i32, %c0_i32_0 : i32, i32
  }
  func.func @transform_9(%arg0: i32) -> (i32, i32) {
    %c0_i32 = arith.constant 0 : i32
    %c0_i32_0 = arith.constant 0 : i32
    %c0_i32_1 = arith.constant 0 : i32
    return %c0_i32, %c0_i32_0 : i32, i32
  }
  func.func @transform_10(%arg0: i32) -> (i32, i32) {
    %c0_i32 = arith.constant 0 : i32
    %c0_i32_0 = arith.constant 0 : i32
    return %arg0, %c0_i32 : i32, i32
  }
  func.func @transform_11(%arg0: i32) -> (i32, i32) {
    %c0_i32 = arith.constant 0 : i32
    %c0_i32_0 = arith.constant 0 : i32
    return %arg0, %c0_i32 : i32, i32
  }
  func.func @transform_12(%arg0: i32) -> (i32, i32) {
    %c0_i32 = arith.constant 0 : i32
    %c0_i32_0 = arith.constant 0 : i32
    return %arg0, %c0_i32 : i32, i32
  }
}

</mosaic_0001>

<sc_bundles>
// kernel: kernel.12.cloned.1.call-start
scs
__scs_entry_jumppad:
0x0: {  	(pc) =	sbr.rel $0x88, $3  }
0x1: {  	(tag) =	ssettag $0x0;
	lr =	simm.s32 $0x1  }
0x2: {  	[smem:$0x3F96] =	sst lr;
	_ =	strace $0xD0000000  }
0x3: {  	_ = 	snop  }
0x4: {  	_ = 	snop  }
0x5: {  	_ = 	snop  }
0x6: {  	_ = 	snop  }
0x7: {  	_ = 	snop  }
__scs_overlays_trampoline_lowered:
0x8: {  	[smem:$0x3FA5] =	sst s0  }
0x9: {  	[smem:$0x3FA6] =	sst s1  }
0xa: {  	[smem:$0x3FA7] =	sst s2  }
0xb: {  	[smem:$0x3FA8] =	sst s3  }
0xc: {  	[smem:$0x3FA9] =	sst s4  }
0xd: {  	[smem:$0x3FAA] =	sst s5  }
0xe: {  	[smem:$0x3FAB] =	sst s6  }
0xf: {  	[smem:$0x3FAC] =	sst s7  }
0x10: {  	[smem:$0x3FAD] =	sst s8  }
0x11: {  	[smem:$0x3FAE] =	sst s9;
	s0 =	simm.s32 @!p0 $0x0  }
0x12: {  	s1 =	sld [smem:$0x3F94];
	s0 =	simm.s32 @p0 $0x1  }
0x13: {  	[smem:$0x3FAF] =	sst s0;
	s0 =	simm.s32 @!p1 $0x0  }
0x14: {  	s2 =	sld [smem:$0x3F93];
	s0 =	simm.s32 @p1 $0x1  }
0x15: {  	[smem:$0x3FB0] =	sst s0;
	s0 =	simm.s32 @!p2 $0x0  }
0x16: {  	s3 =	sld [smem:$0x3FDB];
	s0 =	simm.s32 @p2 $0x1  }
0x17: {  	s4 =	simm.s32 $0x1BF5;
	[smem:$0x3FB2] =	sst s0  }
0x18: {  	s0 =	sld [smem:$0x3F95];
	_ =	swait.ge [sflag:s4], $0x0  }
0x19: {  	s7 =	sld [smem:$0x3F96]  }
0x1a: {  	s8 =	sadd.s32 $0xFFFFE003, lr  }
0x1b: {  	s9 =	sadd.s32 $0xFFFFFEF7, lr;
	s5 =	simm.s32 $0xFFFFFFFF;
	p2 =	slt.u32 s8, $0xFFFFF086  }
0x1c: {  	p1 =	slt.u32 s9, $0xF7A;
	s5 =	simm.s32 @!p2 $0x0  }
0x1d: {  	s5 =	simm.s32 @p1 $0x1;
	p0 =	seq.s32 s7, s2  }
0x1e: {  	s7 =	smul.u32 @!p0 $0xF7A, s2;
	p2 =	seq.s32 @!p0 s5, $0x0  }
0x1f: {  	s9 =	smul.u32 $0xF7A, s1;
	s8 =	simm.s32 @!p0 $0x1BF5;
	p2 =	por !p2, p0  }
0x20: {  	[sflag:s8] =	ssyncset.s32 @!p0 $0xFFFFF086;
	s6 =	sadd.s32 @!p0 s3, s7;
	s7 =	simm.s32 @!p0 $0x108  }
0x21: {  	s3 =	sadd.s32 s3, s9;
	s6 =	sadd.s32 @!p0 $0x88, s6;
	s7 =	simm.s32 @p2 $0x1082  }
0x22: {  	[simem:s7], [sflag:s8] =	dma.local @!p0 [hbm:s6], $0xF7A  }
0x23: {  	s9 =	sor.u32 $0xD0000000, s2;
	s6 =	simm.s32 $0x108;
	_ =	swait.ge @!p0 [sflag:s8], $0x0  }
0x24: {  	s3 =	sadd.s32 $0x88, s3;
	s6 =	simm.s32 @!p1 $0x1082;
	[sflag:s4] =	ssyncset.s32 $0xFFFFF086  }
0x25: {  	[simem:s6], [sflag:s4] =	dma.local [hbm:s3], $0xF7A  }
0x26: {  	[smem:$0x3F96] =	sst s1;
	(tag) =	ssettag s2;
	_ =	strace s9  }
0x27: {  	s1 =	sld [smem:$0x3FA6]  }
0x28: {  	s2 =	sld [smem:$0x3FA7]  }
0x29: {  	s4 =	sld [smem:$0x3FA9]  }
0x2a: {  	p0 =	seq.s32 s5, $0x0;
	s5 =	sld [smem:$0x3FAA]  }
0x2b: {  	s6 =	sld [smem:$0x3FAB]  }
0x2c: {  	s7 =	sld [smem:$0x3FAC]  }
0x2d: {  	s3 =	simm.s32 $0x108;
	s8 =	sld [smem:$0x3FAD]  }
0x2e: {  	s3 =	simm.s32 @!p0 $0x1082;
	s9 =	sld [smem:$0x3FAE]  }
0x2f: {  	lr =	sadd.s32 s0, s3;
	s0 =	sld [smem:$0x3FA5]  }
0x30: {  	s3 =	sld [smem:$0x3FA8]  }
0x31: {  	[smem:$0x3FB1] =	sst s10  }
0x32: {  	s10 =	sld [smem:$0x3FAF];
	_ =	sdelay $0x3  }
0x33: {  	p0 =	seq.s32 s10, $0x1;
	s10 =	sld [smem:$0x3FB1];
	_ =	sdelay $0x3  }
0x34: {  	[smem:$0x3FB1] =	sst s10  }
0x35: {  	s10 =	sld [smem:$0x3FB0];
	_ =	sdelay $0x3  }
0x36: {  	p1 =	seq.s32 s10, $0x1;
	s10 =	sld [smem:$0x3FB1];
	_ =	sdelay $0x3  }
0x37: {  	[smem:$0x3FB1] =	sst s10  }
0x38: {  	s10 =	sld [smem:$0x3FB2]  }
0x39: {  	_ = 	snop;
	(pc) =	sbr.ind lr, $3  }
0x3a: {  	_ = 	snop  }
0x3b: {  	_ = 	snop  }
0x3c: {  	p2 =	seq.s32 s10, $0x1;
	s10 =	sld [smem:$0x3FB1]  }
0x3d: {  	_ =	shalt  }
0x3e: {  	_ =	shalt  }
0x3f: {  	_ =	shalt  }
0x40: {  	_ =	shalt  }
0x41: {  	_ =	shalt  }
0x42: {  	_ =	shalt  }
0x43: {  	_ =	shalt  }
0x44: {  	_ =	shalt  }
0x45: {  	_ =	shalt  }
0x46: {  	_ =	shalt  }
0x47: {  	_ =	shalt  }
0x48: {  	_ =	shalt  }
0x49: {  	_ =	shalt  }
0x4a: {  	_ =	shalt  }
0x4b: {  	_ =	shalt  }
0x4c: {  	_ =	shalt  }
0x4d: {  	_ =	shalt  }
0x4e: {  	_ =	shalt  }
0x4f: {  	_ =	shalt  }
0x50: {  	_ =	shalt  }
0x51: {  	_ =	shalt  }
0x52: {  	_ =	shalt  }
0x53: {  	_ =	shalt  }
0x54: {  	_ =	shalt  }
0x55: {  	_ =	shalt  }
0x56: {  	_ =	shalt  }
0x57: {  	_ =	shalt  }
0x58: {  	_ =	shalt  }
0x59: {  	_ =	shalt  }
0x5a: {  	_ =	shalt  }
0x5b: {  	_ =	shalt  }
0x5c: {  	_ =	shalt  }
0x5d: {  	_ =	shalt  }
0x5e: {  	_ =	shalt  }
0x5f: {  	_ =	shalt  }
0x60: {  	_ =	shalt  }
0x61: {  	_ =	shalt  }
0x62: {  	_ =	shalt  }
0x63: {  	_ =	shalt  }
0x64: {  	_ =	shalt  }
0x65: {  	_ =	shalt  }
0x66: {  	_ =	shalt  }
0x67: {  	_ =	shalt  }
0x68: {  	_ =	shalt  }
0x69: {  	_ =	shalt  }
0x6a: {  	_ =	shalt  }
0x6b: {  	_ =	shalt  }
0x6c: {  	_ =	shalt  }
0x6d: {  	_ =	shalt  }
0x6e: {  	_ =	shalt  }
0x6f: {  	_ =	shalt  }
0x70: {  	_ =	shalt  }
0x71: {  	_ =	shalt  }
0x72: {  	_ =	shalt  }
0x73: {  	_ =	shalt  }
0x74: {  	_ =	shalt  }
0x75: {  	_ =	shalt  }
0x76: {  	_ =	shalt  }
0x77: {  	_ =	shalt  }
0x78: {  	_ =	shalt  }
0x79: {  	_ =	shalt  }
0x7a: {  	_ =	shalt  }
0x7b: {  	_ =	shalt  }
0x7c: {  	_ =	shalt  }
0x7d: {  	_ =	shalt  }
0x7e: {  	_ =	shalt  }
0x7f: {  	_ =	shalt  }
0x80: {  	_ =	shalt  }
0x81: {  	_ =	shalt  }
0x82: {  	_ =	shalt  }
0x83: {  	_ =	shalt  }
0x84: {  	_ =	shalt  }
0x85: {  	_ =	shalt  }
0x86: {  	_ =	shalt  }
0x87: {  	_ =	shalt  }
.Lfunc_end0:
.L_simem_size_0:
called_computation.1_lowered:
.L_overlay_start_0:
0x88: {  	s2 =	sld [smem:$0x3FD9]  }
0x89: {  	s3 =	sld [smem:$0x3FFE];
	_ =	sdelay $0x1  }
0x8a: {  	s1 =	srdreg.scid  }
0x8b: {  	s0 =	sand.u32 $0x1, s1  }
0x8c: {  	s14 =	sshll.u32 s0, $0xA;
	s2 =	sadd.s32 s3, s2  }
0x8d: {  	s2 =	sadd.s32 s2, s14  }
0x8e: {  	[smem:$0x3FBD] =	sst s2  }
0x8f: {  	_ = 	snop  }
0x90: {  	s2 =	sld [smem:$0x3FD0];
	_ =	sdelay $0x2  }
0x91: {  	s15 =	simm.s32 $0xA;
	s4 =	simm.s32 $0x10  }
0x92: {  	[smem:s4], [sflag:s15] =	dma.local [hbm:s2], $0x1  }
0x93: {  	_ =	swait.eq [sflag:s15], $0x1  }
0x94: {  	s16 =	sld [smem:$0x10];
	[sflag:s15] =	ssyncset.done $0x0  }
0x95: {  	s17 =	sld [smem:$0x11];
	[sflag:s15] =	ssyncadd.s32 $0xFFFFFFFF  }
0x96: {  	s18 =	sld [smem:$0x13];
	(tm) =	ssettm $0x1  }
0x97: {  	s5 =	sld [smem:$0x3FFB];
	_ =	sdelay $0x3  }
0x98: {  	_ =	strace s5  }
0x99: {  	s5 =	sld [smem:$0x3FFC];
	_ =	sdelay $0x3  }
0x9a: {  	_ =	strace s5  }
0x9b: {  	s5 =	sld [smem:$0x3FFD];
	_ =	sdelay $0x3  }
0x9c: {  	_ =	strace s5  }
0x9d: {  	_ =	strace $0x8FFFFFFF  }
0x9e: {  	s19 =	sld [smem:$0x3FDB];
	_ =	sdelay $0x1  }
0x9f: {  	s6 =	simm.s32 $_scs_section_size  }
0xa0: {  	s7 =	simm.s32 $_size__tile_overlayer_lowered;
	s8 =	simm.s32 $_tile_overlayer_lowered  }
0xa1: {  	s22 =	simm.s32 $0x1BFF;
	s21 =	sshll.u32 s8, $0x1;
	s5 =	sadd.s32 s6, s19  }
0xa2: {  	s9 =	simm.s32 $0x0;
	s20 =	sshll.u32 s7, $0x1;
	s7 =	sadd.s32 s21, s5  }
0xa3: {  	[timem:s9], [sflag:s22] =	dma.local [hbm:s7], s20  }
0xa4: {  	_ =	swait.ge [sflag:s22], s20  }
0xa5: {  	s6 =	ssub.s32 $0x0, s20;
	[sflag:s22] =	ssyncset.done $0x0  }
0xa6: {  	[sflag:s22] =	ssyncadd.s32 s6;
	_ =	sdelay $0x1  }
0xa7: {  	s23 =	simm.s32 $0x1B8B  }
0xa8: {  	_ =	swait.ge [sflag:s23], $0x1  }
0xa9: {  	[sflag:s23] =	ssyncset.done $0x0  }
0xaa: {  	s25 =	simm.s32 $0x1B8E;
	s24 =	sld [smem:$0x3FFE];
	[sflag:s23] =	ssyncadd.s32 $0xFFFFFFFF  }
0xab: {  	s26 =	simm.s32 $execute0_lowered;
	[smem:$0x3FD2] =	sst s25  }
0xac: {  	s7 =	sshll.u32 s26, $0x1;
	_ =	strace $0x80000049;
	[dreg:$0x1] =	wrdreg $0xFFFFFFFF  }
0xad: {  	s28 =	simm.s32 $_size_execute0_lowered;
	s5 =	sadd.s32 s5, s7;
	[dreg:$0x0] =	wrdreg $0x0  }
0xae: {  	s7 =	sshll.u32 s28, $0x1;
	[dreg:$0x2] =	wrdreg s5  }
0xaf: {  	[dreg:$0x3] =	wrdreg s7  }
0xb0: {  	[dreg:$0x4] =	wrdreg $0xC0  }
0xb1: {  	_ =	task [dreg:s9], $0x5FFFF  }
0xb2: {  	[dreg:$0x1] =	wrdreg $0xFFFFFFFF  }
0xb3: {  	[dreg:$0x0] =	wrdreg $0x60  }
0xb4: {  	[dreg:$0x2] =	wrdreg s24  }
0xb5: {  	[dreg:$0x3] =	wrdreg s17  }
0xb6: {  	[dreg:$0x4] =	wrdreg s18  }
0xb7: {  	[dreg:$0x5] =	wrdreg s16  }
0xb8: {  	[dreg:$0x6] =	wrdreg $0xA8000  }
0xb9: {  	[dreg:$0x7] =	wrdreg $0x9  }
0xba: {  	_ =	task.clear_ibuf [dreg:s9], $0x8FFFF;
	_ =	strace $0x90000049  }
0xbb: {  	s29 =	simm.s32 $0x9;
	_ =	strace $0x8000004B  }
0xbc: {  	_ =	swait.ge [sflag:s29], $0x1  }
0xbd: {  	[sflag:s29] =	ssyncadd.s32 $0xFFFFFFFF  }
0xbe: {  	_ =	strace $0x9000004B  }
0xbf: {  	_ =	sfence  }
0xc0: {  	s30 =	sld [smem:$0x0];
	_ =	sdelay $0x2  }
0xc1: {  	s31 =	sshll.u32 s1, $0xD;
	s1 =	sshrl.u32 s1, $0x2  }
0xc2: {  	s3 =	sand.u32 $0x4000, s31;
	s1 =	sadd.s32 s1, s30  }
0xc3: {  	s0 =	sor.u32 s3, s0;
	s1 =	sshll.u32 s1, $0x11  }
0xc4: {  	s0 =	sor.u32 s1, s0  }
0xc5: {  	s0 =	sadd.s32 $0x8F2B, s0  }
0xc6: {  	[sflag:s0] =	ssyncadd.remote.s32 $0x1  }
0xc7: {  	_ =	sfence.sel $0xFFFF  }
0xc8: {  	[dreg:$0x0] =	wrdreg $0xFFFFFFFF;
	(pc) =	sbr.abs _section_cstart, $3  }
0xc9: {  	[dreg:$0x1] =	wrdreg $0xFFFFFFFF  }
0xca: {  	_ =	task.clear_ibuf [dreg:s9], $0x2FFFF;
	_ =	strace $0x9FFFFFFF  }
0xcb: {  	(tm) =	ssettm $0x7FFFFFFF  }
tec
execute0_lowered:
.L_overlay_start_1:
0x0: {  	(tag) =	ssettag $0x1  }
0x1: {  	s6 =	rddreg [dreg:$0x0]  }
0x2: {  	s1 =	rddreg [dreg:$0x1]  }
0x3: {  	s2 =	rddreg [dreg:$0x2]  }
0x4: {  	s11 =	rddreg [dreg:$0x3]  }
0x5: {  	s3 =	rddreg [dreg:$0x4];
	s4 =	srdreg.scid  }
0x6: {  	s0 =	rddreg [dreg:$0x5];
	s5 =	simm.s32 $0x0;
	s17 =	simm.s32 $0x2800  }
0x7: {  	s18 =	simm.s32 $0x6800;
	s19 =	simm.s32 $0x1;
	s20 =	simm.s32 $0x2  }
0x8: {  	s21 =	simm.s32 $0x3;
	s22 =	simm.s32 $0x4;
	s23 =	simm.s32 $0x0  }
0x9: {  	s7 =	sand.u32 $0x1, s4;
	[smem:$0x7FF] =	sst s5;
	s4 =	stileid.u32  }
0xa: {  	s10 =	sadd.s32 $0x3200, s6;
	s13 =	sadd.s32 $0xD200, s6;
	s9 =	smul.u32 $0x50000, s4  }
0xb: {  	s8 =	sshll.u32 s7, $0x4;
	_ =	strace $0x8000004A;
	s14 =	smul.u32 $0x140000, s7  }
0xc: {  	s12 =	ssub.s32 $0x2, s7;
	s28 =	smul.u32 $0x14000, s4;
	s29 =	sshll.u32 s4, $0x6  }
0xd: {  	s8 =	sor.u32 s4, s8;
	s25 =	sshrl.u32 s12, $0x1;
	s6 =	sor.u32 $0x1C05, s29  }
0xe: {  	s8 =	smul.u32 $0x2800, s8;
	s12 =	ssub.s32 s12, s25;
	s26 =	sshrl.u32 s9, $0x2  }
0xf: {  	s9 =	sadd.s32 s28, s14;
	s14 =	simm.s32 $0x5;
	s15 =	sadd.s32 s26, s3  }
0x10: {  	s31 =	sshrl.u32 s9, $0x3;
	s12 =	smax.u32 s12, $0x1;
	s16 =	sshrl.u32 s8, $0x3  }
0x11: {  	s11 =	sadd.s32 s11, s31;
	s7 =	sadd.s32 s10, s16;
	s30 =	sadd.s32 $0x280, s16  }
0x12: {  	s8 =	sadd.s32 s13, s16;
	s16 =	simm.s32 $0x80;
	s9 =	sadd.s32 s10, s30  }
0x13: {  	s10 =	sadd.s32 s13, s30;
	s13 =	sshrl.u32 s15, $0x3;
	s15 =	simm.s32 $0x1400  }
.LBB2_1:
0x14: {  	[spmem:s13], [sflag:s6] =	dma.local [hbm:s2], $0x2800  }
0x15: {  	_ =	swait.ge [sflag:s14], $0x2800  }
0x16: {  	[sflag:s14] =	ssyncset.done $0x0  }
0x17: {  	[sflag:s14] =	ssyncadd.s32 $0xFFFFD800  }
0x18: {  	[bflag:$0x0] =	sbarrier.arrive $0xFFFF  }
0x19: {  	[tilespmem:s5], [sflag:$0x5] =	stream.linear.gather [hbm4b:s7+s5], $0x1400, $0x38;
	[tilespmem:$0x1E800] =	vst v63  }
0x1a: {  	_ =	swait.ge [sflag:s14], $0x1400  }
0x1b: {  	[sflag:s14] =	ssyncset.done $0x0  }
0x1c: {  	[sflag:s14] =	ssyncadd.s32 $0xFFFFEC00  }
0x1d: {  	[tilespmem:s15], [sflag:$0x5] =	stream.linear.gather [hbm4b:s8+s5], $0x1400, $0x38;
	[tilespmem:$0x1E800] =	vst v63  }
0x1e: {  	_ =	swait.ge [sflag:s14], $0x1400  }
0x1f: {  	[sflag:s14] =	ssyncset.done $0x0  }
0x20: {  	s24 =	simm.s32 $0x0;
	[sflag:s14] =	ssyncadd.s32 $0xFFFFEC00  }
0x21: {  	[tilespmem:s17], [sflag:$0x1] =	stream.indirect.gather [hbm4b:s1+s16], $0x80, s24, s16, $0xb8;
	[tilespmem:$0x1E800] =	vst v63  }
0x22: {  	s31 =	simm.s32 $0x80  }
0x23: {  	[tilespmem:s18], [sflag:$0x2] =	stream.indirect.gather [hbm4b:s1+s16], $0x80, s31, s16, $0xb8;
	[tilespmem:$0x1E800] =	vst v63  }
0x24: {  	_ =	swait.ge [sflag:s19], $0x4000  }
0x25: {  	[sflag:s19] =	ssyncset.done $0x0  }
0x26: {  	s25 =	simm.s32 $0x1400;
	[sflag:s19] =	ssyncadd.s32 $0xFFFFC000  }
0x27: {  	[spmem:s3] =	stream.indirect.scatter.add.f32 [tilespmem:s17], [sflag:$0x3], $0x80, s25, s16, $0xb8;
	[tilespmem:$0x1E800] =	vst v63  }
0x28: {  	_ =	swait.ge [sflag:s20], $0x4000  }
0x29: {  	[sflag:s20] =	ssyncset.done $0x0  }
0x2a: {  	s26 =	simm.s32 $0x1480;
	[sflag:s20] =	ssyncadd.s32 $0xFFFFC000  }
0x2b: {  	[spmem:s3] =	stream.indirect.scatter.add.f32 [tilespmem:s18], [sflag:$0x4], $0x80, s26, s16, $0xb8;
	[tilespmem:$0x1E800] =	vst v63  }
0x2c: {  	_ =	swait.ge [sflag:s21], $0x4000  }
0x2d: {  	[sflag:s21] =	ssyncset.done $0x0  }
0x2e: {  	s28 =	simm.s32 $0x100;
	[sflag:s21] =	ssyncadd.s32 $0xFFFFC000  }
0x2f: {  	[tilespmem:s17], [sflag:$0x1] =	stream.indirect.gather [hbm4b:s1+s16], $0x80, s28, s16, $0xb8;
	[tilespmem:$0x1E800] =	vst v63  }
0x30: {  	_ =	swait.ge [sflag:s22], $0x4000  }
0x31: {  	[sflag:s22] =	ssyncset.done $0x0  }
0x32: {  	s29 =	simm.s32 $0x180;
	[sflag:s22] =	ssyncadd.s32 $0xFFFFC000  }
0x33: {  	[tilespmem:s18], [sflag:$0x2] =	stream.indirect.gather [hbm4b:s1+s16], $0x80, s29, s16, $0xb8;
	[tilespmem:$0x1E800] =	vst v63  }
0x34: {  	_ =	swait.ge [sflag:s19], $0x4000  }
0x35: {  	[sflag:s19] =	ssyncset.done $0x0  }
0x36: {  	s30 =	simm.s32 $0x1500;
	[sflag:s19] =	ssyncadd.s32 $0xFFFFC000  }
0x37: {  	[spmem:s3] =	stream.indirect.scatter.add.f32 [tilespmem:s17], [sflag:$0x3], $0x80, s30, s16, $0xb8;
	[tilespmem:$0x1E800] =	vst v63  }
0x38: {  	_ =	swait.ge [sflag:s20], $0x4000  }
0x39: {  	[sflag:s20] =	ssyncset.done $0x0  }
0x3a: {  	s31 =	simm.s32 $0x1580;
	[sflag:s20] =	ssyncadd.s32 $0xFFFFC000  }
0x3b: {  	[spmem:s3] =	stream.indirect.scatter.add.f32 [tilespmem:s18], [sflag:$0x4], $0x80, s31, s16, $0xb8;
	[tilespmem:$0x1E800] =	vst v63  }
0x3c: {  	_ =	swait.ge [sflag:s21], $0x4000  }
0x3d: {  	[sflag:s21] =	ssyncset.done $0x0  }
0x3e: {  	[sflag:s21] =	ssyncadd.s32 $0xFFFFC000  }
0x3f: {  	_ =	swait.ge [sflag:s22], $0x4000  }
0x40: {  	s24 =	simm.s32 $0x800;
	s26 =	simm.s32 $0x1000;
	[sflag:s22] =	ssyncset.done $0x0  }
.LBB2_2:
0x41: {  	s28 =	sshra.s32 s24, $0x2  }
0x42: {  	[sflag:s22] =	ssyncadd.s32 $0xFFFFC000;
	s24 =	smov.u32 s26;
	s25 =	sadd.s32 $0x800, s26  }
0x43: {  	[tilespmem:s17], [sflag:$0x1] =	stream.indirect.gather [hbm4b:s1+s16], $0x80, s28, s16, $0xb8;
	[tilespmem:$0x1E800] =	vst v63  }
0x44: {  	p0 =	sne.s32 s26, $0x4800;
	s26 =	sadd.s32 $0x80, s28  }
0x45: {  	[tilespmem:s18], [sflag:$0x2] =	stream.indirect.gather [hbm4b:s1+s16], $0x80, s26, s16, $0xb8;
	[tilespmem:$0x1E800] =	vst v63  }
0x46: {  	_ =	swait.ge [sflag:s19], $0x4000  }
0x47: {  	[sflag:s19] =	ssyncset.done $0x0  }
0x48: {  	s26 =	sadd.s32 $0x1400, s28;
	[sflag:s19] =	ssyncadd.s32 $0xFFFFC000  }
0x49: {  	[spmem:s3] =	stream.indirect.scatter.add.f32 [tilespmem:s17], [sflag:$0x3], $0x80, s26, s16, $0xb8;
	[tilespmem:$0x1E800] =	vst v63  }
0x4a: {  	_ =	swait.ge [sflag:s20], $0x4000  }
0x4b: {  	[sflag:s20] =	ssyncset.done $0x0  }
0x4c: {  	s26 =	sadd.s32 $0x1480, s28;
	[sflag:s20] =	ssyncadd.s32 $0xFFFFC000  }
0x4d: {  	[spmem:s3] =	stream.indirect.scatter.add.f32 [tilespmem:s18], [sflag:$0x4], $0x80, s26, s16, $0xb8;
	[tilespmem:$0x1E800] =	vst v63  }
0x4e: {  	_ =	swait.ge [sflag:s21], $0x4000  }
0x4f: {  	[sflag:s21] =	ssyncset.done $0x0  }
0x50: {  	s26 =	sadd.s32 $0x100, s28;
	[sflag:s21] =	ssyncadd.s32 $0xFFFFC000  }
0x51: {  	[tilespmem:s17], [sflag:$0x1] =	stream.indirect.gather [hbm4b:s1+s16], $0x80, s26, s16, $0xb8;
	[tilespmem:$0x1E800] =	vst v63  }
0x52: {  	_ =	swait.ge [sflag:s22], $0x4000  }
0x53: {  	[sflag:s22] =	ssyncset.done $0x0  }
0x54: {  	s26 =	sadd.s32 $0x180, s28;
	[sflag:s22] =	ssyncadd.s32 $0xFFFFC000  }
0x55: {  	[tilespmem:s18], [sflag:$0x2] =	stream.indirect.gather [hbm4b:s1+s16], $0x80, s26, s16, $0xb8;
	[tilespmem:$0x1E800] =	vst v63  }
0x56: {  	_ =	swait.ge [sflag:s19], $0x4000  }
0x57: {  	[sflag:s19] =	ssyncset.done $0x0  }
0x58: {  	s26 =	sadd.s32 $0x1500, s28;
	[sflag:s19] =	ssyncadd.s32 $0xFFFFC000  }
0x59: {  	[spmem:s3] =	stream.indirect.scatter.add.f32 [tilespmem:s17], [sflag:$0x3], $0x80, s26, s16, $0xb8;
	[tilespmem:$0x1E800] =	vst v63  }
0x5a: {  	_ =	swait.ge [sflag:s20], $0x4000  }
0x5b: {  	[sflag:s20] =	ssyncset.done $0x0  }
0x5c: {  	s26 =	sadd.s32 $0x1580, s28;
	[sflag:s20] =	ssyncadd.s32 $0xFFFFC000  }
0x5d: {  	[spmem:s3] =	stream.indirect.scatter.add.f32 [tilespmem:s18], [sflag:$0x4], $0x80, s26, s16, $0xb8;
	[tilespmem:$0x1E800] =	vst v63  }
.Ltmp0:
0x5e: {  	_ =	swait.ge [sflag:s21], $0x4000;
	(pc) =	sbr.rel @p0 .LBB2_2-.Ltmp0, $4  }
0x5f: {  	[sflag:s21] =	ssyncset.done $0x0  }
0x60: {  	[sflag:s21] =	ssyncadd.s32 $0xFFFFC000  }
0x61: {  	_ =	swait.ge [sflag:s22], $0x4000  }
0x62: {  	s26 =	smov.u32 s25;
	[sflag:s22] =	ssyncset.done $0x0  }
0x63: {  	s24 =	sshra.s32 s24, $0x2;
	[sflag:s22] =	ssyncadd.s32 $0xFFFFC000  }
0x64: {  	[tilespmem:s17], [sflag:$0x1] =	stream.indirect.gather [hbm4b:s1+s16], $0x80, s24, s16, $0xb8;
	[tilespmem:$0x1E800] =	vst v63  }
0x65: {  	s25 =	sadd.s32 $0x80, s24  }
0x66: {  	[tilespmem:s18], [sflag:$0x2] =	stream.indirect.gather [hbm4b:s1+s16], $0x80, s25, s16, $0xb8;
	[tilespmem:$0x1E800] =	vst v63  }
0x67: {  	_ =	swait.ge [sflag:s19], $0x4000  }
0x68: {  	[sflag:s19] =	ssyncset.done $0x0  }
0x69: {  	s29 =	sadd.s32 $0x1400, s24;
	[sflag:s19] =	ssyncadd.s32 $0xFFFFC000  }
0x6a: {  	[spmem:s3] =	stream.indirect.scatter.add.f32 [tilespmem:s17], [sflag:$0x3], $0x80, s29, s16, $0xb8;
	[tilespmem:$0x1E800] =	vst v63  }
0x6b: {  	_ =	swait.ge [sflag:s20], $0x4000  }
0x6c: {  	[sflag:s20] =	ssyncset.done $0x0  }
0x6d: {  	s30 =	sadd.s32 $0x1480, s24;
	[sflag:s20] =	ssyncadd.s32 $0xFFFFC000  }
0x6e: {  	[spmem:s3] =	stream.indirect.scatter.add.f32 [tilespmem:s18], [sflag:$0x4], $0x80, s30, s16, $0xb8;
	[tilespmem:$0x1E800] =	vst v63  }
0x6f: {  	_ =	swait.ge [sflag:s21], $0x4000  }
0x70: {  	[sflag:s21] =	ssyncset.done $0x0  }
0x71: {  	s31 =	sadd.s32 $0x100, s24;
	[sflag:s21] =	ssyncadd.s32 $0xFFFFC000  }
0x72: {  	[tilespmem:s17], [sflag:$0x1] =	stream.indirect.gather [hbm4b:s1+s16], $0x80, s31, s16, $0xb8;
	[tilespmem:$0x1E800] =	vst v63  }
0x73: {  	_ =	swait.ge [sflag:s22], $0x4000  }
0x74: {  	[sflag:s22] =	ssyncset.done $0x0  }
0x75: {  	s26 =	sadd.s32 $0x180, s24;
	[sflag:s22] =	ssyncadd.s32 $0xFFFFC000  }
0x76: {  	[tilespmem:s18], [sflag:$0x2] =	stream.indirect.gather [hbm4b:s1+s16], $0x80, s26, s16, $0xb8;
	[tilespmem:$0x1E800] =	vst v63  }
0x77: {  	_ =	swait.ge [sflag:s19], $0x4000  }
0x78: {  	[sflag:s19] =	ssyncset.done $0x0  }
0x79: {  	s28 =	sadd.s32 $0x1500, s24;
	[sflag:s19] =	ssyncadd.s32 $0xFFFFC000  }
0x7a: {  	[spmem:s3] =	stream.indirect.scatter.add.f32 [tilespmem:s17], [sflag:$0x3], $0x80, s28, s16, $0xb8;
	[tilespmem:$0x1E800] =	vst v63  }
0x7b: {  	_ =	swait.ge [sflag:s20], $0x4000  }
0x7c: {  	[sflag:s20] =	ssyncset.done $0x0  }
0x7d: {  	s24 =	sadd.s32 $0x1580, s24;
	[sflag:s20] =	ssyncadd.s32 $0xFFFFC000  }
0x7e: {  	[spmem:s3] =	stream.indirect.scatter.add.f32 [tilespmem:s18], [sflag:$0x4], $0x80, s24, s16, $0xb8;
	[tilespmem:$0x1E800] =	vst v63  }
0x7f: {  	_ =	swait.ge [sflag:s21], $0x4000  }
0x80: {  	[sflag:s21] =	ssyncset.done $0x0  }
0x81: {  	[sflag:s21] =	ssyncadd.s32 $0xFFFFC000  }
0x82: {  	_ =	swait.ge [sflag:s22], $0x4000  }
0x83: {  	[sflag:s22] =	ssyncset.done $0x0  }
0x84: {  	s29 =	simm.s32 $0x0;
	[sflag:s22] =	ssyncadd.s32 $0xFFFFC000  }
0x85: {  	[tilespmem:s29], [sflag:$0x5] =	stream.linear.gather [hbm4b:s9+s29], $0x1400, $0x38;
	[tilespmem:$0x1E800] =	vst v63  }
0x86: {  	_ =	swait.ge [sflag:s14], $0x1400  }
0x87: {  	[sflag:s14] =	ssyncset.done $0x0  }
0x88: {  	[sflag:s14] =	ssyncadd.s32 $0xFFFFEC00  }
0x89: {  	[tilespmem:s15], [sflag:$0x5] =	stream.linear.gather [hbm4b:s10+s29], $0x1400, $0x38;
	[tilespmem:$0x1E800] =	vst v63  }
0x8a: {  	_ =	swait.ge [sflag:s14], $0x1400  }
0x8b: {  	[sflag:s14] =	ssyncset.done $0x0  }
0x8c: {  	s30 =	simm.s32 $0x0;
	[sflag:s14] =	ssyncadd.s32 $0xFFFFEC00  }
0x8d: {  	[tilespmem:s17], [sflag:$0x1] =	stream.indirect.gather [hbm4b:s1+s16], $0x80, s30, s16, $0xb8;
	[tilespmem:$0x1E800] =	vst v63  }
0x8e: {  	s31 =	simm.s32 $0x80  }
0x8f: {  	[tilespmem:s18], [sflag:$0x2] =	stream.indirect.gather [hbm4b:s1+s16], $0x80, s31, s16, $0xb8;
	[tilespmem:$0x1E800] =	vst v63  }
0x90: {  	_ =	swait.ge [sflag:s19], $0x4000  }
0x91: {  	[sflag:s19] =	ssyncset.done $0x0  }
0x92: {  	s25 =	simm.s32 $0x1400;
	[sflag:s19] =	ssyncadd.s32 $0xFFFFC000  }
0x93: {  	[spmem:s3] =	stream.indirect.scatter.add.f32 [tilespmem:s17], [sflag:$0x3], $0x80, s25, s16, $0xb8;
	[tilespmem:$0x1E800] =	vst v63  }
0x94: {  	_ =	swait.ge [sflag:s20], $0x4000  }
0x95: {  	[sflag:s20] =	ssyncset.done $0x0  }
0x96: {  	s26 =	simm.s32 $0x1480;
	[sflag:s20] =	ssyncadd.s32 $0xFFFFC000  }
0x97: {  	[spmem:s3] =	stream.indirect.scatter.add.f32 [tilespmem:s18], [sflag:$0x4], $0x80, s26, s16, $0xb8;
	[tilespmem:$0x1E800] =	vst v63  }
0x98: {  	_ =	swait.ge [sflag:s21], $0x4000  }
0x99: {  	[sflag:s21] =	ssyncset.done $0x0  }
0x9a: {  	s28 =	simm.s32 $0x100;
	[sflag:s21] =	ssyncadd.s32 $0xFFFFC000  }
0x9b: {  	[tilespmem:s17], [sflag:$0x1] =	stream.indirect.gather [hbm4b:s1+s16], $0x80, s28, s16, $0xb8;
	[tilespmem:$0x1E800] =	vst v63  }
0x9c: {  	_ =	swait.ge [sflag:s22], $0x4000  }
0x9d: {  	[sflag:s22] =	ssyncset.done $0x0  }
0x9e: {  	s29 =	simm.s32 $0x180;
	[sflag:s22] =	ssyncadd.s32 $0xFFFFC000  }
0x9f: {  	[tilespmem:s18], [sflag:$0x2] =	stream.indirect.gather [hbm4b:s1+s16], $0x80, s29, s16, $0xb8;
	[tilespmem:$0x1E800] =	vst v63  }
0xa0: {  	_ =	swait.ge [sflag:s19], $0x4000  }
0xa1: {  	[sflag:s19] =	ssyncset.done $0x0  }
0xa2: {  	s30 =	simm.s32 $0x1500;
	[sflag:s19] =	ssyncadd.s32 $0xFFFFC000  }
0xa3: {  	[spmem:s3] =	stream.indirect.scatter.add.f32 [tilespmem:s17], [sflag:$0x3], $0x80, s30, s16, $0xb8;
	[tilespmem:$0x1E800] =	vst v63  }
0xa4: {  	_ =	swait.ge [sflag:s20], $0x4000  }
0xa5: {  	[sflag:s20] =	ssyncset.done $0x0  }
0xa6: {  	s31 =	simm.s32 $0x1580;
	[sflag:s20] =	ssyncadd.s32 $0xFFFFC000  }
0xa7: {  	[spmem:s3] =	stream.indirect.scatter.add.f32 [tilespmem:s18], [sflag:$0x4], $0x80, s31, s16, $0xb8;
	[tilespmem:$0x1E800] =	vst v63  }
0xa8: {  	_ =	swait.ge [sflag:s21], $0x4000  }
0xa9: {  	[sflag:s21] =	ssyncset.done $0x0  }
0xaa: {  	[sflag:s21] =	ssyncadd.s32 $0xFFFFC000  }
0xab: {  	_ =	swait.ge [sflag:s22], $0x4000  }
0xac: {  	s24 =	simm.s32 $0x800;
	s26 =	simm.s32 $0x1000;
	[sflag:s22] =	ssyncset.done $0x0  }
.LBB2_4:
0xad: {  	s28 =	sshra.s32 s24, $0x2  }
0xae: {  	[sflag:s22] =	ssyncadd.s32 $0xFFFFC000;
	s24 =	smov.u32 s26;
	s25 =	sadd.s32 $0x800, s26  }
0xaf: {  	[tilespmem:s17], [sflag:$0x1] =	stream.indirect.gather [hbm4b:s1+s16], $0x80, s28, s16, $0xb8;
	[tilespmem:$0x1E800] =	vst v63  }
0xb0: {  	p0 =	sne.s32 s26, $0x4800;
	s26 =	sadd.s32 $0x80, s28  }
0xb1: {  	[tilespmem:s18], [sflag:$0x2] =	stream.indirect.gather [hbm4b:s1+s16], $0x80, s26, s16, $0xb8;
	[tilespmem:$0x1E800] =	vst v63  }
0xb2: {  	_ =	swait.ge [sflag:s19], $0x4000  }
0xb3: {  	[sflag:s19] =	ssyncset.done $0x0  }
0xb4: {  	s26 =	sadd.s32 $0x1400, s28;
	[sflag:s19] =	ssyncadd.s32 $0xFFFFC000  }
0xb5: {  	[spmem:s3] =	stream.indirect.scatter.add.f32 [tilespmem:s17], [sflag:$0x3], $0x80, s26, s16, $0xb8;
	[tilespmem:$0x1E800] =	vst v63  }
0xb6: {  	_ =	swait.ge [sflag:s20], $0x4000  }
0xb7: {  	[sflag:s20] =	ssyncset.done $0x0  }
0xb8: {  	s26 =	sadd.s32 $0x1480, s28;
	[sflag:s20] =	ssyncadd.s32 $0xFFFFC000  }
0xb9: {  	[spmem:s3] =	stream.indirect.scatter.add.f32 [tilespmem:s18], [sflag:$0x4], $0x80, s26, s16, $0xb8;
	[tilespmem:$0x1E800] =	vst v63  }
0xba: {  	_ =	swait.ge [sflag:s21], $0x4000  }
0xbb: {  	[sflag:s21] =	ssyncset.done $0x0  }
0xbc: {  	s26 =	sadd.s32 $0x100, s28;
	[sflag:s21] =	ssyncadd.s32 $0xFFFFC000  }
0xbd: {  	[tilespmem:s17], [sflag:$0x1] =	stream.indirect.gather [hbm4b:s1+s16], $0x80, s26, s16, $0xb8;
	[tilespmem:$0x1E800] =	vst v63  }
0xbe: {  	_ =	swait.ge [sflag:s22], $0x4000  }
0xbf: {  	[sflag:s22] =	ssyncset.done $0x0  }
0xc0: {  	s26 =	sadd.s32 $0x180, s28;
	[sflag:s22] =	ssyncadd.s32 $0xFFFFC000  }
0xc1: {  	[tilespmem:s18], [sflag:$0x2] =	stream.indirect.gather [hbm4b:s1+s16], $0x80, s26, s16, $0xb8;
	[tilespmem:$0x1E800] =	vst v63  }
0xc2: {  	_ =	swait.ge [sflag:s19], $0x4000  }
0xc3: {  	[sflag:s19] =	ssyncset.done $0x0  }
0xc4: {  	s26 =	sadd.s32 $0x1500, s28;
	[sflag:s19] =	ssyncadd.s32 $0xFFFFC000  }
0xc5: {  	[spmem:s3] =	stream.indirect.scatter.add.f32 [tilespmem:s17], [sflag:$0x3], $0x80, s26, s16, $0xb8;
	[tilespmem:$0x1E800] =	vst v63  }
0xc6: {  	_ =	swait.ge [sflag:s20], $0x4000  }
0xc7: {  	[sflag:s20] =	ssyncset.done $0x0  }
0xc8: {  	s26 =	sadd.s32 $0x1580, s28;
	[sflag:s20] =	ssyncadd.s32 $0xFFFFC000  }
0xc9: {  	[spmem:s3] =	stream.indirect.scatter.add.f32 [tilespmem:s18], [sflag:$0x4], $0x80, s26, s16, $0xb8;
	[tilespmem:$0x1E800] =	vst v63  }
.Ltmp1:
0xca: {  	_ =	swait.ge [sflag:s21], $0x4000;
	(pc) =	sbr.rel @p0 .LBB2_4-.Ltmp1, $4  }
0xcb: {  	[sflag:s21] =	ssyncset.done $0x0  }
0xcc: {  	[sflag:s21] =	ssyncadd.s32 $0xFFFFC000  }
0xcd: {  	_ =	swait.ge [sflag:s22], $0x4000  }
0xce: {  	s26 =	smov.u32 s25;
	[sflag:s22] =	ssyncset.done $0x0  }
0xcf: {  	s24 =	sshra.s32 s24, $0x2;
	[sflag:s22] =	ssyncadd.s32 $0xFFFFC000  }
0xd0: {  	[tilespmem:s17], [sflag:$0x1] =	stream.indirect.gather [hbm4b:s1+s16], $0x80, s24, s16, $0xb8;
	[tilespmem:$0x1E800] =	vst v63  }
0xd1: {  	s25 =	sadd.s32 $0x80, s24  }
0xd2: {  	[tilespmem:s18], [sflag:$0x2] =	stream.indirect.gather [hbm4b:s1+s16], $0x80, s25, s16, $0xb8;
	[tilespmem:$0x1E800] =	vst v63  }
0xd3: {  	_ =	swait.ge [sflag:s19], $0x4000  }
0xd4: {  	[sflag:s19] =	ssyncset.done $0x0  }
0xd5: {  	s26 =	sadd.s32 $0x1400, s24;
	[sflag:s19] =	ssyncadd.s32 $0xFFFFC000  }
0xd6: {  	[spmem:s3] =	stream.indirect.scatter.add.f32 [tilespmem:s17], [sflag:$0x3], $0x80, s26, s16, $0xb8;
	[tilespmem:$0x1E800] =	vst v63  }
0xd7: {  	_ =	swait.ge [sflag:s20], $0x4000  }
0xd8: {  	[sflag:s20] =	ssyncset.done $0x0  }
0xd9: {  	s28 =	sadd.s32 $0x1480, s24;
	[sflag:s20] =	ssyncadd.s32 $0xFFFFC000  }
0xda: {  	[spmem:s3] =	stream.indirect.scatter.add.f32 [tilespmem:s18], [sflag:$0x4], $0x80, s28, s16, $0xb8;
	[tilespmem:$0x1E800] =	vst v63  }
0xdb: {  	_ =	swait.ge [sflag:s21], $0x4000  }
0xdc: {  	[sflag:s21] =	ssyncset.done $0x0  }
0xdd: {  	s29 =	sadd.s32 $0x100, s24;
	[sflag:s21] =	ssyncadd.s32 $0xFFFFC000  }
0xde: {  	[tilespmem:s17], [sflag:$0x1] =	stream.indirect.gather [hbm4b:s1+s16], $0x80, s29, s16, $0xb8;
	[tilespmem:$0x1E800] =	vst v63  }
0xdf: {  	_ =	swait.ge [sflag:s22], $0x4000  }
0xe0: {  	[sflag:s22] =	ssyncset.done $0x0  }
0xe1: {  	s30 =	sadd.s32 $0x180, s24;
	[sflag:s22] =	ssyncadd.s32 $0xFFFFC000  }
0xe2: {  	[tilespmem:s18], [sflag:$0x2] =	stream.indirect.gather [hbm4b:s1+s16], $0x80, s30, s16, $0xb8;
	[tilespmem:$0x1E800] =	vst v63  }
0xe3: {  	_ =	swait.ge [sflag:s19], $0x4000  }
0xe4: {  	[sflag:s19] =	ssyncset.done $0x0  }
0xe5: {  	s31 =	sadd.s32 $0x1500, s24;
	[sflag:s19] =	ssyncadd.s32 $0xFFFFC000  }
0xe6: {  	[spmem:s3] =	stream.indirect.scatter.add.f32 [tilespmem:s17], [sflag:$0x3], $0x80, s31, s16, $0xb8;
	[tilespmem:$0x1E800] =	vst v63  }
0xe7: {  	_ =	swait.ge [sflag:s20], $0x4000  }
0xe8: {  	[sflag:s20] =	ssyncset.done $0x0  }
0xe9: {  	s24 =	sadd.s32 $0x1580, s24;
	[sflag:s20] =	ssyncadd.s32 $0xFFFFC000  }
0xea: {  	[spmem:s3] =	stream.indirect.scatter.add.f32 [tilespmem:s18], [sflag:$0x4], $0x80, s24, s16, $0xb8;
	[tilespmem:$0x1E800] =	vst v63  }
0xeb: {  	_ =	swait.ge [sflag:s21], $0x4000  }
0xec: {  	[sflag:s21] =	ssyncset.done $0x0  }
0xed: {  	[sflag:s21] =	ssyncadd.s32 $0xFFFFC000  }
0xee: {  	_ =	swait.ge [sflag:s22], $0x4000  }
0xef: {  	s23 =	sadd.s32 $0x1, s23;
	[sflag:s22] =	ssyncset.done $0x0  }
0xf0: {  	p0 =	sne.s32 s23, s12;
	[sflag:s22] =	ssyncadd.s32 $0xFFFFC000  }
.Ltmp2:
0xf1: {  	[bflag:$0x0] =	sbarrier.arrive $0xFFFF;
	(pc) =	sbr.rel @p0 .LBB2_1-.Ltmp2, $4  }
0xf2: {  	[hbm:s11], [sflag:s6] =	dma.local [spmem:s13], $0x2800  }
0xf3: {  	_ =	swait.ge [sflag:s14], $0x2800  }
0xf4: {  	[sflag:s14] =	ssyncset.done $0x0  }
0xf5: {  	[sflag:s14] =	ssyncadd.s32 $0xFFFFD800  }
0xf6: {  	_ =	sfence.sel $0x180000  }
0xf7: {  	[bflag:$0x0] =	sbarrier.arrive $0xFFFF  }
0xf8: {  	p0 =	sne.s32 s4, $0x0;
	_ =	strace $0x9000004A  }
0xf9: {  	s0 =	sadd.s32 @!p0 $0x100000, s0;
	[bflag:$0x2] =	sbarrier.arrive $0xFFFF  }
0xfa: {  	[sflag:s0] =	ssyncadd.tile.s32 @!p0 $0x1;
	_ =	shalt  }
.Lfunc_end2:
_tile_overlayer_lowered:
.L_overlay_start_2:
0xfb: {  	(tag) =	ssettag $0x2  }
0xfc: {  	s0 =	rddreg [dreg:$0x0];
	s2 =	stileid.u32  }
0xfd: {  	s1 =	rddreg [dreg:$0x1];
	p0 =	sne.s32 s2, $0x0  }
0xfe: {  	s3 =	rddreg [dreg:$0x2];
	[bflag:$0x3] =	sbarrier.arrive $0xFFFF;
	s2 =	simm.s32 @!p0 $0x1C05  }
0xff: {  	[timem:s3], [sflag:s2] =	dma.local @!p0 [hbm:s0], s1  }
0x100: {  	s0 =	simm.s32 @!p0 $0x5  }
0x101: {  	_ =	swait.ge @!p0 [sflag:s0], s1  }
0x102: {  	s1 =	ssub.s32 @!p0 $0x0, s1;
	[sflag:s0] =	ssyncset.done @!p0 $0x0  }
0x103: {  	[sflag:s0] =	ssyncadd.s32 @!p0 s1  }
0x104: {  	[bflag:$0x3] =	sbarrier.arrive $0xFFFF  }
0x105: {  	_ =	shalt  }

// kernel: kernel.15.cloned.1.call-start
scs
__scs_entry_jumppad:
0x0: {  	(pc) =	sbr.rel $0x88, $3  }
0x1: {  	(tag) =	ssettag $0x0;
	lr =	simm.s32 $0x1  }
0x2: {  	[smem:$0x3F96] =	sst lr;
	_ =	strace $0xD0000000  }
0x3: {  	_ = 	snop  }
0x4: {  	_ = 	snop  }
0x5: {  	_ = 	snop  }
0x6: {  	_ = 	snop  }
0x7: {  	_ = 	snop  }
__scs_overlays_trampoline_lowered:
0x8: {  	[smem:$0x3FA5] =	sst s0  }
0x9: {  	[smem:$0x3FA6] =	sst s1  }
0xa: {  	[smem:$0x3FA7] =	sst s2  }
0xb: {  	[smem:$0x3FA8] =	sst s3  }
0xc: {  	[smem:$0x3FA9] =	sst s4  }
0xd: {  	[smem:$0x3FAA] =	sst s5  }
0xe: {  	[smem:$0x3FAB] =	sst s6  }
0xf: {  	[smem:$0x3FAC] =	sst s7  }
0x10: {  	[smem:$0x3FAD] =	sst s8  }
0x11: {  	[smem:$0x3FAE] =	sst s9;
	s0 =	simm.s32 @!p0 $0x0  }
0x12: {  	s1 =	sld [smem:$0x3F94];
	s0 =	simm.s32 @p0 $0x1  }
0x13: {  	[smem:$0x3FAF] =	sst s0;
	s0 =	simm.s32 @!p1 $0x0  }
0x14: {  	s2 =	sld [smem:$0x3F93];
	s0 =	simm.s32 @p1 $0x1  }
0x15: {  	[smem:$0x3FB0] =	sst s0;
	s0 =	simm.s32 @!p2 $0x0  }
0x16: {  	s3 =	sld [smem:$0x3FDB];
	s0 =	simm.s32 @p2 $0x1  }
0x17: {  	s4 =	simm.s32 $0x1BF5;
	[smem:$0x3FB2] =	sst s0  }
0x18: {  	s0 =	sld [smem:$0x3F95];
	_ =	swait.ge [sflag:s4], $0x0  }
0x19: {  	s7 =	sld [smem:$0x3F96]  }
0x1a: {  	s8 =	sadd.s32 $0xFFFFE003, lr  }
0x1b: {  	s9 =	sadd.s32 $0xFFFFFEF7, lr;
	s5 =	simm.s32 $0xFFFFFFFF;
	p2 =	slt.u32 s8, $0xFFFFF086  }
0x1c: {  	p1 =	slt.u32 s9, $0xF7A;
	s5 =	simm.s32 @!p2 $0x0  }
0x1d: {  	s5 =	simm.s32 @p1 $0x1;
	p0 =	seq.s32 s7, s2  }
0x1e: {  	s7 =	smul.u32 @!p0 $0xF7A, s2;
	p2 =	seq.s32 @!p0 s5, $0x0  }
0x1f: {  	s9 =	smul.u32 $0xF7A, s1;
	s8 =	simm.s32 @!p0 $0x1BF5;
	p2 =	por !p2, p0  }
0x20: {  	[sflag:s8] =	ssyncset.s32 @!p0 $0xFFFFF086;
	s6 =	sadd.s32 @!p0 s3, s7;
	s7 =	simm.s32 @!p0 $0x108  }
0x21: {  	s3 =	sadd.s32 s3, s9;
	s6 =	sadd.s32 @!p0 $0x88, s6;
	s7 =	simm.s32 @p2 $0x1082  }
0x22: {  	[simem:s7], [sflag:s8] =	dma.local @!p0 [hbm:s6], $0xF7A  }
0x23: {  	s9 =	sor.u32 $0xD0000000, s2;
	s6 =	simm.s32 $0x108;
	_ =	swait.ge @!p0 [sflag:s8], $0x0  }
0x24: {  	s3 =	sadd.s32 $0x88, s3;
	s6 =	simm.s32 @!p1 $0x1082;
	[sflag:s4] =	ssyncset.s32 $0xFFFFF086  }
0x25: {  	[simem:s6], [sflag:s4] =	dma.local [hbm:s3], $0xF7A  }
0x26: {  	[smem:$0x3F96] =	sst s1;
	(tag) =	ssettag s2;
	_ =	strace s9  }
0x27: {  	s1 =	sld [smem:$0x3FA6]  }
0x28: {  	s2 =	sld [smem:$0x3FA7]  }
0x29: {  	s4 =	sld [smem:$0x3FA9]  }
0x2a: {  	p0 =	seq.s32 s5, $0x0;
	s5 =	sld [smem:$0x3FAA]  }
0x2b: {  	s6 =	sld [smem:$0x3FAB]  }
0x2c: {  	s7 =	sld [smem:$0x3FAC]  }
0x2d: {  	s3 =	simm.s32 $0x108;
	s8 =	sld [smem:$0x3FAD]  }
0x2e: {  	s3 =	simm.s32 @!p0 $0x1082;
	s9 =	sld [smem:$0x3FAE]  }
0x2f: {  	lr =	sadd.s32 s0, s3;
	s0 =	sld [smem:$0x3FA5]  }
0x30: {  	s3 =	sld [smem:$0x3FA8]  }
0x31: {  	[smem:$0x3FB1] =	sst s10  }
0x32: {  	s10 =	sld [smem:$0x3FAF];
	_ =	sdelay $0x3  }
0x33: {  	p0 =	seq.s32 s10, $0x1;
	s10 =	sld [smem:$0x3FB1];
	_ =	sdelay $0x3  }
0x34: {  	[smem:$0x3FB1] =	sst s10  }
0x35: {  	s10 =	sld [smem:$0x3FB0];
	_ =	sdelay $0x3  }
0x36: {  	p1 =	seq.s32 s10, $0x1;
	s10 =	sld [smem:$0x3FB1];
	_ =	sdelay $0x3  }
0x37: {  	[smem:$0x3FB1] =	sst s10  }
0x38: {  	s10 =	sld [smem:$0x3FB2]  }
0x39: {  	_ = 	snop;
	(pc) =	sbr.ind lr, $3  }
0x3a: {  	_ = 	snop  }
0x3b: {  	_ = 	snop  }
0x3c: {  	p2 =	seq.s32 s10, $0x1;
	s10 =	sld [smem:$0x3FB1]  }
0x3d: {  	_ =	shalt  }
0x3e: {  	_ =	shalt  }
0x3f: {  	_ =	shalt  }
0x40: {  	_ =	shalt  }
0x41: {  	_ =	shalt  }
0x42: {  	_ =	shalt  }
0x43: {  	_ =	shalt  }
0x44: {  	_ =	shalt  }
0x45: {  	_ =	shalt  }
0x46: {  	_ =	shalt  }
0x47: {  	_ =	shalt  }
0x48: {  	_ =	shalt  }
0x49: {  	_ =	shalt  }
0x4a: {  	_ =	shalt  }
0x4b: {  	_ =	shalt  }
0x4c: {  	_ =	shalt  }
0x4d: {  	_ =	shalt  }
0x4e: {  	_ =	shalt  }
0x4f: {  	_ =	shalt  }
0x50: {  	_ =	shalt  }
0x51: {  	_ =	shalt  }
0x52: {  	_ =	shalt  }
0x53: {  	_ =	shalt  }
0x54: {  	_ =	shalt  }
0x55: {  	_ =	shalt  }
0x56: {  	_ =	shalt  }
0x57: {  	_ =	shalt  }
0x58: {  	_ =	shalt  }
0x59: {  	_ =	shalt  }
0x5a: {  	_ =	shalt  }
0x5b: {  	_ =	shalt  }
0x5c: {  	_ =	shalt  }
0x5d: {  	_ =	shalt  }
0x5e: {  	_ =	shalt  }
0x5f: {  	_ =	shalt  }
0x60: {  	_ =	shalt  }
0x61: {  	_ =	shalt  }
0x62: {  	_ =	shalt  }
0x63: {  	_ =	shalt  }
0x64: {  	_ =	shalt  }
0x65: {  	_ =	shalt  }
0x66: {  	_ =	shalt  }
0x67: {  	_ =	shalt  }
0x68: {  	_ =	shalt  }
0x69: {  	_ =	shalt  }
0x6a: {  	_ =	shalt  }
0x6b: {  	_ =	shalt  }
0x6c: {  	_ =	shalt  }
0x6d: {  	_ =	shalt  }
0x6e: {  	_ =	shalt  }
0x6f: {  	_ =	shalt  }
0x70: {  	_ =	shalt  }
0x71: {  	_ =	shalt  }
0x72: {  	_ =	shalt  }
0x73: {  	_ =	shalt  }
0x74: {  	_ =	shalt  }
0x75: {  	_ =	shalt  }
0x76: {  	_ =	shalt  }
0x77: {  	_ =	shalt  }
0x78: {  	_ =	shalt  }
0x79: {  	_ =	shalt  }
0x7a: {  	_ =	shalt  }
0x7b: {  	_ =	shalt  }
0x7c: {  	_ =	shalt  }
0x7d: {  	_ =	shalt  }
0x7e: {  	_ =	shalt  }
0x7f: {  	_ =	shalt  }
0x80: {  	_ =	shalt  }
0x81: {  	_ =	shalt  }
0x82: {  	_ =	shalt  }
0x83: {  	_ =	shalt  }
0x84: {  	_ =	shalt  }
0x85: {  	_ =	shalt  }
0x86: {  	_ =	shalt  }
0x87: {  	_ =	shalt  }
.Lfunc_end0:
.L_simem_size_0:
called_computation.2_lowered:
.L_overlay_start_0:
0x88: {  	s2 =	sld [smem:$0x3FD9]  }
0x89: {  	s3 =	sld [smem:$0x3FFE];
	_ =	sdelay $0x1  }
0x8a: {  	s1 =	srdreg.scid  }
0x8b: {  	s0 =	sand.u32 $0x1, s1  }
0x8c: {  	s14 =	sshll.u32 s0, $0xA;
	s2 =	sadd.s32 s3, s2  }
0x8d: {  	s2 =	sadd.s32 s2, s14  }
0x8e: {  	[smem:$0x3FBD] =	sst s2  }
0x8f: {  	_ = 	snop  }
0x90: {  	s2 =	sld [smem:$0x3FD0];
	_ =	sdelay $0x2  }
0x91: {  	s15 =	simm.s32 $0xA;
	s4 =	simm.s32 $0x10  }
0x92: {  	[smem:s4], [sflag:s15] =	dma.local [hbm:s2], $0x1  }
0x93: {  	_ =	swait.eq [sflag:s15], $0x1  }
0x94: {  	s16 =	sld [smem:$0x10];
	[sflag:s15] =	ssyncset.done $0x0  }
0x95: {  	s17 =	sld [smem:$0x11];
	[sflag:s15] =	ssyncadd.s32 $0xFFFFFFFF  }
0x96: {  	s18 =	sld [smem:$0x13];
	(tm) =	ssettm $0x1  }
0x97: {  	s5 =	sld [smem:$0x3FFB];
	_ =	sdelay $0x3  }
0x98: {  	_ =	strace s5  }
0x99: {  	s5 =	sld [smem:$0x3FFC];
	_ =	sdelay $0x3  }
0x9a: {  	_ =	strace s5  }
0x9b: {  	s5 =	sld [smem:$0x3FFD];
	_ =	sdelay $0x3  }
0x9c: {  	_ =	strace s5  }
0x9d: {  	_ =	strace $0x8FFFFFFF  }
0x9e: {  	s19 =	sld [smem:$0x3FDB];
	_ =	sdelay $0x1  }
0x9f: {  	s6 =	simm.s32 $_scs_section_size  }
0xa0: {  	s7 =	simm.s32 $_size__tile_overlayer_lowered;
	s8 =	simm.s32 $_tile_overlayer_lowered  }
0xa1: {  	s22 =	simm.s32 $0x1BFF;
	s21 =	sshll.u32 s8, $0x1;
	s5 =	sadd.s32 s6, s19  }
0xa2: {  	s9 =	simm.s32 $0x0;
	s20 =	sshll.u32 s7, $0x1;
	s7 =	sadd.s32 s21, s5  }
0xa3: {  	[timem:s9], [sflag:s22] =	dma.local [hbm:s7], s20  }
0xa4: {  	_ =	swait.ge [sflag:s22], s20  }
0xa5: {  	s6 =	ssub.s32 $0x0, s20;
	[sflag:s22] =	ssyncset.done $0x0  }
0xa6: {  	[sflag:s22] =	ssyncadd.s32 s6;
	_ =	sdelay $0x1  }
0xa7: {  	s23 =	simm.s32 $0x1B8B  }
0xa8: {  	_ =	swait.ge [sflag:s23], $0x1  }
0xa9: {  	[sflag:s23] =	ssyncset.done $0x0  }
0xaa: {  	s25 =	simm.s32 $0x1B8E;
	s24 =	sld [smem:$0x3FFE];
	[sflag:s23] =	ssyncadd.s32 $0xFFFFFFFF  }
0xab: {  	s26 =	simm.s32 $execute0_lowered;
	[smem:$0x3FD2] =	sst s25  }
0xac: {  	s7 =	sshll.u32 s26, $0x1;
	_ =	strace $0x8000004C;
	[dreg:$0x1] =	wrdreg $0xFFFFFFFF  }
0xad: {  	s28 =	simm.s32 $_size_execute0_lowered;
	s5 =	sadd.s32 s5, s7;
	[dreg:$0x0] =	wrdreg $0x0  }
0xae: {  	s7 =	sshll.u32 s28, $0x1;
	[dreg:$0x2] =	wrdreg s5  }
0xaf: {  	[dreg:$0x3] =	wrdreg s7  }
0xb0: {  	[dreg:$0x4] =	wrdreg $0xC0  }
0xb1: {  	_ =	task [dreg:s9], $0x5FFFF  }
0xb2: {  	[dreg:$0x1] =	wrdreg $0xFFFFFFFF  }
0xb3: {  	[dreg:$0x0] =	wrdreg $0x60  }
0xb4: {  	[dreg:$0x2] =	wrdreg s24  }
0xb5: {  	[dreg:$0x3] =	wrdreg s17  }
0xb6: {  	[dreg:$0x4] =	wrdreg s18  }
0xb7: {  	[dreg:$0x5] =	wrdreg s16  }
0xb8: {  	[dreg:$0x6] =	wrdreg $0xA8000  }
0xb9: {  	[dreg:$0x7] =	wrdreg $0x9  }
0xba: {  	_ =	task.clear_ibuf [dreg:s9], $0x8FFFF;
	_ =	strace $0x9000004C  }
0xbb: {  	s29 =	simm.s32 $0x9;
	_ =	strace $0x8000004E  }
0xbc: {  	_ =	swait.ge [sflag:s29], $0x1  }
0xbd: {  	[sflag:s29] =	ssyncadd.s32 $0xFFFFFFFF  }
0xbe: {  	_ =	strace $0x9000004E  }
0xbf: {  	_ =	sfence  }
0xc0: {  	s30 =	sld [smem:$0x0];
	_ =	sdelay $0x2  }
0xc1: {  	s31 =	sshll.u32 s1, $0xD;
	s1 =	sshrl.u32 s1, $0x2  }
0xc2: {  	s3 =	sand.u32 $0x4000, s31;
	s1 =	sadd.s32 s1, s30  }
0xc3: {  	s0 =	sor.u32 s3, s0;
	s1 =	sshll.u32 s1, $0x11  }
0xc4: {  	s0 =	sor.u32 s1, s0  }
0xc5: {  	s0 =	sadd.s32 $0x8F2B, s0  }
0xc6: {  	[sflag:s0] =	ssyncadd.remote.s32 $0x1  }
0xc7: {  	_ =	sfence.sel $0xFFFF  }
0xc8: {  	[dreg:$0x0] =	wrdreg $0xFFFFFFFF;
	(pc) =	sbr.abs _section_cstart, $3  }
0xc9: {  	[dreg:$0x1] =	wrdreg $0xFFFFFFFF  }
0xca: {  	_ =	task.clear_ibuf [dreg:s9], $0x2FFFF;
	_ =	strace $0x9FFFFFFF  }
0xcb: {  	(tm) =	ssettm $0x7FFFFFFF  }
tec
execute0_lowered:
.L_overlay_start_1:
0x0: {  	(tag) =	ssettag $0x1  }
0x1: {  	s6 =	rddreg [dreg:$0x0]  }
0x2: {  	s1 =	rddreg [dreg:$0x1]  }
0x3: {  	s2 =	rddreg [dreg:$0x2]  }
0x4: {  	s11 =	rddreg [dreg:$0x3]  }
0x5: {  	s3 =	rddreg [dreg:$0x4];
	s4 =	srdreg.scid  }
0x6: {  	s0 =	rddreg [dreg:$0x5];
	s5 =	simm.s32 $0x0;
	s17 =	simm.s32 $0x2800  }
0x7: {  	s18 =	simm.s32 $0x6800;
	s19 =	simm.s32 $0x1;
	s20 =	simm.s32 $0x2  }
0x8: {  	s21 =	simm.s32 $0x3;
	s22 =	simm.s32 $0x4;
	s23 =	simm.s32 $0x0  }
0x9: {  	s7 =	sand.u32 $0x1, s4;
	[smem:$0x7FF] =	sst s5;
	s4 =	stileid.u32  }
0xa: {  	s10 =	sadd.s32 $0x3200, s6;
	s13 =	sadd.s32 $0xD200, s6;
	s9 =	smul.u32 $0x50000, s4  }
0xb: {  	s8 =	sshll.u32 s7, $0x4;
	_ =	strace $0x8000004D;
	s14 =	smul.u32 $0x140000, s7  }
0xc: {  	s12 =	ssub.s32 $0x2, s7;
	s28 =	smul.u32 $0x14000, s4;
	s29 =	sshll.u32 s4, $0x6  }
0xd: {  	s8 =	sor.u32 s4, s8;
	s25 =	sshrl.u32 s12, $0x1;
	s6 =	sor.u32 $0x1C05, s29  }
0xe: {  	s8 =	smul.u32 $0x2800, s8;
	s12 =	ssub.s32 s12, s25;
	s26 =	sshrl.u32 s9, $0x2  }
0xf: {  	s9 =	sadd.s32 s28, s14;
	s14 =	simm.s32 $0x5;
	s15 =	sadd.s32 s26, s3  }
0x10: {  	s31 =	sshrl.u32 s9, $0x3;
	s12 =	smax.u32 s12, $0x1;
	s16 =	sshrl.u32 s8, $0x3  }
0x11: {  	s11 =	sadd.s32 s11, s31;
	s7 =	sadd.s32 s10, s16;
	s30 =	sadd.s32 $0x280, s16  }
0x12: {  	s8 =	sadd.s32 s13, s16;
	s16 =	simm.s32 $0x80;
	s9 =	sadd.s32 s10, s30  }
0x13: {  	s10 =	sadd.s32 s13, s30;
	s13 =	sshrl.u32 s15, $0x3;
	s15 =	simm.s32 $0x1400  }
.LBB2_1:
0x14: {  	[spmem:s13], [sflag:s6] =	dma.local [hbm:s2], $0x2800  }
0x15: {  	_ =	swait.ge [sflag:s14], $0x2800  }
0x16: {  	[sflag:s14] =	ssyncset.done $0x0  }
0x17: {  	[sflag:s14] =	ssyncadd.s32 $0xFFFFD800  }
0x18: {  	[bflag:$0x0] =	sbarrier.arrive $0xFFFF  }
0x19: {  	[tilespmem:s5], [sflag:$0x5] =	stream.linear.gather [hbm4b:s7+s5], $0x1400, $0x38;
	[tilespmem:$0x1E800] =	vst v63  }
0x1a: {  	_ =	swait.ge [sflag:s14], $0x1400  }
0x1b: {  	[sflag:s14] =	ssyncset.done $0x0  }
0x1c: {  	[sflag:s14] =	ssyncadd.s32 $0xFFFFEC00  }
0x1d: {  	[tilespmem:s15], [sflag:$0x5] =	stream.linear.gather [hbm4b:s8+s5], $0x1400, $0x38;
	[tilespmem:$0x1E800] =	vst v63  }
0x1e: {  	_ =	swait.ge [sflag:s14], $0x1400  }
0x1f: {  	[sflag:s14] =	ssyncset.done $0x0  }
0x20: {  	s24 =	simm.s32 $0x0;
	[sflag:s14] =	ssyncadd.s32 $0xFFFFEC00  }
0x21: {  	[tilespmem:s17], [sflag:$0x1] =	stream.indirect.gather [hbm4b:s1+s16], $0x80, s24, s16, $0xb8;
	[tilespmem:$0x1E800] =	vst v63  }
0x22: {  	s31 =	simm.s32 $0x80  }
0x23: {  	[tilespmem:s18], [sflag:$0x2] =	stream.indirect.gather [hbm4b:s1+s16], $0x80, s31, s16, $0xb8;
	[tilespmem:$0x1E800] =	vst v63  }
0x24: {  	_ =	swait.ge [sflag:s19], $0x4000  }
0x25: {  	[sflag:s19] =	ssyncset.done $0x0  }
0x26: {  	s25 =	simm.s32 $0x1400;
	[sflag:s19] =	ssyncadd.s32 $0xFFFFC000  }
0x27: {  	[spmem:s3] =	stream.indirect.scatter.add.f32 [tilespmem:s17], [sflag:$0x3], $0x80, s25, s16, $0xb8;
	[tilespmem:$0x1E800] =	vst v63  }
0x28: {  	_ =	swait.ge [sflag:s20], $0x4000  }
0x29: {  	[sflag:s20] =	ssyncset.done $0x0  }
0x2a: {  	s26 =	simm.s32 $0x1480;
	[sflag:s20] =	ssyncadd.s32 $0xFFFFC000  }
0x2b: {  	[spmem:s3] =	stream.indirect.scatter.add.f32 [tilespmem:s18], [sflag:$0x4], $0x80, s26, s16, $0xb8;
	[tilespmem:$0x1E800] =	vst v63  }
0x2c: {  	_ =	swait.ge [sflag:s21], $0x4000  }
0x2d: {  	[sflag:s21] =	ssyncset.done $0x0  }
0x2e: {  	s28 =	simm.s32 $0x100;
	[sflag:s21] =	ssyncadd.s32 $0xFFFFC000  }
0x2f: {  	[tilespmem:s17], [sflag:$0x1] =	stream.indirect.gather [hbm4b:s1+s16], $0x80, s28, s16, $0xb8;
	[tilespmem:$0x1E800] =	vst v63  }
0x30: {  	_ =	swait.ge [sflag:s22], $0x4000  }
0x31: {  	[sflag:s22] =	ssyncset.done $0x0  }
0x32: {  	s29 =	simm.s32 $0x180;
	[sflag:s22] =	ssyncadd.s32 $0xFFFFC000  }
0x33: {  	[tilespmem:s18], [sflag:$0x2] =	stream.indirect.gather [hbm4b:s1+s16], $0x80, s29, s16, $0xb8;
	[tilespmem:$0x1E800] =	vst v63  }
0x34: {  	_ =	swait.ge [sflag:s19], $0x4000  }
0x35: {  	[sflag:s19] =	ssyncset.done $0x0  }
0x36: {  	s30 =	simm.s32 $0x1500;
	[sflag:s19] =	ssyncadd.s32 $0xFFFFC000  }
0x37: {  	[spmem:s3] =	stream.indirect.scatter.add.f32 [tilespmem:s17], [sflag:$0x3], $0x80, s30, s16, $0xb8;
	[tilespmem:$0x1E800] =	vst v63  }
0x38: {  	_ =	swait.ge [sflag:s20], $0x4000  }
0x39: {  	[sflag:s20] =	ssyncset.done $0x0  }
0x3a: {  	s31 =	simm.s32 $0x1580;
	[sflag:s20] =	ssyncadd.s32 $0xFFFFC000  }
0x3b: {  	[spmem:s3] =	stream.indirect.scatter.add.f32 [tilespmem:s18], [sflag:$0x4], $0x80, s31, s16, $0xb8;
	[tilespmem:$0x1E800] =	vst v63  }
0x3c: {  	_ =	swait.ge [sflag:s21], $0x4000  }
0x3d: {  	[sflag:s21] =	ssyncset.done $0x0  }
0x3e: {  	[sflag:s21] =	ssyncadd.s32 $0xFFFFC000  }
0x3f: {  	_ =	swait.ge [sflag:s22], $0x4000  }
0x40: {  	s24 =	simm.s32 $0x800;
	s26 =	simm.s32 $0x1000;
	[sflag:s22] =	ssyncset.done $0x0  }
.LBB2_2:
0x41: {  	s28 =	sshra.s32 s24, $0x2  }
0x42: {  	[sflag:s22] =	ssyncadd.s32 $0xFFFFC000;
	s24 =	smov.u32 s26;
	s25 =	sadd.s32 $0x800, s26  }
0x43: {  	[tilespmem:s17], [sflag:$0x1] =	stream.indirect.gather [hbm4b:s1+s16], $0x80, s28, s16, $0xb8;
	[tilespmem:$0x1E800] =	vst v63  }
0x44: {  	p0 =	sne.s32 s26, $0x4800;
	s26 =	sadd.s32 $0x80, s28  }
0x45: {  	[tilespmem:s18], [sflag:$0x2] =	stream.indirect.gather [hbm4b:s1+s16], $0x80, s26, s16, $0xb8;
	[tilespmem:$0x1E800] =	vst v63  }
0x46: {  	_ =	swait.ge [sflag:s19], $0x4000  }
0x47: {  	[sflag:s19] =	ssyncset.done $0x0  }
0x48: {  	s26 =	sadd.s32 $0x1400, s28;
	[sflag:s19] =	ssyncadd.s32 $0xFFFFC000  }
0x49: {  	[spmem:s3] =	stream.indirect.scatter.add.f32 [tilespmem:s17], [sflag:$0x3], $0x80, s26, s16, $0xb8;
	[tilespmem:$0x1E800] =	vst v63  }
0x4a: {  	_ =	swait.ge [sflag:s20], $0x4000  }
0x4b: {  	[sflag:s20] =	ssyncset.done $0x0  }
0x4c: {  	s26 =	sadd.s32 $0x1480, s28;
	[sflag:s20] =	ssyncadd.s32 $0xFFFFC000  }
0x4d: {  	[spmem:s3] =	stream.indirect.scatter.add.f32 [tilespmem:s18], [sflag:$0x4], $0x80, s26, s16, $0xb8;
	[tilespmem:$0x1E800] =	vst v63  }
0x4e: {  	_ =	swait.ge [sflag:s21], $0x4000  }
0x4f: {  	[sflag:s21] =	ssyncset.done $0x0  }
0x50: {  	s26 =	sadd.s32 $0x100, s28;
	[sflag:s21] =	ssyncadd.s32 $0xFFFFC000  }
0x51: {  	[tilespmem:s17], [sflag:$0x1] =	stream.indirect.gather [hbm4b:s1+s16], $0x80, s26, s16, $0xb8;
	[tilespmem:$0x1E800] =	vst v63  }
0x52: {  	_ =	swait.ge [sflag:s22], $0x4000  }
0x53: {  	[sflag:s22] =	ssyncset.done $0x0  }
0x54: {  	s26 =	sadd.s32 $0x180, s28;
	[sflag:s22] =	ssyncadd.s32 $0xFFFFC000  }
0x55: {  	[tilespmem:s18], [sflag:$0x2] =	stream.indirect.gather [hbm4b:s1+s16], $0x80, s26, s16, $0xb8;
	[tilespmem:$0x1E800] =	vst v63  }
0x56: {  	_ =	swait.ge [sflag:s19], $0x4000  }
0x57: {  	[sflag:s19] =	ssyncset.done $0x0  }
0x58: {  	s26 =	sadd.s32 $0x1500, s28;
	[sflag:s19] =	ssyncadd.s32 $0xFFFFC000  }
0x59: {  	[spmem:s3] =	stream.indirect.scatter.add.f32 [tilespmem:s17], [sflag:$0x3], $0x80, s26, s16, $0xb8;
	[tilespmem:$0x1E800] =	vst v63  }
0x5a: {  	_ =	swait.ge [sflag:s20], $0x4000  }
0x5b: {  	[sflag:s20] =	ssyncset.done $0x0  }
0x5c: {  	s26 =	sadd.s32 $0x1580, s28;
	[sflag:s20] =	ssyncadd.s32 $0xFFFFC000  }
0x5d: {  	[spmem:s3] =	stream.indirect.scatter.add.f32 [tilespmem:s18], [sflag:$0x4], $0x80, s26, s16, $0xb8;
	[tilespmem:$0x1E800] =	vst v63  }
.Ltmp0:
0x5e: {  	_ =	swait.ge [sflag:s21], $0x4000;
	(pc) =	sbr.rel @p0 .LBB2_2-.Ltmp0, $4  }
0x5f: {  	[sflag:s21] =	ssyncset.done $0x0  }
0x60: {  	[sflag:s21] =	ssyncadd.s32 $0xFFFFC000  }
0x61: {  	_ =	swait.ge [sflag:s22], $0x4000  }
0x62: {  	s26 =	smov.u32 s25;
	[sflag:s22] =	ssyncset.done $0x0  }
0x63: {  	s24 =	sshra.s32 s24, $0x2;
	[sflag:s22] =	ssyncadd.s32 $0xFFFFC000  }
0x64: {  	[tilespmem:s17], [sflag:$0x1] =	stream.indirect.gather [hbm4b:s1+s16], $0x80, s24, s16, $0xb8;
	[tilespmem:$0x1E800] =	vst v63  }
0x65: {  	s25 =	sadd.s32 $0x80, s24  }
0x66: {  	[tilespmem:s18], [sflag:$0x2] =	stream.indirect.gather [hbm4b:s1+s16], $0x80, s25, s16, $0xb8;
	[tilespmem:$0x1E800] =	vst v63  }
0x67: {  	_ =	swait.ge [sflag:s19], $0x4000  }
0x68: {  	[sflag:s19] =	ssyncset.done $0x0  }
0x69: {  	s29 =	sadd.s32 $0x1400, s24;
	[sflag:s19] =	ssyncadd.s32 $0xFFFFC000  }
0x6a: {  	[spmem:s3] =	stream.indirect.scatter.add.f32 [tilespmem:s17], [sflag:$0x3], $0x80, s29, s16, $0xb8;
	[tilespmem:$0x1E800] =	vst v63  }
0x6b: {  	_ =	swait.ge [sflag:s20], $0x4000  }
0x6c: {  	[sflag:s20] =	ssyncset.done $0x0  }
0x6d: {  	s30 =	sadd.s32 $0x1480, s24;
	[sflag:s20] =	ssyncadd.s32 $0xFFFFC000  }
0x6e: {  	[spmem:s3] =	stream.indirect.scatter.add.f32 [tilespmem:s18], [sflag:$0x4], $0x80, s30, s16, $0xb8;
	[tilespmem:$0x1E800] =	vst v63  }
0x6f: {  	_ =	swait.ge [sflag:s21], $0x4000  }
0x70: {  	[sflag:s21] =	ssyncset.done $0x0  }
0x71: {  	s31 =	sadd.s32 $0x100, s24;
	[sflag:s21] =	ssyncadd.s32 $0xFFFFC000  }
0x72: {  	[tilespmem:s17], [sflag:$0x1] =	stream.indirect.gather [hbm4b:s1+s16], $0x80, s31, s16, $0xb8;
	[tilespmem:$0x1E800] =	vst v63  }
0x73: {  	_ =	swait.ge [sflag:s22], $0x4000  }
0x74: {  	[sflag:s22] =	ssyncset.done $0x0  }
0x75: {  	s26 =	sadd.s32 $0x180, s24;
	[sflag:s22] =	ssyncadd.s32 $0xFFFFC000  }
0x76: {  	[tilespmem:s18], [sflag:$0x2] =	stream.indirect.gather [hbm4b:s1+s16], $0x80, s26, s16, $0xb8;
	[tilespmem:$0x1E800] =	vst v63  }
0x77: {  	_ =	swait.ge [sflag:s19], $0x4000  }
0x78: {  	[sflag:s19] =	ssyncset.done $0x0  }
0x79: {  	s28 =	sadd.s32 $0x1500, s24;
	[sflag:s19] =	ssyncadd.s32 $0xFFFFC000  }
0x7a: {  	[spmem:s3] =	stream.indirect.scatter.add.f32 [tilespmem:s17], [sflag:$0x3], $0x80, s28, s16, $0xb8;
	[tilespmem:$0x1E800] =	vst v63  }
0x7b: {  	_ =	swait.ge [sflag:s20], $0x4000  }
0x7c: {  	[sflag:s20] =	ssyncset.done $0x0  }
0x7d: {  	s24 =	sadd.s32 $0x1580, s24;
	[sflag:s20] =	ssyncadd.s32 $0xFFFFC000  }
0x7e: {  	[spmem:s3] =	stream.indirect.scatter.add.f32 [tilespmem:s18], [sflag:$0x4], $0x80, s24, s16, $0xb8;
	[tilespmem:$0x1E800] =	vst v63  }
0x7f: {  	_ =	swait.ge [sflag:s21], $0x4000  }
0x80: {  	[sflag:s21] =	ssyncset.done $0x0  }
0x81: {  	[sflag:s21] =	ssyncadd.s32 $0xFFFFC000  }
0x82: {  	_ =	swait.ge [sflag:s22], $0x4000  }
0x83: {  	[sflag:s22] =	ssyncset.done $0x0  }
0x84: {  	s29 =	simm.s32 $0x0;
	[sflag:s22] =	ssyncadd.s32 $0xFFFFC000  }
0x85: {  	[tilespmem:s29], [sflag:$0x5] =	stream.linear.gather [hbm4b:s9+s29], $0x1400, $0x38;
	[tilespmem:$0x1E800] =	vst v63  }
0x86: {  	_ =	swait.ge [sflag:s14], $0x1400  }
0x87: {  	[sflag:s14] =	ssyncset.done $0x0  }
0x88: {  	[sflag:s14] =	ssyncadd.s32 $0xFFFFEC00  }
0x89: {  	[tilespmem:s15], [sflag:$0x5] =	stream.linear.gather [hbm4b:s10+s29], $0x1400, $0x38;
	[tilespmem:$0x1E800] =	vst v63  }
0x8a: {  	_ =	swait.ge [sflag:s14], $0x1400  }
0x8b: {  	[sflag:s14] =	ssyncset.done $0x0  }
0x8c: {  	s30 =	simm.s32 $0x0;
	[sflag:s14] =	ssyncadd.s32 $0xFFFFEC00  }
0x8d: {  	[tilespmem:s17], [sflag:$0x1] =	stream.indirect.gather [hbm4b:s1+s16], $0x80, s30, s16, $0xb8;
	[tilespmem:$0x1E800] =	vst v63  }
0x8e: {  	s31 =	simm.s32 $0x80  }
0x8f: {  	[tilespmem:s18], [sflag:$0x2] =	stream.indirect.gather [hbm4b:s1+s16], $0x80, s31, s16, $0xb8;
	[tilespmem:$0x1E800] =	vst v63  }
0x90: {  	_ =	swait.ge [sflag:s19], $0x4000  }
0x91: {  	[sflag:s19] =	ssyncset.done $0x0  }
0x92: {  	s25 =	simm.s32 $0x1400;
	[sflag:s19] =	ssyncadd.s32 $0xFFFFC000  }
0x93: {  	[spmem:s3] =	stream.indirect.scatter.add.f32 [tilespmem:s17], [sflag:$0x3], $0x80, s25, s16, $0xb8;
	[tilespmem:$0x1E800] =	vst v63  }
0x94: {  	_ =	swait.ge [sflag:s20], $0x4000  }
0x95: {  	[sflag:s20] =	ssyncset.done $0x0  }
0x96: {  	s26 =	simm.s32 $0x1480;
	[sflag:s20] =	ssyncadd.s32 $0xFFFFC000  }
0x97: {  	[spmem:s3] =	stream.indirect.scatter.add.f32 [tilespmem:s18], [sflag:$0x4], $0x80, s26, s16, $0xb8;
	[tilespmem:$0x1E800] =	vst v63  }
0x98: {  	_ =	swait.ge [sflag:s21], $0x4000  }
0x99: {  	[sflag:s21] =	ssyncset.done $0x0  }
0x9a: {  	s28 =	simm.s32 $0x100;
	[sflag:s21] =	ssyncadd.s32 $0xFFFFC000  }
0x9b: {  	[tilespmem:s17], [sflag:$0x1] =	stream.indirect.gather [hbm4b:s1+s16], $0x80, s28, s16, $0xb8;
	[tilespmem:$0x1E800] =	vst v63  }
0x9c: {  	_ =	swait.ge [sflag:s22], $0x4000  }
0x9d: {  	[sflag:s22] =	ssyncset.done $0x0  }
0x9e: {  	s29 =	simm.s32 $0x180;
	[sflag:s22] =	ssyncadd.s32 $0xFFFFC000  }
0x9f: {  	[tilespmem:s18], [sflag:$0x2] =	stream.indirect.gather [hbm4b:s1+s16], $0x80, s29, s16, $0xb8;
	[tilespmem:$0x1E800] =	vst v63  }
0xa0: {  	_ =	swait.ge [sflag:s19], $0x4000  }
0xa1: {  	[sflag:s19] =	ssyncset.done $0x0  }
0xa2: {  	s30 =	simm.s32 $0x1500;
	[sflag:s19] =	ssyncadd.s32 $0xFFFFC000  }
0xa3: {  	[spmem:s3] =	stream.indirect.scatter.add.f32 [tilespmem:s17], [sflag:$0x3], $0x80, s30, s16, $0xb8;
	[tilespmem:$0x1E800] =	vst v63  }
0xa4: {  	_ =	swait.ge [sflag:s20], $0x4000  }
0xa5: {  	[sflag:s20] =	ssyncset.done $0x0  }
0xa6: {  	s31 =	simm.s32 $0x1580;
	[sflag:s20] =	ssyncadd.s32 $0xFFFFC000  }
0xa7: {  	[spmem:s3] =	stream.indirect.scatter.add.f32 [tilespmem:s18], [sflag:$0x4], $0x80, s31, s16, $0xb8;
	[tilespmem:$0x1E800] =	vst v63  }
0xa8: {  	_ =	swait.ge [sflag:s21], $0x4000  }
0xa9: {  	[sflag:s21] =	ssyncset.done $0x0  }
0xaa: {  	[sflag:s21] =	ssyncadd.s32 $0xFFFFC000  }
0xab: {  	_ =	swait.ge [sflag:s22], $0x4000  }
0xac: {  	s24 =	simm.s32 $0x800;
	s26 =	simm.s32 $0x1000;
	[sflag:s22] =	ssyncset.done $0x0  }
.LBB2_4:
0xad: {  	s28 =	sshra.s32 s24, $0x2  }
0xae: {  	[sflag:s22] =	ssyncadd.s32 $0xFFFFC000;
	s24 =	smov.u32 s26;
	s25 =	sadd.s32 $0x800, s26  }
0xaf: {  	[tilespmem:s17], [sflag:$0x1] =	stream.indirect.gather [hbm4b:s1+s16], $0x80, s28, s16, $0xb8;
	[tilespmem:$0x1E800] =	vst v63  }
0xb0: {  	p0 =	sne.s32 s26, $0x4800;
	s26 =	sadd.s32 $0x80, s28  }
0xb1: {  	[tilespmem:s18], [sflag:$0x2] =	stream.indirect.gather [hbm4b:s1+s16], $0x80, s26, s16, $0xb8;
	[tilespmem:$0x1E800] =	vst v63  }
0xb2: {  	_ =	swait.ge [sflag:s19], $0x4000  }
0xb3: {  	[sflag:s19] =	ssyncset.done $0x0  }
0xb4: {  	s26 =	sadd.s32 $0x1400, s28;
	[sflag:s19] =	ssyncadd.s32 $0xFFFFC000  }
0xb5: {  	[spmem:s3] =	stream.indirect.scatter.add.f32 [tilespmem:s17], [sflag:$0x3], $0x80, s26, s16, $0xb8;
	[tilespmem:$0x1E800] =	vst v63  }
0xb6: {  	_ =	swait.ge [sflag:s20], $0x4000  }
0xb7: {  	[sflag:s20] =	ssyncset.done $0x0  }
0xb8: {  	s26 =	sadd.s32 $0x1480, s28;
	[sflag:s20] =	ssyncadd.s32 $0xFFFFC000  }
0xb9: {  	[spmem:s3] =	stream.indirect.scatter.add.f32 [tilespmem:s18], [sflag:$0x4], $0x80, s26, s16, $0xb8;
	[tilespmem:$0x1E800] =	vst v63  }
0xba: {  	_ =	swait.ge [sflag:s21], $0x4000  }
0xbb: {  	[sflag:s21] =	ssyncset.done $0x0  }
0xbc: {  	s26 =	sadd.s32 $0x100, s28;
	[sflag:s21] =	ssyncadd.s32 $0xFFFFC000  }
0xbd: {  	[tilespmem:s17], [sflag:$0x1] =	stream.indirect.gather [hbm4b:s1+s16], $0x80, s26, s16, $0xb8;
	[tilespmem:$0x1E800] =	vst v63  }
0xbe: {  	_ =	swait.ge [sflag:s22], $0x4000  }
0xbf: {  	[sflag:s22] =	ssyncset.done $0x0  }
0xc0: {  	s26 =	sadd.s32 $0x180, s28;
	[sflag:s22] =	ssyncadd.s32 $0xFFFFC000  }
0xc1: {  	[tilespmem:s18], [sflag:$0x2] =	stream.indirect.gather [hbm4b:s1+s16], $0x80, s26, s16, $0xb8;
	[tilespmem:$0x1E800] =	vst v63  }
0xc2: {  	_ =	swait.ge [sflag:s19], $0x4000  }
0xc3: {  	[sflag:s19] =	ssyncset.done $0x0  }
0xc4: {  	s26 =	sadd.s32 $0x1500, s28;
	[sflag:s19] =	ssyncadd.s32 $0xFFFFC000  }
0xc5: {  	[spmem:s3] =	stream.indirect.scatter.add.f32 [tilespmem:s17], [sflag:$0x3], $0x80, s26, s16, $0xb8;
	[tilespmem:$0x1E800] =	vst v63  }
0xc6: {  	_ =	swait.ge [sflag:s20], $0x4000  }
0xc7: {  	[sflag:s20] =	ssyncset.done $0x0  }
0xc8: {  	s26 =	sadd.s32 $0x1580, s28;
	[sflag:s20] =	ssyncadd.s32 $0xFFFFC000  }
0xc9: {  	[spmem:s3] =	stream.indirect.scatter.add.f32 [tilespmem:s18], [sflag:$0x4], $0x80, s26, s16, $0xb8;
	[tilespmem:$0x1E800] =	vst v63  }
.Ltmp1:
0xca: {  	_ =	swait.ge [sflag:s21], $0x4000;
	(pc) =	sbr.rel @p0 .LBB2_4-.Ltmp1, $4  }
0xcb: {  	[sflag:s21] =	ssyncset.done $0x0  }
0xcc: {  	[sflag:s21] =	ssyncadd.s32 $0xFFFFC000  }
0xcd: {  	_ =	swait.ge [sflag:s22], $0x4000  }
0xce: {  	s26 =	smov.u32 s25;
	[sflag:s22] =	ssyncset.done $0x0  }
0xcf: {  	s24 =	sshra.s32 s24, $0x2;
	[sflag:s22] =	ssyncadd.s32 $0xFFFFC000  }
0xd0: {  	[tilespmem:s17], [sflag:$0x1] =	stream.indirect.gather [hbm4b:s1+s16], $0x80, s24, s16, $0xb8;
	[tilespmem:$0x1E800] =	vst v63  }
0xd1: {  	s25 =	sadd.s32 $0x80, s24  }
0xd2: {  	[tilespmem:s18], [sflag:$0x2] =	stream.indirect.gather [hbm4b:s1+s16], $0x80, s25, s16, $0xb8;
	[tilespmem:$0x1E800] =	vst v63  }
0xd3: {  	_ =	swait.ge [sflag:s19], $0x4000  }
0xd4: {  	[sflag:s19] =	ssyncset.done $0x0  }
0xd5: {  	s26 =	sadd.s32 $0x1400, s24;
	[sflag:s19] =	ssyncadd.s32 $0xFFFFC000  }
0xd6: {  	[spmem:s3] =	stream.indirect.scatter.add.f32 [tilespmem:s17], [sflag:$0x3], $0x80, s26, s16, $0xb8;
	[tilespmem:$0x1E800] =	vst v63  }
0xd7: {  	_ =	swait.ge [sflag:s20], $0x4000  }
0xd8: {  	[sflag:s20] =	ssyncset.done $0x0  }
0xd9: {  	s28 =	sadd.s32 $0x1480, s24;
	[sflag:s20] =	ssyncadd.s32 $0xFFFFC000  }
0xda: {  	[spmem:s3] =	stream.indirect.scatter.add.f32 [tilespmem:s18], [sflag:$0x4], $0x80, s28, s16, $0xb8;
	[tilespmem:$0x1E800] =	vst v63  }
0xdb: {  	_ =	swait.ge [sflag:s21], $0x4000  }
0xdc: {  	[sflag:s21] =	ssyncset.done $0x0  }
0xdd: {  	s29 =	sadd.s32 $0x100, s24;
	[sflag:s21] =	ssyncadd.s32 $0xFFFFC000  }
0xde: {  	[tilespmem:s17], [sflag:$0x1] =	stream.indirect.gather [hbm4b:s1+s16], $0x80, s29, s16, $0xb8;
	[tilespmem:$0x1E800] =	vst v63  }
0xdf: {  	_ =	swait.ge [sflag:s22], $0x4000  }
0xe0: {  	[sflag:s22] =	ssyncset.done $0x0  }
0xe1: {  	s30 =	sadd.s32 $0x180, s24;
	[sflag:s22] =	ssyncadd.s32 $0xFFFFC000  }
0xe2: {  	[tilespmem:s18], [sflag:$0x2] =	stream.indirect.gather [hbm4b:s1+s16], $0x80, s30, s16, $0xb8;
	[tilespmem:$0x1E800] =	vst v63  }
0xe3: {  	_ =	swait.ge [sflag:s19], $0x4000  }
0xe4: {  	[sflag:s19] =	ssyncset.done $0x0  }
0xe5: {  	s31 =	sadd.s32 $0x1500, s24;
	[sflag:s19] =	ssyncadd.s32 $0xFFFFC000  }
0xe6: {  	[spmem:s3] =	stream.indirect.scatter.add.f32 [tilespmem:s17], [sflag:$0x3], $0x80, s31, s16, $0xb8;
	[tilespmem:$0x1E800] =	vst v63  }
0xe7: {  	_ =	swait.ge [sflag:s20], $0x4000  }
0xe8: {  	[sflag:s20] =	ssyncset.done $0x0  }
0xe9: {  	s24 =	sadd.s32 $0x1580, s24;
	[sflag:s20] =	ssyncadd.s32 $0xFFFFC000  }
0xea: {  	[spmem:s3] =	stream.indirect.scatter.add.f32 [tilespmem:s18], [sflag:$0x4], $0x80, s24, s16, $0xb8;
	[tilespmem:$0x1E800] =	vst v63  }
0xeb: {  	_ =	swait.ge [sflag:s21], $0x4000  }
0xec: {  	[sflag:s21] =	ssyncset.done $0x0  }
0xed: {  	[sflag:s21] =	ssyncadd.s32 $0xFFFFC000  }
0xee: {  	_ =	swait.ge [sflag:s22], $0x4000  }
0xef: {  	s23 =	sadd.s32 $0x1, s23;
	[sflag:s22] =	ssyncset.done $0x0  }
0xf0: {  	p0 =	sne.s32 s23, s12;
	[sflag:s22] =	ssyncadd.s32 $0xFFFFC000  }
.Ltmp2:
0xf1: {  	[bflag:$0x0] =	sbarrier.arrive $0xFFFF;
	(pc) =	sbr.rel @p0 .LBB2_1-.Ltmp2, $4  }
0xf2: {  	[hbm:s11], [sflag:s6] =	dma.local [spmem:s13], $0x2800  }
0xf3: {  	_ =	swait.ge [sflag:s14], $0x2800  }
0xf4: {  	[sflag:s14] =	ssyncset.done $0x0  }
0xf5: {  	[sflag:s14] =	ssyncadd.s32 $0xFFFFD800  }
0xf6: {  	_ =	sfence.sel $0x180000  }
0xf7: {  	[bflag:$0x0] =	sbarrier.arrive $0xFFFF  }
0xf8: {  	p0 =	sne.s32 s4, $0x0;
	_ =	strace $0x9000004D  }
0xf9: {  	s0 =	sadd.s32 @!p0 $0x100000, s0;
	[bflag:$0x2] =	sbarrier.arrive $0xFFFF  }
0xfa: {  	[sflag:s0] =	ssyncadd.tile.s32 @!p0 $0x1;
	_ =	shalt  }
.Lfunc_end2:
_tile_overlayer_lowered:
.L_overlay_start_2:
0xfb: {  	(tag) =	ssettag $0x2  }
0xfc: {  	s0 =	rddreg [dreg:$0x0];
	s2 =	stileid.u32  }
0xfd: {  	s1 =	rddreg [dreg:$0x1];
	p0 =	sne.s32 s2, $0x0  }
0xfe: {  	s3 =	rddreg [dreg:$0x2];
	[bflag:$0x3] =	sbarrier.arrive $0xFFFF;
	s2 =	simm.s32 @!p0 $0x1C05  }
0xff: {  	[timem:s3], [sflag:s2] =	dma.local @!p0 [hbm:s0], s1  }
0x100: {  	s0 =	simm.s32 @!p0 $0x5  }
0x101: {  	_ =	swait.ge @!p0 [sflag:s0], s1  }
0x102: {  	s1 =	ssub.s32 @!p0 $0x0, s1;
	[sflag:s0] =	ssyncset.done @!p0 $0x0  }
0x103: {  	[sflag:s0] =	ssyncadd.s32 @!p0 s1  }
0x104: {  	[bflag:$0x3] =	sbarrier.arrive $0xFFFF  }
0x105: {  	_ =	shalt  }

// kernel: kernel.9.cloned.1.call-start
scs
__scs_entry_jumppad:
0x0: {  	(pc) =	sbr.rel $0x88, $3  }
0x1: {  	(tag) =	ssettag $0x0;
	lr =	simm.s32 $0x1  }
0x2: {  	[smem:$0x3F96] =	sst lr;
	_ =	strace $0xD0000000  }
0x3: {  	_ = 	snop  }
0x4: {  	_ = 	snop  }
0x5: {  	_ = 	snop  }
0x6: {  	_ = 	snop  }
0x7: {  	_ = 	snop  }
__scs_overlays_trampoline_lowered:
0x8: {  	[smem:$0x3FA5] =	sst s0  }
0x9: {  	[smem:$0x3FA6] =	sst s1  }
0xa: {  	[smem:$0x3FA7] =	sst s2  }
0xb: {  	[smem:$0x3FA8] =	sst s3  }
0xc: {  	[smem:$0x3FA9] =	sst s4  }
0xd: {  	[smem:$0x3FAA] =	sst s5  }
0xe: {  	[smem:$0x3FAB] =	sst s6  }
0xf: {  	[smem:$0x3FAC] =	sst s7  }
0x10: {  	[smem:$0x3FAD] =	sst s8  }
0x11: {  	[smem:$0x3FAE] =	sst s9;
	s0 =	simm.s32 @!p0 $0x0  }
0x12: {  	s1 =	sld [smem:$0x3F94];
	s0 =	simm.s32 @p0 $0x1  }
0x13: {  	[smem:$0x3FAF] =	sst s0;
	s0 =	simm.s32 @!p1 $0x0  }
0x14: {  	s2 =	sld [smem:$0x3F93];
	s0 =	simm.s32 @p1 $0x1  }
0x15: {  	[smem:$0x3FB0] =	sst s0;
	s0 =	simm.s32 @!p2 $0x0  }
0x16: {  	s3 =	sld [smem:$0x3FDB];
	s0 =	simm.s32 @p2 $0x1  }
0x17: {  	s4 =	simm.s32 $0x1BF5;
	[smem:$0x3FB2] =	sst s0  }
0x18: {  	s0 =	sld [smem:$0x3F95];
	_ =	swait.ge [sflag:s4], $0x0  }
0x19: {  	s7 =	sld [smem:$0x3F96]  }
0x1a: {  	s8 =	sadd.s32 $0xFFFFE003, lr  }
0x1b: {  	s9 =	sadd.s32 $0xFFFFFEF7, lr;
	s5 =	simm.s32 $0xFFFFFFFF;
	p2 =	slt.u32 s8, $0xFFFFF086  }
0x1c: {  	p1 =	slt.u32 s9, $0xF7A;
	s5 =	simm.s32 @!p2 $0x0  }
0x1d: {  	s5 =	simm.s32 @p1 $0x1;
	p0 =	seq.s32 s7, s2  }
0x1e: {  	s7 =	smul.u32 @!p0 $0xF7A, s2;
	p2 =	seq.s32 @!p0 s5, $0x0  }
0x1f: {  	s9 =	smul.u32 $0xF7A, s1;
	s8 =	simm.s32 @!p0 $0x1BF5;
	p2 =	por !p2, p0  }
0x20: {  	[sflag:s8] =	ssyncset.s32 @!p0 $0xFFFFF086;
	s6 =	sadd.s32 @!p0 s3, s7;
	s7 =	simm.s32 @!p0 $0x108  }
0x21: {  	s3 =	sadd.s32 s3, s9;
	s6 =	sadd.s32 @!p0 $0x88, s6;
	s7 =	simm.s32 @p2 $0x1082  }
0x22: {  	[simem:s7], [sflag:s8] =	dma.local @!p0 [hbm:s6], $0xF7A  }
0x23: {  	s9 =	sor.u32 $0xD0000000, s2;
	s6 =	simm.s32 $0x108;
	_ =	swait.ge @!p0 [sflag:s8], $0x0  }
0x24: {  	s3 =	sadd.s32 $0x88, s3;
	s6 =	simm.s32 @!p1 $0x1082;
	[sflag:s4] =	ssyncset.s32 $0xFFFFF086  }
0x25: {  	[simem:s6], [sflag:s4] =	dma.local [hbm:s3], $0xF7A  }
0x26: {  	[smem:$0x3F96] =	sst s1;
	(tag) =	ssettag s2;
	_ =	strace s9  }
0x27: {  	s1 =	sld [smem:$0x3FA6]  }
0x28: {  	s2 =	sld [smem:$0x3FA7]  }
0x29: {  	s4 =	sld [smem:$0x3FA9]  }
0x2a: {  	p0 =	seq.s32 s5, $0x0;
	s5 =	sld [smem:$0x3FAA]  }
0x2b: {  	s6 =	sld [smem:$0x3FAB]  }
0x2c: {  	s7 =	sld [smem:$0x3FAC]  }
0x2d: {  	s3 =	simm.s32 $0x108;
	s8 =	sld [smem:$0x3FAD]  }
0x2e: {  	s3 =	simm.s32 @!p0 $0x1082;
	s9 =	sld [smem:$0x3FAE]  }
0x2f: {  	lr =	sadd.s32 s0, s3;
	s0 =	sld [smem:$0x3FA5]  }
0x30: {  	s3 =	sld [smem:$0x3FA8]  }
0x31: {  	[smem:$0x3FB1] =	sst s10  }
0x32: {  	s10 =	sld [smem:$0x3FAF];
	_ =	sdelay $0x3  }
0x33: {  	p0 =	seq.s32 s10, $0x1;
	s10 =	sld [smem:$0x3FB1];
	_ =	sdelay $0x3  }
0x34: {  	[smem:$0x3FB1] =	sst s10  }
0x35: {  	s10 =	sld [smem:$0x3FB0];
	_ =	sdelay $0x3  }
0x36: {  	p1 =	seq.s32 s10, $0x1;
	s10 =	sld [smem:$0x3FB1];
	_ =	sdelay $0x3  }
0x37: {  	[smem:$0x3FB1] =	sst s10  }
0x38: {  	s10 =	sld [smem:$0x3FB2]  }
0x39: {  	_ = 	snop;
	(pc) =	sbr.ind lr, $3  }
0x3a: {  	_ = 	snop  }
0x3b: {  	_ = 	snop  }
0x3c: {  	p2 =	seq.s32 s10, $0x1;
	s10 =	sld [smem:$0x3FB1]  }
0x3d: {  	_ =	shalt  }
0x3e: {  	_ =	shalt  }
0x3f: {  	_ =	shalt  }
0x40: {  	_ =	shalt  }
0x41: {  	_ =	shalt  }
0x42: {  	_ =	shalt  }
0x43: {  	_ =	shalt  }
0x44: {  	_ =	shalt  }
0x45: {  	_ =	shalt  }
0x46: {  	_ =	shalt  }
0x47: {  	_ =	shalt  }
0x48: {  	_ =	shalt  }
0x49: {  	_ =	shalt  }
0x4a: {  	_ =	shalt  }
0x4b: {  	_ =	shalt  }
0x4c: {  	_ =	shalt  }
0x4d: {  	_ =	shalt  }
0x4e: {  	_ =	shalt  }
0x4f: {  	_ =	shalt  }
0x50: {  	_ =	shalt  }
0x51: {  	_ =	shalt  }
0x52: {  	_ =	shalt  }
0x53: {  	_ =	shalt  }
0x54: {  	_ =	shalt  }
0x55: {  	_ =	shalt  }
0x56: {  	_ =	shalt  }
0x57: {  	_ =	shalt  }
0x58: {  	_ =	shalt  }
0x59: {  	_ =	shalt  }
0x5a: {  	_ =	shalt  }
0x5b: {  	_ =	shalt  }
0x5c: {  	_ =	shalt  }
0x5d: {  	_ =	shalt  }
0x5e: {  	_ =	shalt  }
0x5f: {  	_ =	shalt  }
0x60: {  	_ =	shalt  }
0x61: {  	_ =	shalt  }
0x62: {  	_ =	shalt  }
0x63: {  	_ =	shalt  }
0x64: {  	_ =	shalt  }
0x65: {  	_ =	shalt  }
0x66: {  	_ =	shalt  }
0x67: {  	_ =	shalt  }
0x68: {  	_ =	shalt  }
0x69: {  	_ =	shalt  }
0x6a: {  	_ =	shalt  }
0x6b: {  	_ =	shalt  }
0x6c: {  	_ =	shalt  }
0x6d: {  	_ =	shalt  }
0x6e: {  	_ =	shalt  }
0x6f: {  	_ =	shalt  }
0x70: {  	_ =	shalt  }
0x71: {  	_ =	shalt  }
0x72: {  	_ =	shalt  }
0x73: {  	_ =	shalt  }
0x74: {  	_ =	shalt  }
0x75: {  	_ =	shalt  }
0x76: {  	_ =	shalt  }
0x77: {  	_ =	shalt  }
0x78: {  	_ =	shalt  }
0x79: {  	_ =	shalt  }
0x7a: {  	_ =	shalt  }
0x7b: {  	_ =	shalt  }
0x7c: {  	_ =	shalt  }
0x7d: {  	_ =	shalt  }
0x7e: {  	_ =	shalt  }
0x7f: {  	_ =	shalt  }
0x80: {  	_ =	shalt  }
0x81: {  	_ =	shalt  }
0x82: {  	_ =	shalt  }
0x83: {  	_ =	shalt  }
0x84: {  	_ =	shalt  }
0x85: {  	_ =	shalt  }
0x86: {  	_ =	shalt  }
0x87: {  	_ =	shalt  }
.Lfunc_end0:
.L_simem_size_0:
called_computation_lowered:
.L_overlay_start_0:
0x88: {  	s2 =	sld [smem:$0x3FD9]  }
0x89: {  	s3 =	sld [smem:$0x3FFE];
	_ =	sdelay $0x1  }
0x8a: {  	s1 =	srdreg.scid  }
0x8b: {  	s0 =	sand.u32 $0x1, s1  }
0x8c: {  	s14 =	sshll.u32 s0, $0xA;
	s2 =	sadd.s32 s3, s2  }
0x8d: {  	s2 =	sadd.s32 s2, s14  }
0x8e: {  	[smem:$0x3FBD] =	sst s2  }
0x8f: {  	_ = 	snop  }
0x90: {  	s2 =	sld [smem:$0x3FD0];
	_ =	sdelay $0x2  }
0x91: {  	s15 =	simm.s32 $0xA;
	s4 =	simm.s32 $0x10  }
0x92: {  	[smem:s4], [sflag:s15] =	dma.local [hbm:s2], $0x1  }
0x93: {  	_ =	swait.eq [sflag:s15], $0x1  }
0x94: {  	s16 =	sld [smem:$0x10];
	[sflag:s15] =	ssyncset.done $0x0  }
0x95: {  	s17 =	sld [smem:$0x12];
	[sflag:s15] =	ssyncadd.s32 $0xFFFFFFFF  }
0x96: {  	s18 =	sld [smem:$0x13];
	(tm) =	ssettm $0x1  }
0x97: {  	s5 =	sld [smem:$0x3FFB];
	_ =	sdelay $0x3  }
0x98: {  	_ =	strace s5  }
0x99: {  	s5 =	sld [smem:$0x3FFC];
	_ =	sdelay $0x3  }
0x9a: {  	_ =	strace s5  }
0x9b: {  	s5 =	sld [smem:$0x3FFD];
	_ =	sdelay $0x3  }
0x9c: {  	_ =	strace s5  }
0x9d: {  	_ =	strace $0x8FFFFFFF  }
0x9e: {  	s19 =	sld [smem:$0x3FDB];
	_ =	sdelay $0x1  }
0x9f: {  	s6 =	simm.s32 $_scs_section_size  }
0xa0: {  	s7 =	simm.s32 $_size__tile_overlayer_lowered;
	s8 =	simm.s32 $_tile_overlayer_lowered  }
0xa1: {  	s22 =	simm.s32 $0x1BFF;
	s21 =	sshll.u32 s8, $0x1;
	s5 =	sadd.s32 s6, s19  }
0xa2: {  	s9 =	simm.s32 $0x0;
	s20 =	sshll.u32 s7, $0x1;
	s7 =	sadd.s32 s21, s5  }
0xa3: {  	[timem:s9], [sflag:s22] =	dma.local [hbm:s7], s20  }
0xa4: {  	_ =	swait.ge [sflag:s22], s20  }
0xa5: {  	s6 =	ssub.s32 $0x0, s20;
	[sflag:s22] =	ssyncset.done $0x0  }
0xa6: {  	[sflag:s22] =	ssyncadd.s32 s6;
	_ =	sdelay $0x1  }
0xa7: {  	s23 =	simm.s32 $0x1B8B  }
0xa8: {  	_ =	swait.ge [sflag:s23], $0x1  }
0xa9: {  	[sflag:s23] =	ssyncset.done $0x0  }
0xaa: {  	s25 =	simm.s32 $0x1B8E;
	s24 =	sld [smem:$0x3FFE];
	[sflag:s23] =	ssyncadd.s32 $0xFFFFFFFF  }
0xab: {  	s26 =	simm.s32 $execute0_lowered;
	[smem:$0x3FD2] =	sst s25  }
0xac: {  	s7 =	sshll.u32 s26, $0x1;
	_ =	strace $0x80000046;
	[dreg:$0x1] =	wrdreg $0xFFFFFFFF  }
0xad: {  	s28 =	simm.s32 $_size_execute0_lowered;
	s5 =	sadd.s32 s5, s7;
	[dreg:$0x0] =	wrdreg $0x0  }
0xae: {  	s7 =	sshll.u32 s28, $0x1;
	[dreg:$0x2] =	wrdreg s5  }
0xaf: {  	[dreg:$0x3] =	wrdreg s7  }
0xb0: {  	[dreg:$0x4] =	wrdreg $0xC0  }
0xb1: {  	_ =	task [dreg:s9], $0x5FFFF  }
0xb2: {  	[dreg:$0x1] =	wrdreg $0xFFFFFFFF  }
0xb3: {  	[dreg:$0x0] =	wrdreg $0x60  }
0xb4: {  	[dreg:$0x2] =	wrdreg s24  }
0xb5: {  	[dreg:$0x3] =	wrdreg s17  }
0xb6: {  	[dreg:$0x4] =	wrdreg s18  }
0xb7: {  	[dreg:$0x5] =	wrdreg s16  }
0xb8: {  	[dreg:$0x6] =	wrdreg $0x68000  }
0xb9: {  	[dreg:$0x7] =	wrdreg $0x9  }
0xba: {  	_ =	task.clear_ibuf [dreg:s9], $0x8FFFF;
	_ =	strace $0x90000046  }
0xbb: {  	s29 =	simm.s32 $0x9;
	_ =	strace $0x80000048  }
0xbc: {  	_ =	swait.ge [sflag:s29], $0x1  }
0xbd: {  	[sflag:s29] =	ssyncadd.s32 $0xFFFFFFFF  }
0xbe: {  	_ =	strace $0x90000048  }
0xbf: {  	_ =	sfence  }
0xc0: {  	s30 =	sld [smem:$0x0];
	_ =	sdelay $0x2  }
0xc1: {  	s31 =	sshll.u32 s1, $0xD;
	s1 =	sshrl.u32 s1, $0x2  }
0xc2: {  	s3 =	sand.u32 $0x4000, s31;
	s1 =	sadd.s32 s1, s30  }
0xc3: {  	s0 =	sor.u32 s3, s0;
	s1 =	sshll.u32 s1, $0x11  }
0xc4: {  	s0 =	sor.u32 s1, s0  }
0xc5: {  	s0 =	sadd.s32 $0x8F2B, s0  }
0xc6: {  	[sflag:s0] =	ssyncadd.remote.s32 $0x1  }
0xc7: {  	_ =	sfence.sel $0xFFFF  }
0xc8: {  	[dreg:$0x0] =	wrdreg $0xFFFFFFFF;
	(pc) =	sbr.abs _section_cstart, $3  }
0xc9: {  	[dreg:$0x1] =	wrdreg $0xFFFFFFFF  }
0xca: {  	_ =	task.clear_ibuf [dreg:s9], $0x2FFFF;
	_ =	strace $0x9FFFFFFF  }
0xcb: {  	(tm) =	ssettm $0x7FFFFFFF  }
tec
execute0_lowered:
.L_overlay_start_1:
0x0: {  	(tag) =	ssettag $0x1  }
0x1: {  	s6 =	rddreg [dreg:$0x0]  }
0x2: {  	s1 =	rddreg [dreg:$0x1]  }
0x3: {  	s3 =	rddreg [dreg:$0x2]  }
0x4: {  	s8 =	rddreg [dreg:$0x3]  }
0x5: {  	s0 =	srdreg.scid;
	s4 =	rddreg [dreg:$0x4]  }
0x6: {  	s5 =	simm.s32 $0x0;
	s7 =	sand.u32 $0x1, s0;
	s0 =	stileid.u32  }
0x7: {  	s13 =	simm.s32 $0x80;
	s14 =	simm.s32 $0x0;
	s10 =	smul.u32 $0x50000, s0  }
0x8: {  	[smem:$0x7FF] =	sst s5;
	s2 =	sshll.u32 s7, $0x4;
	s11 =	smul.u32 $0x140000, s7  }
0x9: {  	s7 =	ssub.s32 $0x2, s7;
	s12 =	smul.u32 $0x14000, s0;
	s2 =	sor.u32 s0, s2  }
0xa: {  	s31 =	sshll.u32 s0, $0x6;
	s25 =	sshrl.u32 s7, $0x1;
	s9 =	smul.u32 $0x500, s2  }
0xb: {  	s2 =	rddreg [dreg:$0x5];
	_ =	strace $0x80000047;
	s26 =	sshrl.u32 s10, $0x2  }
0xc: {  	s28 =	sadd.s32 s12, s11;
	s10 =	simm.s32 $0x1;
	s11 =	sor.u32 $0x1C01, s31  }
0xd: {  	s29 =	sadd.s32 s26, s4;
	s30 =	sshrl.u32 s28, $0x3;
	s6 =	sadd.s32 s9, s6  }
0xe: {  	s9 =	ssub.s32 s7, s25;
	s7 =	sadd.s32 s8, s30;
	s12 =	sshrl.u32 s29, $0x3  }
0xf: {  	s6 =	sadd.s32 $0xD200, s6;
	s8 =	smax.u32 s9, $0x1;
	s9 =	simm.s32 $0x2800  }
.LBB2_1:
0x10: {  	[tilespmem:s9], [sflag:$0x1] =	stream.linear.gather [hbm4b:s1+s5], $0x4000, $0x38;
	[tilespmem:$0x1A800] =	vst v63  }
0x11: {  	_ =	swait.ge [sflag:s10], $0x4000  }
0x12: {  	[sflag:s10] =	ssyncset.done $0x0  }
0x13: {  	[sflag:s10] =	ssyncadd.s32 $0xFFFFC000  }
0x14: {  	[tilespmem:s5], [sflag:$0x1] =	stream.linear.gather [hbm4b:s6+s5], $0x2800, $0x38;
	[tilespmem:$0x1A800] =	vst v63  }
0x15: {  	_ =	swait.ge [sflag:s10], $0x2800  }
0x16: {  	[sflag:s10] =	ssyncset.done $0x0  }
0x17: {  	[sflag:s10] =	ssyncadd.s32 $0xFFFFD800  }
0x18: {  	[spmem:s12], [sflag:s11] =	dma.local [hbm:s3], $0x2800  }
0x19: {  	_ =	swait.ge [sflag:s10], $0x2800  }
0x1a: {  	[sflag:s10] =	ssyncset.done $0x0  }
0x1b: {  	[sflag:s10] =	ssyncadd.s32 $0xFFFFD800  }
0x1c: {  	s15 =	simm.s32 $0x0;
	[bflag:$0x0] =	sbarrier.arrive $0xFFFF  }
0x1d: {  	[spmem:s4] =	stream.indirect.scatter.add.f32 [tilespmem:s9], [sflag:$0x1], $0x80, s15, s13, $0xb8;
	[tilespmem:$0x1A800] =	vst v63  }
0x1e: {  	_ =	swait.ge [sflag:s10], $0x4000  }
0x1f: {  	s15 =	simm.s32 $0x200;
	[sflag:s10] =	ssyncset.done $0x0  }
.LBB2_2:
0x20: {  	s16 =	sshra.s32 s15, $0x2;
	[sflag:s10] =	ssyncadd.s32 $0xFFFFC000;
	p0 =	sne.s32 s15, $0x9E00  }
0x21: {  	[spmem:s4] =	stream.indirect.scatter.add.f32 [tilespmem:s9], [sflag:$0x1], $0x80, s16, s13, $0xb8;
	[tilespmem:$0x1A800] =	vst v63  }
.Ltmp0:
0x22: {  	_ = 	snop;
	(pc) =	sbr.rel @p0 .LBB2_2-.Ltmp0, $4  }
0x23: {  	_ = 	snop  }
0x24: {  	s15 =	sadd.s32 $0x200, s15  }
0x25: {  	_ =	swait.ge [sflag:s10], $0x4000  }
0x26: {  	[sflag:s10] =	ssyncset.done $0x0  }
0x27: {  	s14 =	sadd.s32 $0x1, s14  }
0x28: {  	[sflag:s10] =	ssyncadd.s32 $0xFFFFC000;
	p0 =	sne.s32 s14, s8  }
.Ltmp1:
0x29: {  	[bflag:$0x0] =	sbarrier.arrive $0xFFFF;
	(pc) =	sbr.rel @p0 .LBB2_1-.Ltmp1, $4  }
0x2a: {  	[hbm:s7], [sflag:s11] =	dma.local [spmem:s12], $0x2800  }
0x2b: {  	_ =	swait.ge [sflag:s10], $0x2800  }
0x2c: {  	[sflag:s10] =	ssyncset.done $0x0  }
0x2d: {  	[sflag:s10] =	ssyncadd.s32 $0xFFFFD800  }
0x2e: {  	_ =	sfence.sel $0x180000  }
0x2f: {  	[bflag:$0x0] =	sbarrier.arrive $0xFFFF  }
0x30: {  	p0 =	sne.s32 s0, $0x0;
	_ =	strace $0x90000047  }
0x31: {  	s0 =	sadd.s32 @!p0 $0x100000, s2;
	[bflag:$0x2] =	sbarrier.arrive $0xFFFF  }
0x32: {  	[sflag:s0] =	ssyncadd.tile.s32 @!p0 $0x1;
	_ =	shalt  }
.Lfunc_end2:
_tile_overlayer_lowered:
.L_overlay_start_2:
0x33: {  	(tag) =	ssettag $0x2  }
0x34: {  	s0 =	rddreg [dreg:$0x0];
	s2 =	stileid.u32  }
0x35: {  	s1 =	rddreg [dreg:$0x1];
	p0 =	sne.s32 s2, $0x0  }
0x36: {  	s3 =	rddreg [dreg:$0x2];
	[bflag:$0x3] =	sbarrier.arrive $0xFFFF;
	s2 =	simm.s32 @!p0 $0x1C01  }
0x37: {  	[timem:s3], [sflag:s2] =	dma.local @!p0 [hbm:s0], s1  }
0x38: {  	s0 =	simm.s32 @!p0 $0x1  }
0x39: {  	_ =	swait.ge @!p0 [sflag:s0], s1  }
0x3a: {  	s1 =	ssub.s32 @!p0 $0x0, s1;
	[sflag:s0] =	ssyncset.done @!p0 $0x0  }
0x3b: {  	[sflag:s0] =	ssyncadd.s32 @!p0 s1  }
0x3c: {  	[bflag:$0x3] =	sbarrier.arrive $0xFFFF  }
0x3d: {  	_ =	shalt  }

</sc_bundles>
